<compile_context>
chip_gen: v7x
topology: tpu7x:2x2x1
jax: 0.10.2.dev20260603
libtpu: 0.0.44.dev20260713+nightly
codegen_flags: <defaults>
</compile_context>

<pallas_src>
import functools
import math

import jax
import jax.numpy as jnp
import numpy as np
from jax import lax
from jax.experimental import pallas as pl
from jax.experimental.pallas import tpu as pltpu
from jax.experimental.pallas import tpu_sc as plsc

VOCAB = 100000
HIDDEN = 128
BASE = 10000.0
EPS = 1e-8
B, S = 4, 8192
N = B * S

MEAN_FREQ = float(np.mean(np.reciprocal(np.arange(1, VOCAB + 1, dtype=np.float32))))

NC, NS, L = 2, 16, 16
NW = NC * NS

CH = 128
B_PER_W = N // NW
N_CHUNKS = B_PER_W // CH

TBLK = 2048

PI2_HI = 6.28125
PI2_MID = float(np.float32(2 * np.pi - 6.28125))
PI2_LO = float(2 * np.pi - 6.28125 - np.float64(np.float32(2 * np.pi - 6.28125)))
INV2PI = float(1.0 / (2 * np.pi))
MAGIC = 12582912.0


def _fit_even(f, deg_pairs):
    x = np.linspace(-np.pi, np.pi, 40001)
    y = f(x)
    a = np.stack([x ** (2 * i) for i in range(deg_pairs)], axis=1)
    coef, *_ = np.linalg.lstsq(a, y, rcond=None)
    return [float(c) for c in coef]


_NC = 4
_COS_C = _fit_even(np.cos, _NC)
_SIN_C = _fit_even(lambda x: np.where(x == 0, 1.0, np.sin(x) / np.where(x == 0, 1.0, x)), _NC)


def _sincos(phase):
    u = phase * INV2PI
    k = lax.round(u, lax.RoundingMethod.TO_NEAREST_EVEN)
    r = phase - k * PI2_HI
    r = r - k * PI2_MID
    r2 = r * r
    c = jnp.full_like(r2, _COS_C[_NC - 1])
    s = jnp.full_like(r2, _SIN_C[_NC - 1])
    for i in range(_NC - 2, -1, -1):
        c = c * r2 + _COS_C[i]
        s = s * r2 + _SIN_C[i]
    return s * r, c


def _sc_gather_body(ids_hbm, table_hbm, ls_hbm, rows_out, scale_out,
                    idx0, idx1, rows0, rows1, ls0, ls1, scl0, scl1,
                    g0, g1, l0, l1, wr0, wr1, ws0, ws1):
    wid = lax.axis_index("s") * NC + lax.axis_index("c")
    base = wid * B_PER_W
    idx = (idx0, idx1)
    rows = (rows0, rows1)
    lsv = (ls0, ls1)
    scl = (scl0, scl1)
    sg = (g0, g1)
    sl = (l0, l1)
    swr = (wr0, wr1)
    sws = (ws0, ws1)

    def issue(i):
        b = i % 2
        off = base + i * CH
        pltpu.sync_copy(ids_hbm.at[pl.ds(off, CH)], idx[b])
        cg = pltpu.async_copy(table_hbm.at[idx[b]], rows[b], sg[b])
        cl = pltpu.async_copy(ls_hbm.at[idx[b]], lsv[b], sl[b])
        return cg, cl

    pend = {0: issue(0)}
    writes = {}
    for i in range(N_CHUNKS):
        b = i % 2
        if i + 1 < N_CHUNKS:
            if i >= 1:
                for w in writes.pop(i - 1):
                    w.wait()
            pend[i + 1] = issue(i + 1)
        cg, cl = pend.pop(i)
        cl.wait()
        for j in range(CH // L):
            ids16 = idx[b][pl.ds(j * L, L)]
            ls16 = lsv[b][pl.ds(j * L, L)]
            scl[b][pl.ds(j * L, L)] = (
                (ids16.astype(jnp.float32) + 1.0) * MEAN_FREQ * jnp.exp(ls16))
        cg.wait()
        off = base + i * CH
        wrow = pltpu.async_copy(rows[b], rows_out.at[pl.ds(off, CH)], swr[b])
        wscl = pltpu.async_copy(scl[b], scale_out.at[pl.ds(off, CH)], sws[b])
        writes[i] = (wrow, wscl)
    for i in list(writes):
        for w in writes.pop(i):
            w.wait()


@functools.lru_cache(maxsize=1)
def _sc_gather():
    return pl.kernel(
        _sc_gather_body,
        mesh=plsc.VectorSubcoreMesh(core_axis_name="c", subcore_axis_name="s"),
        out_type=[
            jax.ShapeDtypeStruct((N, HIDDEN), jnp.float32),
            jax.ShapeDtypeStruct((N,), jnp.float32),
        ],
        scratch_types=[
            pltpu.VMEM((CH,), jnp.int32),
            pltpu.VMEM((CH,), jnp.int32),
            pltpu.VMEM((CH, HIDDEN), jnp.float32),
            pltpu.VMEM((CH, HIDDEN), jnp.float32),
            pltpu.VMEM((CH,), jnp.float32),
            pltpu.VMEM((CH,), jnp.float32),
            pltpu.VMEM((CH,), jnp.float32),
            pltpu.VMEM((CH,), jnp.float32),
            pltpu.SemaphoreType.DMA,
            pltpu.SemaphoreType.DMA,
            pltpu.SemaphoreType.DMA,
            pltpu.SemaphoreType.DMA,
            pltpu.SemaphoreType.DMA,
            pltpu.SemaphoreType.DMA,
            pltpu.SemaphoreType.DMA,
            pltpu.SemaphoreType.DMA,
        ],
    )


def _tc_body(rows_ref, scale_ref, wt_ref, omega_ref, re_ref, im_ref):
    i = pl.program_id(0)
    emb = rows_ref[...]
    LOG2E = 1.4426950408889634
    LN2 = 0.6931471805599453
    tp = jnp.maximum(emb, 0.0) + LN2 * jnp.log2(1.0 + jnp.exp2(-LOG2E * jnp.abs(emb)))
    nrm2 = jnp.dot(tp * tp, jnp.ones((HIDDEN, HIDDEN), jnp.float32),
                   preferred_element_type=jnp.float32)
    amp = tp * (scale_ref[...] * lax.rsqrt(jnp.maximum(nrm2, EPS)))
    pos0 = (i % (S // TBLK)) * TBLK
    pos = (pos0 + lax.broadcasted_iota(jnp.int32, (TBLK, 1), 0)).astype(jnp.float32)
    phase = pos * omega_ref[...] + jnp.dot(
        emb, wt_ref[...], preferred_element_type=jnp.float32)
    sn, cs = _sincos(phase)
    re_ref[...] = amp * cs
    im_ref[...] = amp * sn


def _tc_compute(rows, scale2, wt, omega):
    grid = (N // TBLK,)
    return pl.pallas_call(
        _tc_body,
        grid=grid,
        in_specs=[
            pl.BlockSpec((TBLK, HIDDEN), lambda i: (i, 0)),
            pl.BlockSpec((TBLK, 1), lambda i: (i, 0)),
            pl.BlockSpec((HIDDEN, HIDDEN), lambda i: (0, 0)),
            pl.BlockSpec((1, HIDDEN), lambda i: (0, 0)),
        ],
        out_specs=[
            pl.BlockSpec((TBLK, HIDDEN), lambda i: (i, 0)),
            pl.BlockSpec((TBLK, HIDDEN), lambda i: (i, 0)),
        ],
        out_shape=[
            jax.ShapeDtypeStruct((N, HIDDEN), jnp.float32),
            jax.ShapeDtypeStruct((N, HIDDEN), jnp.float32),
        ],
    )(rows, scale2, wt, omega)


def kernel(token_ids, emb_table, log_scale_res, phase_proj_W):
    ids_flat = token_ids.reshape(N).astype(jnp.int32)
    ls_flat = log_scale_res.reshape(VOCAB)
    rows, scale = _sc_gather()(ids_flat, emb_table, ls_flat)
    scale2 = scale.reshape(N, 1)
    wt = phase_proj_W.T
    omega = (BASE ** (-jnp.arange(HIDDEN, dtype=jnp.float32) / HIDDEN)).reshape(1, HIDDEN)
    re, im = _tc_compute(rows, scale2, wt, omega)
    return lax.complex(re, im).reshape(B, S, HIDDEN)

# --- scband reference (transcript-rebuilt; emitter-appended) ---
"""Pipeline reference for scband-token-lift-18245021073725 (READ-ONLY COPY).

The authoritative reference and input builder live on the scoring server;
editing this copy changes nothing except your own understanding.
"""

import jax, jax.numpy as jnp
import numpy as np

VOCAB = 100000
HIDDEN = 128
BASE = 10000.0
EPS = 1e-8
B, S = 4, 8192


def setup_inputs(seed: int = 0) -> dict:
    key = jax.random.key(seed)
    k1, k2, k3 = jax.random.split(key, 3)
    token_ids = jax.random.randint(k1, (B, S), 0, VOCAB, dtype=jnp.int64) if jax.config.jax_enable_x64 else jax.random.randint(k1, (B, S), 0, VOCAB)
    emb_table = jax.random.normal(k2, (VOCAB, HIDDEN), dtype=jnp.float32)
    log_scale_res = jnp.zeros((VOCAB, 1), dtype=jnp.float32)
    phase_proj_W = jax.random.normal(k3, (HIDDEN, HIDDEN), dtype=jnp.float32) * 0.02
    return {"token_ids": token_ids, "emb_table": emb_table, "log_scale_res": log_scale_res, "phase_proj_W": phase_proj_W}


def reference(token_ids, emb_table, log_scale_res, phase_proj_W):
    position_offset = 0
    # buffers computed in __init__
    ranks = jnp.arange(1, VOCAB + 1, dtype=jnp.float32)
    token_frequencies = 1.0 / ranks
    inverse_frequency_scale = token_frequencies.mean() / token_frequencies
    omega = BASE ** (-jnp.arange(HIDDEN, dtype=jnp.float32) / HIDDEN)

    # _inverse_frequency_amplitude with learn_residual=True
    emb = jnp.take(emb_table, token_ids, axis=0)  # [B, S, H]
    token_profile = jax.nn.softplus(emb)
    profile_norm = jnp.sqrt(jnp.clip(jnp.sum(jnp.square(token_profile), axis=-1, keepdims=True), EPS, None))
    normalized_profile = token_profile / profile_norm
    scale = inverse_frequency_scale[token_ids][..., None]  # [B, S, 1]
    scale = scale * jnp.exp(jnp.take(log_scale_res, token_ids, axis=0))  # [B, S, 1]
    token_amplitude = normalized_profile * scale  # [B, S, H]

    # _compute_phase: phase_type='rope', token_phase='semantic'
    positions = jnp.arange(position_offset, position_offset + S, dtype=jnp.float32)
    pos_phase = positions[:, None] * omega[None, :]  # [S, H]
    token_phase_offset = emb @ phase_proj_W.T  # nn.Linear(H, H, bias=False)
    phase = pos_phase[None, :, :] + token_phase_offset  # [B, S, H]

    # torch.polar(ones, phase) = cos(phase) + i*sin(phase)
    carrier = jnp.cos(phase) + 1j * jnp.sin(phase)  # complex64
    return token_amplitude.astype(carrier.dtype) * carrier

if __name__ == "__main__":
    import jax
    _d = setup_inputs()
    print(jax.jit(kernel)(*tuple(_d.values())))

</pallas_src>

<mosaic_0001>
#map = affine_map<(d0, d1) -> (0)>
#map1 = affine_map<(d0, d1) -> (0, 0)>
module attributes {stable_mosaic.version = 14 : i64} {
  func.func @_sc_gather_body(%arg0: i32, %arg1: i32, %arg2: memref<32768xi32, #tpu.memory_space<hbm>>, %arg3: memref<100000x128xf32, #tpu.memory_space<hbm>>, %arg4: memref<100000xf32, #tpu.memory_space<hbm>>, %arg5: memref<32768x128xf32, #tpu.memory_space<hbm>>, %arg6: memref<32768xf32, #tpu.memory_space<hbm>>, %arg7: memref<128xi32, #tpu.memory_space<vmem>>, %arg8: memref<128xi32, #tpu.memory_space<vmem>>, %arg9: memref<128x128xf32, #tpu.memory_space<vmem>>, %arg10: memref<128x128xf32, #tpu.memory_space<vmem>>, %arg11: memref<128xf32, #tpu.memory_space<vmem>>, %arg12: memref<128xf32, #tpu.memory_space<vmem>>, %arg13: memref<128xf32, #tpu.memory_space<vmem>>, %arg14: memref<128xf32, #tpu.memory_space<vmem>>, %arg15: memref<!tpu.dma_semaphore, #tpu.memory_space<semaphore_mem>>, %arg16: memref<!tpu.dma_semaphore, #tpu.memory_space<semaphore_mem>>, %arg17: memref<!tpu.dma_semaphore, #tpu.memory_space<semaphore_mem>>, %arg18: memref<!tpu.dma_semaphore, #tpu.memory_space<semaphore_mem>>, %arg19: memref<!tpu.dma_semaphore, #tpu.memory_space<semaphore_mem>>, %arg20: memref<!tpu.dma_semaphore, #tpu.memory_space<semaphore_mem>>, %arg21: memref<!tpu.dma_semaphore, #tpu.memory_space<semaphore_mem>>, %arg22: memref<!tpu.dma_semaphore, #tpu.memory_space<semaphore_mem>>) attributes {dimension_semantics = [#tpu.dimension_semantics<core_parallel>, #tpu.dimension_semantics<subcore_parallel>], iteration_bounds = array<i64: 2, 16>, scalar_prefetch = 0 : i64, scratch_operands = 16 : i64, tpu.core_type = #tpu.core_type<sc_vector_subcore>, window_params = [{transform_indices = #map}, {transform_indices = #map1}, {transform_indices = #map}, {transform_indices = #map1}, {transform_indices = #map}]} {
    %mul3A = arith.constant 2 : i32
    %mul3A_0 = arith.muli %arg1, %mul3A : i32
    %add3A = arith.addi %mul3A_0, %arg0 : i32
    %mul3A_1 = arith.constant 1024 : i32
    %mul3A_2 = arith.muli %add3A, %mul3A_1 : i32
    %add3A_3 = arith.constant 0 : i32
    %add3A_4 = arith.addi %mul3A_2, %add3A_3 : i32
    "tpu.region"() ({
      %run_scoped3A = tpu.sem_alloc : memref<!tpu.dma_semaphore, #tpu.memory_space<semaphore_mem>>
      %dma_start3A_1421 = tpu.memref_slice %arg2[%add3A_4] : memref<32768xi32, #tpu.memory_space<hbm>> -> memref<128xi32, #tpu.memory_space<hbm>>
      %dma_start3A_1422 = tpu.memref_slice %arg2[%add3A_4] : memref<32768xi32, #tpu.memory_space<hbm>> -> memref<128xi32, #tpu.memory_space<hbm>>
      tpu.enqueue_dma source(%dma_start3A_1422 : memref<128xi32, #tpu.memory_space<hbm>>) target(%arg7 : memref<128xi32, #tpu.memory_space<vmem>>) target_semaphore(%run_scoped3A : memref<!tpu.dma_semaphore, #tpu.memory_space<semaphore_mem>>)
      %dma_wait3A_1423 = tpu.memref_slice %arg2[%add3A_4] : memref<32768xi32, #tpu.memory_space<hbm>> -> memref<128xi32, #tpu.memory_space<hbm>>
      %dma_wait3A_1424 = tpu.memref_slice %arg2[%add3A_4] : memref<32768xi32, #tpu.memory_space<hbm>> -> memref<128xi32, #tpu.memory_space<hbm>>
      tpu.wait_dma2 semaphore(%run_scoped3A : memref<!tpu.dma_semaphore, #tpu.memory_space<semaphore_mem>>) src(%dma_wait3A_1424 : memref<128xi32, #tpu.memory_space<hbm>>) dst(%arg7 : memref<128xi32, #tpu.memory_space<vmem>>)
      tpu.yield
    }) : () -> ()
    %dma_start3A = arith.constant 0 : i32
    %dma_start3A_5 = arith.constant 0 : i32
    %dma_start3A_6 = tpu.memref_slice %arg3[%dma_start3A, %dma_start3A_5] : memref<100000x128xf32, #tpu.memory_space<hbm>> -> memref<100000x128xf32, #tpu.memory_space<hbm>>
    tpu.enqueue_indirect_dma source(%dma_start3A_6 : memref<100000x128xf32, #tpu.memory_space<hbm>>) target(%arg9 : memref<128x128xf32, #tpu.memory_space<vmem>>) offsets(%arg7 : memref<128xi32, #tpu.memory_space<vmem>>) semaphore(%arg15 : memref<!tpu.dma_semaphore, #tpu.memory_space<semaphore_mem>>)
    %dma_start3A_7 = arith.constant 0 : i32
    %dma_start3A_8 = tpu.memref_slice %arg4[%dma_start3A_7] : memref<100000xf32, #tpu.memory_space<hbm>> -> memref<100000xf32, #tpu.memory_space<hbm>>
    tpu.enqueue_indirect_dma source(%dma_start3A_8 : memref<100000xf32, #tpu.memory_space<hbm>>) target(%arg11 : memref<128xf32, #tpu.memory_space<vmem>>) offsets(%arg7 : memref<128xi32, #tpu.memory_space<vmem>>) semaphore(%arg17 : memref<!tpu.dma_semaphore, #tpu.memory_space<semaphore_mem>>)
    %add3A_9 = arith.constant 128 : i32
    %add3A_10 = arith.addi %mul3A_2, %add3A_9 : i32
    "tpu.region"() ({
      %run_scoped3A = tpu.sem_alloc : memref<!tpu.dma_semaphore, #tpu.memory_space<semaphore_mem>>
      %dma_start3A_1421 = tpu.memref_slice %arg2[%add3A_10] : memref<32768xi32, #tpu.memory_space<hbm>> -> memref<128xi32, #tpu.memory_space<hbm>>
      %dma_start3A_1422 = tpu.memref_slice %arg2[%add3A_10] : memref<32768xi32, #tpu.memory_space<hbm>> -> memref<128xi32, #tpu.memory_space<hbm>>
      tpu.enqueue_dma source(%dma_start3A_1422 : memref<128xi32, #tpu.memory_space<hbm>>) target(%arg8 : memref<128xi32, #tpu.memory_space<vmem>>) target_semaphore(%run_scoped3A : memref<!tpu.dma_semaphore, #tpu.memory_space<semaphore_mem>>)
      %dma_wait3A_1423 = tpu.memref_slice %arg2[%add3A_10] : memref<32768xi32, #tpu.memory_space<hbm>> -> memref<128xi32, #tpu.memory_space<hbm>>
      %dma_wait3A_1424 = tpu.memref_slice %arg2[%add3A_10] : memref<32768xi32, #tpu.memory_space<hbm>> -> memref<128xi32, #tpu.memory_space<hbm>>
      tpu.wait_dma2 semaphore(%run_scoped3A : memref<!tpu.dma_semaphore, #tpu.memory_space<semaphore_mem>>) src(%dma_wait3A_1424 : memref<128xi32, #tpu.memory_space<hbm>>) dst(%arg8 : memref<128xi32, #tpu.memory_space<vmem>>)
      tpu.yield
    }) : () -> ()
    %dma_start3A_11 = arith.constant 0 : i32
    %dma_start3A_12 = arith.constant 0 : i32
    %dma_start3A_13 = tpu.memref_slice %arg3[%dma_start3A_11, %dma_start3A_12] : memref<100000x128xf32, #tpu.memory_space<hbm>> -> memref<100000x128xf32, #tpu.memory_space<hbm>>
    tpu.enqueue_indirect_dma source(%dma_start3A_13 : memref<100000x128xf32, #tpu.memory_space<hbm>>) target(%arg10 : memref<128x128xf32, #tpu.memory_space<vmem>>) offsets(%arg8 : memref<128xi32, #tpu.memory_space<vmem>>) semaphore(%arg16 : memref<!tpu.dma_semaphore, #tpu.memory_space<semaphore_mem>>)
    %dma_start3A_14 = arith.constant 0 : i32
    %dma_start3A_15 = tpu.memref_slice %arg4[%dma_start3A_14] : memref<100000xf32, #tpu.memory_space<hbm>> -> memref<100000xf32, #tpu.memory_space<hbm>>
    tpu.enqueue_indirect_dma source(%dma_start3A_15 : memref<100000xf32, #tpu.memory_space<hbm>>) target(%arg12 : memref<128xf32, #tpu.memory_space<vmem>>) offsets(%arg8 : memref<128xi32, #tpu.memory_space<vmem>>) semaphore(%arg18 : memref<!tpu.dma_semaphore, #tpu.memory_space<semaphore_mem>>)
    %dma_wait3A = arith.constant 0 : i32
    %dma_wait3A_16 = tpu.memref_slice %arg4[%dma_wait3A] : memref<100000xf32, #tpu.memory_space<hbm>> -> memref<100000xf32, #tpu.memory_space<hbm>>
    tpu.wait_indirect_dma semaphore(%arg17 : memref<!tpu.dma_semaphore, #tpu.memory_space<semaphore_mem>>) src(%dma_wait3A_16 : memref<100000xf32, #tpu.memory_space<hbm>>) dst(%arg11 : memref<128xf32, #tpu.memory_space<vmem>>)
    %get3A = arith.constant 0 : index
    %get3A_17 = tpu.vector_load %arg7[%get3A] {strides = array<i32>} : memref<128xi32, #tpu.memory_space<vmem>>, vector<16xi32>,
    %get3A_18 = vector.shape_cast %get3A_17 : vector<16xi32> to vector<16xi32>
    %get3A_19 = arith.constant 0 : index
    %get3A_20 = tpu.vector_load %arg11[%get3A_19] {strides = array<i32>} : memref<128xf32, #tpu.memory_space<vmem>>, vector<16xf32>,
    %get3A_21 = vector.shape_cast %get3A_20 : vector<16xf32> to vector<16xf32>
    %convert_element_type3A = arith.sitofp %get3A_18 : vector<16xi32> to vector<16xf32>
    %add3A_22 = arith.constant 1.000000e+00 : f32
    %add3A_23 = vector.broadcast %add3A_22 : f32 to vector<16xf32>
    %add3A_24 = arith.addf %convert_element_type3A, %add3A_23 : vector<16xf32>
    %mul3A_25 = arith.constant 1.20901459E-4 : f32
    %mul3A_26 = vector.broadcast %mul3A_25 : f32 to vector<16xf32>
    %mul3A_27 = arith.mulf %add3A_24, %mul3A_26 : vector<16xf32>
    %exp3A = math.exp %get3A_21 : vector<16xf32>
    %mul3A_28 = arith.mulf %mul3A_27, %exp3A : vector<16xf32>
    %swap3A = arith.constant 0 : index
    %swap3A_29 = tpu.vector_load %arg13[%swap3A] {strides = array<i32>} : memref<128xf32, #tpu.memory_space<vmem>>, vector<16xf32>,
    %swap3A_30 = vector.shape_cast %swap3A_29 : vector<16xf32> to vector<16xf32>
    %swap3A_31 = vector.shape_cast %mul3A_28 : vector<16xf32> to vector<16xf32>
    tpu.vector_store %arg13[%swap3A], %swap3A_31 {strides = array<i32>} : memref<128xf32, #tpu.memory_space<vmem>>, vector<16xf32>,
    %get3A_32 = arith.constant 16 : index
    %get3A_33 = tpu.vector_load %arg7[%get3A_32] {strides = array<i32>} : memref<128xi32, #tpu.memory_space<vmem>>, vector<16xi32>,
    %get3A_34 = vector.shape_cast %get3A_33 : vector<16xi32> to vector<16xi32>
    %get3A_35 = arith.constant 16 : index
    %get3A_36 = tpu.vector_load %arg11[%get3A_35] {strides = array<i32>} : memref<128xf32, #tpu.memory_space<vmem>>, vector<16xf32>,
    %get3A_37 = vector.shape_cast %get3A_36 : vector<16xf32> to vector<16xf32>
    %convert_element_type3A_38 = arith.sitofp %get3A_34 : vector<16xi32> to vector<16xf32>
    %add3A_39 = arith.constant 1.000000e+00 : f32
    %add3A_40 = vector.broadcast %add3A_39 : f32 to vector<16xf32>
    %add3A_41 = arith.addf %convert_element_type3A_38, %add3A_40 : vector<16xf32>
    %mul3A_42 = arith.constant 1.20901459E-4 : f32
    %mul3A_43 = vector.broadcast %mul3A_42 : f32 to vector<16xf32>
    %mul3A_44 = arith.mulf %add3A_41, %mul3A_43 : vector<16xf32>
    %exp3A_45 = math.exp %get3A_37 : vector<16xf32>
    %mul3A_46 = arith.mulf %mul3A_44, %exp3A_45 : vector<16xf32>
    %swap3A_47 = arith.constant 16 : index
    %swap3A_48 = tpu.vector_load %arg13[%swap3A_47] {strides = array<i32>} : memref<128xf32, #tpu.memory_space<vmem>>, vector<16xf32>,
    %swap3A_49 = vector.shape_cast %swap3A_48 : vector<16xf32> to vector<16xf32>
    %swap3A_50 = vector.shape_cast %mul3A_46 : vector<16xf32> to vector<16xf32>
    tpu.vector_store %arg13[%swap3A_47], %swap3A_50 {strides = array<i32>} : memref<128xf32, #tpu.memory_space<vmem>>, vector<16xf32>,
    %get3A_51 = arith.constant 32 : index
    %get3A_52 = tpu.vector_load %arg7[%get3A_51] {strides = array<i32>} : memref<128xi32, #tpu.memory_space<vmem>>, vector<16xi32>,
    %get3A_53 = vector.shape_cast %get3A_52 : vector<16xi32> to vector<16xi32>
    %get3A_54 = arith.constant 32 : index
    %get3A_55 = tpu.vector_load %arg11[%get3A_54] {strides = array<i32>} : memref<128xf32, #tpu.memory_space<vmem>>, vector<16xf32>,
    %get3A_56 = vector.shape_cast %get3A_55 : vector<16xf32> to vector<16xf32>
    %convert_element_type3A_57 = arith.sitofp %get3A_53 : vector<16xi32> to vector<16xf32>
    %add3A_58 = arith.constant 1.000000e+00 : f32
    %add3A_59 = vector.broadcast %add3A_58 : f32 to vector<16xf32>
    %add3A_60 = arith.addf %convert_element_type3A_57, %add3A_59 : vector<16xf32>
    %mul3A_61 = arith.constant 1.20901459E-4 : f32
    %mul3A_62 = vector.broadcast %mul3A_61 : f32 to vector<16xf32>
    %mul3A_63 = arith.mulf %add3A_60, %mul3A_62 : vector<16xf32>
    %exp3A_64 = math.exp %get3A_56 : vector<16xf32>
    %mul3A_65 = arith.mulf %mul3A_63, %exp3A_64 : vector<16xf32>
    %swap3A_66 = arith.constant 32 : index
    %swap3A_67 = tpu.vector_load %arg13[%swap3A_66] {strides = array<i32>} : memref<128xf32, #tpu.memory_space<vmem>>, vector<16xf32>,
    %swap3A_68 = vector.shape_cast %swap3A_67 : vector<16xf32> to vector<16xf32>
    %swap3A_69 = vector.shape_cast %mul3A_65 : vector<16xf32> to vector<16xf32>
    tpu.vector_store %arg13[%swap3A_66], %swap3A_69 {strides = array<i32>} : memref<128xf32, #tpu.memory_space<vmem>>, vector<16xf32>,
    %get3A_70 = arith.constant 48 : index
    %get3A_71 = tpu.vector_load %arg7[%get3A_70] {strides = array<i32>} : memref<128xi32, #tpu.memory_space<vmem>>, vector<16xi32>,
    %get3A_72 = vector.shape_cast %get3A_71 : vector<16xi32> to vector<16xi32>
    %get3A_73 = arith.constant 48 : index
    %get3A_74 = tpu.vector_load %arg11[%get3A_73] {strides = array<i32>} : memref<128xf32, #tpu.memory_space<vmem>>, vector<16xf32>,
    %get3A_75 = vector.shape_cast %get3A_74 : vector<16xf32> to vector<16xf32>
    %convert_element_type3A_76 = arith.sitofp %get3A_72 : vector<16xi32> to vector<16xf32>
    %add3A_77 = arith.constant 1.000000e+00 : f32
    %add3A_78 = vector.broadcast %add3A_77 : f32 to vector<16xf32>
    %add3A_79 = arith.addf %convert_element_type3A_76, %add3A_78 : vector<16xf32>
    %mul3A_80 = arith.constant 1.20901459E-4 : f32
    %mul3A_81 = vector.broadcast %mul3A_80 : f32 to vector<16xf32>
    %mul3A_82 = arith.mulf %add3A_79, %mul3A_81 : vector<16xf32>
    %exp3A_83 = math.exp %get3A_75 : vector<16xf32>
    %mul3A_84 = arith.mulf %mul3A_82, %exp3A_83 : vector<16xf32>
    %swap3A_85 = arith.constant 48 : index
    %swap3A_86 = tpu.vector_load %arg13[%swap3A_85] {strides = array<i32>} : memref<128xf32, #tpu.memory_space<vmem>>, vector<16xf32>,
    %swap3A_87 = vector.shape_cast %swap3A_86 : vector<16xf32> to vector<16xf32>
    %swap3A_88 = vector.shape_cast %mul3A_84 : vector<16xf32> to vector<16xf32>
    tpu.vector_store %arg13[%swap3A_85], %swap3A_88 {strides = array<i32>} : memref<128xf32, #tpu.memory_space<vmem>>, vector<16xf32>,
    %get3A_89 = arith.constant 64 : index
    %get3A_90 = tpu.vector_load %arg7[%get3A_89] {strides = array<i32>} : memref<128xi32, #tpu.memory_space<vmem>>, vector<16xi32>,
    %get3A_91 = vector.shape_cast %get3A_90 : vector<16xi32> to vector<16xi32>
    %get3A_92 = arith.constant 64 : index
    %get3A_93 = tpu.vector_load %arg11[%get3A_92] {strides = array<i32>} : memref<128xf32, #tpu.memory_space<vmem>>, vector<16xf32>,
    %get3A_94 = vector.shape_cast %get3A_93 : vector<16xf32> to vector<16xf32>
    %convert_element_type3A_95 = arith.sitofp %get3A_91 : vector<16xi32> to vector<16xf32>
    %add3A_96 = arith.constant 1.000000e+00 : f32
    %add3A_97 = vector.broadcast %add3A_96 : f32 to vector<16xf32>
    %add3A_98 = arith.addf %convert_element_type3A_95, %add3A_97 : vector<16xf32>
    %mul3A_99 = arith.constant 1.20901459E-4 : f32
    %mul3A_100 = vector.broadcast %mul3A_99 : f32 to vector<16xf32>
    %mul3A_101 = arith.mulf %add3A_98, %mul3A_100 : vector<16xf32>
    %exp3A_102 = math.exp %get3A_94 : vector<16xf32>
    %mul3A_103 = arith.mulf %mul3A_101, %exp3A_102 : vector<16xf32>
    %swap3A_104 = arith.constant 64 : index
    %swap3A_105 = tpu.vector_load %arg13[%swap3A_104] {strides = array<i32>} : memref<128xf32, #tpu.memory_space<vmem>>, vector<16xf32>,
    %swap3A_106 = vector.shape_cast %swap3A_105 : vector<16xf32> to vector<16xf32>
    %swap3A_107 = vector.shape_cast %mul3A_103 : vector<16xf32> to vector<16xf32>
    tpu.vector_store %arg13[%swap3A_104], %swap3A_107 {strides = array<i32>} : memref<128xf32, #tpu.memory_space<vmem>>, vector<16xf32>,
    %get3A_108 = arith.constant 80 : index
    %get3A_109 = tpu.vector_load %arg7[%get3A_108] {strides = array<i32>} : memref<128xi32, #tpu.memory_space<vmem>>, vector<16xi32>,
    %get3A_110 = vector.shape_cast %get3A_109 : vector<16xi32> to vector<16xi32>
    %get3A_111 = arith.constant 80 : index
    %get3A_112 = tpu.vector_load %arg11[%get3A_111] {strides = array<i32>} : memref<128xf32, #tpu.memory_space<vmem>>, vector<16xf32>,
    %get3A_113 = vector.shape_cast %get3A_112 : vector<16xf32> to vector<16xf32>
    %convert_element_type3A_114 = arith.sitofp %get3A_110 : vector<16xi32> to vector<16xf32>
    %add3A_115 = arith.constant 1.000000e+00 : f32
    %add3A_116 = vector.broadcast %add3A_115 : f32 to vector<16xf32>
    %add3A_117 = arith.addf %convert_element_type3A_114, %add3A_116 : vector<16xf32>
    %mul3A_118 = arith.constant 1.20901459E-4 : f32
    %mul3A_119 = vector.broadcast %mul3A_118 : f32 to vector<16xf32>
    %mul3A_120 = arith.mulf %add3A_117, %mul3A_119 : vector<16xf32>
    %exp3A_121 = math.exp %get3A_113 : vector<16xf32>
    %mul3A_122 = arith.mulf %mul3A_120, %exp3A_121 : vector<16xf32>
    %swap3A_123 = arith.constant 80 : index
    %swap3A_124 = tpu.vector_load %arg13[%swap3A_123] {strides = array<i32>} : memref<128xf32, #tpu.memory_space<vmem>>, vector<16xf32>,
    %swap3A_125 = vector.shape_cast %swap3A_124 : vector<16xf32> to vector<16xf32>
    %swap3A_126 = vector.shape_cast %mul3A_122 : vector<16xf32> to vector<16xf32>
    tpu.vector_store %arg13[%swap3A_123], %swap3A_126 {strides = array<i32>} : memref<128xf32, #tpu.memory_space<vmem>>, vector<16xf32>,
    %get3A_127 = arith.constant 96 : index
    %get3A_128 = tpu.vector_load %arg7[%get3A_127] {strides = array<i32>} : memref<128xi32, #tpu.memory_space<vmem>>, vector<16xi32>,
    %get3A_129 = vector.shape_cast %get3A_128 : vector<16xi32> to vector<16xi32>
    %get3A_130 = arith.constant 96 : index
    %get3A_131 = tpu.vector_load %arg11[%get3A_130] {strides = array<i32>} : memref<128xf32, #tpu.memory_space<vmem>>, vector<16xf32>,
    %get3A_132 = vector.shape_cast %get3A_131 : vector<16xf32> to vector<16xf32>
    %convert_element_type3A_133 = arith.sitofp %get3A_129 : vector<16xi32> to vector<16xf32>
    %add3A_134 = arith.constant 1.000000e+00 : f32
    %add3A_135 = vector.broadcast %add3A_134 : f32 to vector<16xf32>
    %add3A_136 = arith.addf %convert_element_type3A_133, %add3A_135 : vector<16xf32>
    %mul3A_137 = arith.constant 1.20901459E-4 : f32
    %mul3A_138 = vector.broadcast %mul3A_137 : f32 to vector<16xf32>
    %mul3A_139 = arith.mulf %add3A_136, %mul3A_138 : vector<16xf32>
    %exp3A_140 = math.exp %get3A_132 : vector<16xf32>
    %mul3A_141 = arith.mulf %mul3A_139, %exp3A_140 : vector<16xf32>
    %swap3A_142 = arith.constant 96 : index
    %swap3A_143 = tpu.vector_load %arg13[%swap3A_142] {strides = array<i32>} : memref<128xf32, #tpu.memory_space<vmem>>, vector<16xf32>,
    %swap3A_144 = vector.shape_cast %swap3A_143 : vector<16xf32> to vector<16xf32>
    %swap3A_145 = vector.shape_cast %mul3A_141 : vector<16xf32> to vector<16xf32>
    tpu.vector_store %arg13[%swap3A_142], %swap3A_145 {strides = array<i32>} : memref<128xf32, #tpu.memory_space<vmem>>, vector<16xf32>,
    %get3A_146 = arith.constant 112 : index
    %get3A_147 = tpu.vector_load %arg7[%get3A_146] {strides = array<i32>} : memref<128xi32, #tpu.memory_space<vmem>>, vector<16xi32>,
    %get3A_148 = vector.shape_cast %get3A_147 : vector<16xi32> to vector<16xi32>
    %get3A_149 = arith.constant 112 : index
    %get3A_150 = tpu.vector_load %arg11[%get3A_149] {strides = array<i32>} : memref<128xf32, #tpu.memory_space<vmem>>, vector<16xf32>,
    %get3A_151 = vector.shape_cast %get3A_150 : vector<16xf32> to vector<16xf32>
    %convert_element_type3A_152 = arith.sitofp %get3A_148 : vector<16xi32> to vector<16xf32>
    %add3A_153 = arith.constant 1.000000e+00 : f32
    %add3A_154 = vector.broadcast %add3A_153 : f32 to vector<16xf32>
    %add3A_155 = arith.addf %convert_element_type3A_152, %add3A_154 : vector<16xf32>
    %mul3A_156 = arith.constant 1.20901459E-4 : f32
    %mul3A_157 = vector.broadcast %mul3A_156 : f32 to vector<16xf32>
    %mul3A_158 = arith.mulf %add3A_155, %mul3A_157 : vector<16xf32>
    %exp3A_159 = math.exp %get3A_151 : vector<16xf32>
    %mul3A_160 = arith.mulf %mul3A_158, %exp3A_159 : vector<16xf32>
    %swap3A_161 = arith.constant 112 : index
    %swap3A_162 = tpu.vector_load %arg13[%swap3A_161] {strides = array<i32>} : memref<128xf32, #tpu.memory_space<vmem>>, vector<16xf32>,
    %swap3A_163 = vector.shape_cast %swap3A_162 : vector<16xf32> to vector<16xf32>
    %swap3A_164 = vector.shape_cast %mul3A_160 : vector<16xf32> to vector<16xf32>
    tpu.vector_store %arg13[%swap3A_161], %swap3A_164 {strides = array<i32>} : memref<128xf32, #tpu.memory_space<vmem>>, vector<16xf32>,
    %dma_wait3A_165 = arith.constant 0 : i32
    %dma_wait3A_166 = arith.constant 0 : i32
    %dma_wait3A_167 = tpu.memref_slice %arg3[%dma_wait3A_165, %dma_wait3A_166] : memref<100000x128xf32, #tpu.memory_space<hbm>> -> memref<100000x128xf32, #tpu.memory_space<hbm>>
    tpu.wait_indirect_dma semaphore(%arg15 : memref<!tpu.dma_semaphore, #tpu.memory_space<semaphore_mem>>) src(%dma_wait3A_167 : memref<100000x128xf32, #tpu.memory_space<hbm>>) dst(%arg9 : memref<128x128xf32, #tpu.memory_space<vmem>>)
    %add3A_168 = arith.constant 0 : i32
    %add3A_169 = arith.addi %mul3A_2, %add3A_168 : i32
    %dma_start3A_170 = arith.constant 0 : i32
    %dma_start3A_171 = tpu.memref_slice %arg5[%add3A_169, %dma_start3A_170] : memref<32768x128xf32, #tpu.memory_space<hbm>> -> memref<128x128xf32, #tpu.memory_space<hbm>>
    %dma_start3A_172 = arith.constant 0 : i32
    %dma_start3A_173 = tpu.memref_slice %arg5[%add3A_169, %dma_start3A_172] : memref<32768x128xf32, #tpu.memory_space<hbm>> -> memref<128x128xf32, #tpu.memory_space<hbm>>
    tpu.enqueue_dma source(%arg9 : memref<128x128xf32, #tpu.memory_space<vmem>>) target(%dma_start3A_173 : memref<128x128xf32, #tpu.memory_space<hbm>>) target_semaphore(%arg19 : memref<!tpu.dma_semaphore, #tpu.memory_space<semaphore_mem>>)
    %dma_start3A_174 = tpu.memref_slice %arg6[%add3A_169] : memref<32768xf32, #tpu.memory_space<hbm>> -> memref<128xf32, #tpu.memory_space<hbm>>
    %dma_start3A_175 = tpu.memref_slice %arg6[%add3A_169] : memref<32768xf32, #tpu.memory_space<hbm>> -> memref<128xf32, #tpu.memory_space<hbm>>
    tpu.enqueue_dma source(%arg13 : memref<128xf32, #tpu.memory_space<vmem>>) target(%dma_start3A_175 : memref<128xf32, #tpu.memory_space<hbm>>) target_semaphore(%arg21 : memref<!tpu.dma_semaphore, #tpu.memory_space<semaphore_mem>>)
    %dma_wait3A_176 = arith.constant 0 : i32
    %dma_wait3A_177 = tpu.memref_slice %arg5[%add3A_169, %dma_wait3A_176] : memref<32768x128xf32, #tpu.memory_space<hbm>> -> memref<128x128xf32, #tpu.memory_space<hbm>>
    %dma_wait3A_178 = arith.constant 0 : i32
    %dma_wait3A_179 = tpu.memref_slice %arg5[%add3A_169, %dma_wait3A_178] : memref<32768x128xf32, #tpu.memory_space<hbm>> -> memref<128x128xf32, #tpu.memory_space<hbm>>
    tpu.wait_dma2 semaphore(%arg19 : memref<!tpu.dma_semaphore, #tpu.memory_space<semaphore_mem>>) src(%arg9 : memref<128x128xf32, #tpu.memory_space<vmem>>) dst(%dma_wait3A_179 : memref<128x128xf32, #tpu.memory_space<hbm>>)
    %dma_wait3A_180 = tpu.memref_slice %arg6[%add3A_169] : memref<32768xf32, #tpu.memory_space<hbm>> -> memref<128xf32, #tpu.memory_space<hbm>>
    %dma_wait3A_181 = tpu.memref_slice %arg6[%add3A_169] : memref<32768xf32, #tpu.memory_space<hbm>> -> memref<128xf32, #tpu.memory_space<hbm>>
    tpu.wait_dma2 semaphore(%arg21 : memref<!tpu.dma_semaphore, #tpu.memory_space<semaphore_mem>>) src(%arg13 : memref<128xf32, #tpu.memory_space<vmem>>) dst(%dma_wait3A_181 : memref<128xf32, #tpu.memory_space<hbm>>)
    %add3A_182 = arith.constant 256 : i32
    %add3A_183 = arith.addi %mul3A_2, %add3A_182 : i32
    "tpu.region"() ({
      %run_scoped3A = tpu.sem_alloc : memref<!tpu.dma_semaphore, #tpu.memory_space<semaphore_mem>>
      %dma_start3A_1421 = tpu.memref_slice %arg2[%add3A_183] : memref<32768xi32, #tpu.memory_space<hbm>> -> memref<128xi32, #tpu.memory_space<hbm>>
      %dma_start3A_1422 = tpu.memref_slice %arg2[%add3A_183] : memref<32768xi32, #tpu.memory_space<hbm>> -> memref<128xi32, #tpu.memory_space<hbm>>
      tpu.enqueue_dma source(%dma_start3A_1422 : memref<128xi32, #tpu.memory_space<hbm>>) target(%arg7 : memref<128xi32, #tpu.memory_space<vmem>>) target_semaphore(%run_scoped3A : memref<!tpu.dma_semaphore, #tpu.memory_space<semaphore_mem>>)
      %dma_wait3A_1423 = tpu.memref_slice %arg2[%add3A_183] : memref<32768xi32, #tpu.memory_space<hbm>> -> memref<128xi32, #tpu.memory_space<hbm>>
      %dma_wait3A_1424 = tpu.memref_slice %arg2[%add3A_183] : memref<32768xi32, #tpu.memory_space<hbm>> -> memref<128xi32, #tpu.memory_space<hbm>>
      tpu.wait_dma2 semaphore(%run_scoped3A : memref<!tpu.dma_semaphore, #tpu.memory_space<semaphore_mem>>) src(%dma_wait3A_1424 : memref<128xi32, #tpu.memory_space<hbm>>) dst(%arg7 : memref<128xi32, #tpu.memory_space<vmem>>)
      tpu.yield
    }) : () -> ()
    %dma_start3A_184 = arith.constant 0 : i32
    %dma_start3A_185 = arith.constant 0 : i32
    %dma_start3A_186 = tpu.memref_slice %arg3[%dma_start3A_184, %dma_start3A_185] : memref<100000x128xf32, #tpu.memory_space<hbm>> -> memref<100000x128xf32, #tpu.memory_space<hbm>>
    tpu.enqueue_indirect_dma source(%dma_start3A_186 : memref<100000x128xf32, #tpu.memory_space<hbm>>) target(%arg9 : memref<128x128xf32, #tpu.memory_space<vmem>>) offsets(%arg7 : memref<128xi32, #tpu.memory_space<vmem>>) semaphore(%arg15 : memref<!tpu.dma_semaphore, #tpu.memory_space<semaphore_mem>>)
    %dma_start3A_187 = arith.constant 0 : i32
    %dma_start3A_188 = tpu.memref_slice %arg4[%dma_start3A_187] : memref<100000xf32, #tpu.memory_space<hbm>> -> memref<100000xf32, #tpu.memory_space<hbm>>
    tpu.enqueue_indirect_dma source(%dma_start3A_188 : memref<100000xf32, #tpu.memory_space<hbm>>) target(%arg11 : memref<128xf32, #tpu.memory_space<vmem>>) offsets(%arg7 : memref<128xi32, #tpu.memory_space<vmem>>) semaphore(%arg17 : memref<!tpu.dma_semaphore, #tpu.memory_space<semaphore_mem>>)
    %dma_wait3A_189 = arith.constant 0 : i32
    %dma_wait3A_190 = tpu.memref_slice %arg4[%dma_wait3A_189] : memref<100000xf32, #tpu.memory_space<hbm>> -> memref<100000xf32, #tpu.memory_space<hbm>>
    tpu.wait_indirect_dma semaphore(%arg18 : memref<!tpu.dma_semaphore, #tpu.memory_space<semaphore_mem>>) src(%dma_wait3A_190 : memref<100000xf32, #tpu.memory_space<hbm>>) dst(%arg12 : memref<128xf32, #tpu.memory_space<vmem>>)
    %get3A_191 = arith.constant 0 : index
    %get3A_192 = tpu.vector_load %arg8[%get3A_191] {strides = array<i32>} : memref<128xi32, #tpu.memory_space<vmem>>, vector<16xi32>,
    %get3A_193 = vector.shape_cast %get3A_192 : vector<16xi32> to vector<16xi32>
    %get3A_194 = arith.constant 0 : index
    %get3A_195 = tpu.vector_load %arg12[%get3A_194] {strides = array<i32>} : memref<128xf32, #tpu.memory_space<vmem>>, vector<16xf32>,
    %get3A_196 = vector.shape_cast %get3A_195 : vector<16xf32> to vector<16xf32>
    %convert_element_type3A_197 = arith.sitofp %get3A_193 : vector<16xi32> to vector<16xf32>
    %add3A_198 = arith.constant 1.000000e+00 : f32
    %add3A_199 = vector.broadcast %add3A_198 : f32 to vector<16xf32>
    %add3A_200 = arith.addf %convert_element_type3A_197, %add3A_199 : vector<16xf32>
    %mul3A_201 = arith.constant 1.20901459E-4 : f32
    %mul3A_202 = vector.broadcast %mul3A_201 : f32 to vector<16xf32>
    %mul3A_203 = arith.mulf %add3A_200, %mul3A_202 : vector<16xf32>
    %exp3A_204 = math.exp %get3A_196 : vector<16xf32>
    %mul3A_205 = arith.mulf %mul3A_203, %exp3A_204 : vector<16xf32>
    %swap3A_206 = arith.constant 0 : index
    %swap3A_207 = tpu.vector_load %arg14[%swap3A_206] {strides = array<i32>} : memref<128xf32, #tpu.memory_space<vmem>>, vector<16xf32>,
    %swap3A_208 = vector.shape_cast %swap3A_207 : vector<16xf32> to vector<16xf32>
    %swap3A_209 = vector.shape_cast %mul3A_205 : vector<16xf32> to vector<16xf32>
    tpu.vector_store %arg14[%swap3A_206], %swap3A_209 {strides = array<i32>} : memref<128xf32, #tpu.memory_space<vmem>>, vector<16xf32>,
    %get3A_210 = arith.constant 16 : index
    %get3A_211 = tpu.vector_load %arg8[%get3A_210] {strides = array<i32>} : memref<128xi32, #tpu.memory_space<vmem>>, vector<16xi32>,
    %get3A_212 = vector.shape_cast %get3A_211 : vector<16xi32> to vector<16xi32>
    %get3A_213 = arith.constant 16 : index
    %get3A_214 = tpu.vector_load %arg12[%get3A_213] {strides = array<i32>} : memref<128xf32, #tpu.memory_space<vmem>>, vector<16xf32>,
    %get3A_215 = vector.shape_cast %get3A_214 : vector<16xf32> to vector<16xf32>
    %convert_element_type3A_216 = arith.sitofp %get3A_212 : vector<16xi32> to vector<16xf32>
    %add3A_217 = arith.constant 1.000000e+00 : f32
    %add3A_218 = vector.broadcast %add3A_217 : f32 to vector<16xf32>
    %add3A_219 = arith.addf %convert_element_type3A_216, %add3A_218 : vector<16xf32>
    %mul3A_220 = arith.constant 1.20901459E-4 : f32
    %mul3A_221 = vector.broadcast %mul3A_220 : f32 to vector<16xf32>
    %mul3A_222 = arith.mulf %add3A_219, %mul3A_221 : vector<16xf32>
    %exp3A_223 = math.exp %get3A_215 : vector<16xf32>
    %mul3A_224 = arith.mulf %mul3A_222, %exp3A_223 : vector<16xf32>
    %swap3A_225 = arith.constant 16 : index
    %swap3A_226 = tpu.vector_load %arg14[%swap3A_225] {strides = array<i32>} : memref<128xf32, #tpu.memory_space<vmem>>, vector<16xf32>,
    %swap3A_227 = vector.shape_cast %swap3A_226 : vector<16xf32> to vector<16xf32>
    %swap3A_228 = vector.shape_cast %mul3A_224 : vector<16xf32> to vector<16xf32>
    tpu.vector_store %arg14[%swap3A_225], %swap3A_228 {strides = array<i32>} : memref<128xf32, #tpu.memory_space<vmem>>, vector<16xf32>,
    %get3A_229 = arith.constant 32 : index
    %get3A_230 = tpu.vector_load %arg8[%get3A_229] {strides = array<i32>} : memref<128xi32, #tpu.memory_space<vmem>>, vector<16xi32>,
    %get3A_231 = vector.shape_cast %get3A_230 : vector<16xi32> to vector<16xi32>
    %get3A_232 = arith.constant 32 : index
    %get3A_233 = tpu.vector_load %arg12[%get3A_232] {strides = array<i32>} : memref<128xf32, #tpu.memory_space<vmem>>, vector<16xf32>,
    %get3A_234 = vector.shape_cast %get3A_233 : vector<16xf32> to vector<16xf32>
    %convert_element_type3A_235 = arith.sitofp %get3A_231 : vector<16xi32> to vector<16xf32>
    %add3A_236 = arith.constant 1.000000e+00 : f32
    %add3A_237 = vector.broadcast %add3A_236 : f32 to vector<16xf32>
    %add3A_238 = arith.addf %convert_element_type3A_235, %add3A_237 : vector<16xf32>
    %mul3A_239 = arith.constant 1.20901459E-4 : f32
    %mul3A_240 = vector.broadcast %mul3A_239 : f32 to vector<16xf32>
    %mul3A_241 = arith.mulf %add3A_238, %mul3A_240 : vector<16xf32>
    %exp3A_242 = math.exp %get3A_234 : vector<16xf32>
    %mul3A_243 = arith.mulf %mul3A_241, %exp3A_242 : vector<16xf32>
    %swap3A_244 = arith.constant 32 : index
    %swap3A_245 = tpu.vector_load %arg14[%swap3A_244] {strides = array<i32>} : memref<128xf32, #tpu.memory_space<vmem>>, vector<16xf32>,
    %swap3A_246 = vector.shape_cast %swap3A_245 : vector<16xf32> to vector<16xf32>
    %swap3A_247 = vector.shape_cast %mul3A_243 : vector<16xf32> to vector<16xf32>
    tpu.vector_store %arg14[%swap3A_244], %swap3A_247 {strides = array<i32>} : memref<128xf32, #tpu.memory_space<vmem>>, vector<16xf32>,
    %get3A_248 = arith.constant 48 : index
    %get3A_249 = tpu.vector_load %arg8[%get3A_248] {strides = array<i32>} : memref<128xi32, #tpu.memory_space<vmem>>, vector<16xi32>,
    %get3A_250 = vector.shape_cast %get3A_249 : vector<16xi32> to vector<16xi32>
    %get3A_251 = arith.constant 48 : index
    %get3A_252 = tpu.vector_load %arg12[%get3A_251] {strides = array<i32>} : memref<128xf32, #tpu.memory_space<vmem>>, vector<16xf32>,
    %get3A_253 = vector.shape_cast %get3A_252 : vector<16xf32> to vector<16xf32>
    %convert_element_type3A_254 = arith.sitofp %get3A_250 : vector<16xi32> to vector<16xf32>
    %add3A_255 = arith.constant 1.000000e+00 : f32
    %add3A_256 = vector.broadcast %add3A_255 : f32 to vector<16xf32>
    %add3A_257 = arith.addf %convert_element_type3A_254, %add3A_256 : vector<16xf32>
    %mul3A_258 = arith.constant 1.20901459E-4 : f32
    %mul3A_259 = vector.broadcast %mul3A_258 : f32 to vector<16xf32>
    %mul3A_260 = arith.mulf %add3A_257, %mul3A_259 : vector<16xf32>
    %exp3A_261 = math.exp %get3A_253 : vector<16xf32>
    %mul3A_262 = arith.mulf %mul3A_260, %exp3A_261 : vector<16xf32>
    %swap3A_263 = arith.constant 48 : index
    %swap3A_264 = tpu.vector_load %arg14[%swap3A_263] {strides = array<i32>} : memref<128xf32, #tpu.memory_space<vmem>>, vector<16xf32>,
    %swap3A_265 = vector.shape_cast %swap3A_264 : vector<16xf32> to vector<16xf32>
    %swap3A_266 = vector.shape_cast %mul3A_262 : vector<16xf32> to vector<16xf32>
    tpu.vector_store %arg14[%swap3A_263], %swap3A_266 {strides = array<i32>} : memref<128xf32, #tpu.memory_space<vmem>>, vector<16xf32>,
    %get3A_267 = arith.constant 64 : index
    %get3A_268 = tpu.vector_load %arg8[%get3A_267] {strides = array<i32>} : memref<128xi32, #tpu.memory_space<vmem>>, vector<16xi32>,
    %get3A_269 = vector.shape_cast %get3A_268 : vector<16xi32> to vector<16xi32>
    %get3A_270 = arith.constant 64 : index
    %get3A_271 = tpu.vector_load %arg12[%get3A_270] {strides = array<i32>} : memref<128xf32, #tpu.memory_space<vmem>>, vector<16xf32>,
    %get3A_272 = vector.shape_cast %get3A_271 : vector<16xf32> to vector<16xf32>
    %convert_element_type3A_273 = arith.sitofp %get3A_269 : vector<16xi32> to vector<16xf32>
    %add3A_274 = arith.constant 1.000000e+00 : f32
    %add3A_275 = vector.broadcast %add3A_274 : f32 to vector<16xf32>
    %add3A_276 = arith.addf %convert_element_type3A_273, %add3A_275 : vector<16xf32>
    %mul3A_277 = arith.constant 1.20901459E-4 : f32
    %mul3A_278 = vector.broadcast %mul3A_277 : f32 to vector<16xf32>
    %mul3A_279 = arith.mulf %add3A_276, %mul3A_278 : vector<16xf32>
    %exp3A_280 = math.exp %get3A_272 : vector<16xf32>
    %mul3A_281 = arith.mulf %mul3A_279, %exp3A_280 : vector<16xf32>
    %swap3A_282 = arith.constant 64 : index
    %swap3A_283 = tpu.vector_load %arg14[%swap3A_282] {strides = array<i32>} : memref<128xf32, #tpu.memory_space<vmem>>, vector<16xf32>,
    %swap3A_284 = vector.shape_cast %swap3A_283 : vector<16xf32> to vector<16xf32>
    %swap3A_285 = vector.shape_cast %mul3A_281 : vector<16xf32> to vector<16xf32>
    tpu.vector_store %arg14[%swap3A_282], %swap3A_285 {strides = array<i32>} : memref<128xf32, #tpu.memory_space<vmem>>, vector<16xf32>,
    %get3A_286 = arith.constant 80 : index
    %get3A_287 = tpu.vector_load %arg8[%get3A_286] {strides = array<i32>} : memref<128xi32, #tpu.memory_space<vmem>>, vector<16xi32>,
    %get3A_288 = vector.shape_cast %get3A_287 : vector<16xi32> to vector<16xi32>
    %get3A_289 = arith.constant 80 : index
    %get3A_290 = tpu.vector_load %arg12[%get3A_289] {strides = array<i32>} : memref<128xf32, #tpu.memory_space<vmem>>, vector<16xf32>,
    %get3A_291 = vector.shape_cast %get3A_290 : vector<16xf32> to vector<16xf32>
    %convert_element_type3A_292 = arith.sitofp %get3A_288 : vector<16xi32> to vector<16xf32>
    %add3A_293 = arith.constant 1.000000e+00 : f32
    %add3A_294 = vector.broadcast %add3A_293 : f32 to vector<16xf32>
    %add3A_295 = arith.addf %convert_element_type3A_292, %add3A_294 : vector<16xf32>
    %mul3A_296 = arith.constant 1.20901459E-4 : f32
    %mul3A_297 = vector.broadcast %mul3A_296 : f32 to vector<16xf32>
    %mul3A_298 = arith.mulf %add3A_295, %mul3A_297 : vector<16xf32>
    %exp3A_299 = math.exp %get3A_291 : vector<16xf32>
    %mul3A_300 = arith.mulf %mul3A_298, %exp3A_299 : vector<16xf32>
    %swap3A_301 = arith.constant 80 : index
    %swap3A_302 = tpu.vector_load %arg14[%swap3A_301] {strides = array<i32>} : memref<128xf32, #tpu.memory_space<vmem>>, vector<16xf32>,
    %swap3A_303 = vector.shape_cast %swap3A_302 : vector<16xf32> to vector<16xf32>
    %swap3A_304 = vector.shape_cast %mul3A_300 : vector<16xf32> to vector<16xf32>
    tpu.vector_store %arg14[%swap3A_301], %swap3A_304 {strides = array<i32>} : memref<128xf32, #tpu.memory_space<vmem>>, vector<16xf32>,
    %get3A_305 = arith.constant 96 : index
    %get3A_306 = tpu.vector_load %arg8[%get3A_305] {strides = array<i32>} : memref<128xi32, #tpu.memory_space<vmem>>, vector<16xi32>,
    %get3A_307 = vector.shape_cast %get3A_306 : vector<16xi32> to vector<16xi32>
    %get3A_308 = arith.constant 96 : index
    %get3A_309 = tpu.vector_load %arg12[%get3A_308] {strides = array<i32>} : memref<128xf32, #tpu.memory_space<vmem>>, vector<16xf32>,
    %get3A_310 = vector.shape_cast %get3A_309 : vector<16xf32> to vector<16xf32>
    %convert_element_type3A_311 = arith.sitofp %get3A_307 : vector<16xi32> to vector<16xf32>
    %add3A_312 = arith.constant 1.000000e+00 : f32
    %add3A_313 = vector.broadcast %add3A_312 : f32 to vector<16xf32>
    %add3A_314 = arith.addf %convert_element_type3A_311, %add3A_313 : vector<16xf32>
    %mul3A_315 = arith.constant 1.20901459E-4 : f32
    %mul3A_316 = vector.broadcast %mul3A_315 : f32 to vector<16xf32>
    %mul3A_317 = arith.mulf %add3A_314, %mul3A_316 : vector<16xf32>
    %exp3A_318 = math.exp %get3A_310 : vector<16xf32>
    %mul3A_319 = arith.mulf %mul3A_317, %exp3A_318 : vector<16xf32>
    %swap3A_320 = arith.constant 96 : index
    %swap3A_321 = tpu.vector_load %arg14[%swap3A_320] {strides = array<i32>} : memref<128xf32, #tpu.memory_space<vmem>>, vector<16xf32>,
    %swap3A_322 = vector.shape_cast %swap3A_321 : vector<16xf32> to vector<16xf32>
    %swap3A_323 = vector.shape_cast %mul3A_319 : vector<16xf32> to vector<16xf32>
    tpu.vector_store %arg14[%swap3A_320], %swap3A_323 {strides = array<i32>} : memref<128xf32, #tpu.memory_space<vmem>>, vector<16xf32>,
    %get3A_324 = arith.constant 112 : index
    %get3A_325 = tpu.vector_load %arg8[%get3A_324] {strides = array<i32>} : memref<128xi32, #tpu.memory_space<vmem>>, vector<16xi32>,
    %get3A_326 = vector.shape_cast %get3A_325 : vector<16xi32> to vector<16xi32>
    %get3A_327 = arith.constant 112 : index
    %get3A_328 = tpu.vector_load %arg12[%get3A_327] {strides = array<i32>} : memref<128xf32, #tpu.memory_space<vmem>>, vector<16xf32>,
    %get3A_329 = vector.shape_cast %get3A_328 : vector<16xf32> to vector<16xf32>
    %convert_element_type3A_330 = arith.sitofp %get3A_326 : vector<16xi32> to vector<16xf32>
    %add3A_331 = arith.constant 1.000000e+00 : f32
    %add3A_332 = vector.broadcast %add3A_331 : f32 to vector<16xf32>
    %add3A_333 = arith.addf %convert_element_type3A_330, %add3A_332 : vector<16xf32>
    %mul3A_334 = arith.constant 1.20901459E-4 : f32
    %mul3A_335 = vector.broadcast %mul3A_334 : f32 to vector<16xf32>
    %mul3A_336 = arith.mulf %add3A_333, %mul3A_335 : vector<16xf32>
    %exp3A_337 = math.exp %get3A_329 : vector<16xf32>
    %mul3A_338 = arith.mulf %mul3A_336, %exp3A_337 : vector<16xf32>
    %swap3A_339 = arith.constant 112 : index
    %swap3A_340 = tpu.vector_load %arg14[%swap3A_339] {strides = array<i32>} : memref<128xf32, #tpu.memory_space<vmem>>, vector<16xf32>,
    %swap3A_341 = vector.shape_cast %swap3A_340 : vector<16xf32> to vector<16xf32>
    %swap3A_342 = vector.shape_cast %mul3A_338 : vector<16xf32> to vector<16xf32>
    tpu.vector_store %arg14[%swap3A_339], %swap3A_342 {strides = array<i32>} : memref<128xf32, #tpu.memory_space<vmem>>, vector<16xf32>,
    %dma_wait3A_343 = arith.constant 0 : i32
    %dma_wait3A_344 = arith.constant 0 : i32
    %dma_wait3A_345 = tpu.memref_slice %arg3[%dma_wait3A_343, %dma_wait3A_344] : memref<100000x128xf32, #tpu.memory_space<hbm>> -> memref<100000x128xf32, #tpu.memory_space<hbm>>
    tpu.wait_indirect_dma semaphore(%arg16 : memref<!tpu.dma_semaphore, #tpu.memory_space<semaphore_mem>>) src(%dma_wait3A_345 : memref<100000x128xf32, #tpu.memory_space<hbm>>) dst(%arg10 : memref<128x128xf32, #tpu.memory_space<vmem>>)
    %add3A_346 = arith.constant 128 : i32
    %add3A_347 = arith.addi %mul3A_2, %add3A_346 : i32
    %dma_start3A_348 = arith.constant 0 : i32
    %dma_start3A_349 = tpu.memref_slice %arg5[%add3A_347, %dma_start3A_348] : memref<32768x128xf32, #tpu.memory_space<hbm>> -> memref<128x128xf32, #tpu.memory_space<hbm>>
    %dma_start3A_350 = arith.constant 0 : i32
    %dma_start3A_351 = tpu.memref_slice %arg5[%add3A_347, %dma_start3A_350] : memref<32768x128xf32, #tpu.memory_space<hbm>> -> memref<128x128xf32, #tpu.memory_space<hbm>>
    tpu.enqueue_dma source(%arg10 : memref<128x128xf32, #tpu.memory_space<vmem>>) target(%dma_start3A_351 : memref<128x128xf32, #tpu.memory_space<hbm>>) target_semaphore(%arg20 : memref<!tpu.dma_semaphore, #tpu.memory_space<semaphore_mem>>)
    %dma_start3A_352 = tpu.memref_slice %arg6[%add3A_347] : memref<32768xf32, #tpu.memory_space<hbm>> -> memref<128xf32, #tpu.memory_space<hbm>>
    %dma_start3A_353 = tpu.memref_slice %arg6[%add3A_347] : memref<32768xf32, #tpu.memory_space<hbm>> -> memref<128xf32, #tpu.memory_space<hbm>>
    tpu.enqueue_dma source(%arg14 : memref<128xf32, #tpu.memory_space<vmem>>) target(%dma_start3A_353 : memref<128xf32, #tpu.memory_space<hbm>>) target_semaphore(%arg22 : memref<!tpu.dma_semaphore, #tpu.memory_space<semaphore_mem>>)
    %dma_wait3A_354 = arith.constant 0 : i32
    %dma_wait3A_355 = tpu.memref_slice %arg5[%add3A_347, %dma_wait3A_354] : memref<32768x128xf32, #tpu.memory_space<hbm>> -> memref<128x128xf32, #tpu.memory_space<hbm>>
    %dma_wait3A_356 = arith.constant 0 : i32
    %dma_wait3A_357 = tpu.memref_slice %arg5[%add3A_347, %dma_wait3A_356] : memref<32768x128xf32, #tpu.memory_space<hbm>> -> memref<128x128xf32, #tpu.memory_space<hbm>>
    tpu.wait_dma2 semaphore(%arg20 : memref<!tpu.dma_semaphore, #tpu.memory_space<semaphore_mem>>) src(%arg10 : memref<128x128xf32, #tpu.memory_space<vmem>>) dst(%dma_wait3A_357 : memref<128x128xf32, #tpu.memory_space<hbm>>)
    %dma_wait3A_358 = tpu.memref_slice %arg6[%add3A_347] : memref<32768xf32, #tpu.memory_space<hbm>> -> memref<128xf32, #tpu.memory_space<hbm>>
    %dma_wait3A_359 = tpu.memref_slice %arg6[%add3A_347] : memref<32768xf32, #tpu.memory_space<hbm>> -> memref<128xf32, #tpu.memory_space<hbm>>
    tpu.wait_dma2 semaphore(%arg22 : memref<!tpu.dma_semaphore, #tpu.memory_space<semaphore_mem>>) src(%arg14 : memref<128xf32, #tpu.memory_space<vmem>>) dst(%dma_wait3A_359 : memref<128xf32, #tpu.memory_space<hbm>>)
    %add3A_360 = arith.constant 384 : i32
    %add3A_361 = arith.addi %mul3A_2, %add3A_360 : i32
    "tpu.region"() ({
      %run_scoped3A = tpu.sem_alloc : memref<!tpu.dma_semaphore, #tpu.memory_space<semaphore_mem>>
      %dma_start3A_1421 = tpu.memref_slice %arg2[%add3A_361] : memref<32768xi32, #tpu.memory_space<hbm>> -> memref<128xi32, #tpu.memory_space<hbm>>
      %dma_start3A_1422 = tpu.memref_slice %arg2[%add3A_361] : memref<32768xi32, #tpu.memory_space<hbm>> -> memref<128xi32, #tpu.memory_space<hbm>>
      tpu.enqueue_dma source(%dma_start3A_1422 : memref<128xi32, #tpu.memory_space<hbm>>) target(%arg8 : memref<128xi32, #tpu.memory_space<vmem>>) target_semaphore(%run_scoped3A : memref<!tpu.dma_semaphore, #tpu.memory_space<semaphore_mem>>)
      %dma_wait3A_1423 = tpu.memref_slice %arg2[%add3A_361] : memref<32768xi32, #tpu.memory_space<hbm>> -> memref<128xi32, #tpu.memory_space<hbm>>
      %dma_wait3A_1424 = tpu.memref_slice %arg2[%add3A_361] : memref<32768xi32, #tpu.memory_space<hbm>> -> memref<128xi32, #tpu.memory_space<hbm>>
      tpu.wait_dma2 semaphore(%run_scoped3A : memref<!tpu.dma_semaphore, #tpu.memory_space<semaphore_mem>>) src(%dma_wait3A_1424 : memref<128xi32, #tpu.memory_space<hbm>>) dst(%arg8 : memref<128xi32, #tpu.memory_space<vmem>>)
      tpu.yield
    }) : () -> ()
    %dma_start3A_362 = arith.constant 0 : i32
    %dma_start3A_363 = arith.constant 0 : i32
    %dma_start3A_364 = tpu.memref_slice %arg3[%dma_start3A_362, %dma_start3A_363] : memref<100000x128xf32, #tpu.memory_space<hbm>> -> memref<100000x128xf32, #tpu.memory_space<hbm>>
    tpu.enqueue_indirect_dma source(%dma_start3A_364 : memref<100000x128xf32, #tpu.memory_space<hbm>>) target(%arg10 : memref<128x128xf32, #tpu.memory_space<vmem>>) offsets(%arg8 : memref<128xi32, #tpu.memory_space<vmem>>) semaphore(%arg16 : memref<!tpu.dma_semaphore, #tpu.memory_space<semaphore_mem>>)
    %dma_start3A_365 = arith.constant 0 : i32
    %dma_start3A_366 = tpu.memref_slice %arg4[%dma_start3A_365] : memref<100000xf32, #tpu.memory_space<hbm>> -> memref<100000xf32, #tpu.memory_space<hbm>>
    tpu.enqueue_indirect_dma source(%dma_start3A_366 : memref<100000xf32, #tpu.memory_space<hbm>>) target(%arg12 : memref<128xf32, #tpu.memory_space<vmem>>) offsets(%arg8 : memref<128xi32, #tpu.memory_space<vmem>>) semaphore(%arg18 : memref<!tpu.dma_semaphore, #tpu.memory_space<semaphore_mem>>)
    %dma_wait3A_367 = arith.constant 0 : i32
    %dma_wait3A_368 = tpu.memref_slice %arg4[%dma_wait3A_367] : memref<100000xf32, #tpu.memory_space<hbm>> -> memref<100000xf32, #tpu.memory_space<hbm>>
    tpu.wait_indirect_dma semaphore(%arg17 : memref<!tpu.dma_semaphore, #tpu.memory_space<semaphore_mem>>) src(%dma_wait3A_368 : memref<100000xf32, #tpu.memory_space<hbm>>) dst(%arg11 : memref<128xf32, #tpu.memory_space<vmem>>)
    %get3A_369 = arith.constant 0 : index
    %get3A_370 = tpu.vector_load %arg7[%get3A_369] {strides = array<i32>} : memref<128xi32, #tpu.memory_space<vmem>>, vector<16xi32>,
    %get3A_371 = vector.shape_cast %get3A_370 : vector<16xi32> to vector<16xi32>
    %get3A_372 = arith.constant 0 : index
    %get3A_373 = tpu.vector_load %arg11[%get3A_372] {strides = array<i32>} : memref<128xf32, #tpu.memory_space<vmem>>, vector<16xf32>,
    %get3A_374 = vector.shape_cast %get3A_373 : vector<16xf32> to vector<16xf32>
    %convert_element_type3A_375 = arith.sitofp %get3A_371 : vector<16xi32> to vector<16xf32>
    %add3A_376 = arith.constant 1.000000e+00 : f32
    %add3A_377 = vector.broadcast %add3A_376 : f32 to vector<16xf32>
    %add3A_378 = arith.addf %convert_element_type3A_375, %add3A_377 : vector<16xf32>
    %mul3A_379 = arith.constant 1.20901459E-4 : f32
    %mul3A_380 = vector.broadcast %mul3A_379 : f32 to vector<16xf32>
    %mul3A_381 = arith.mulf %add3A_378, %mul3A_380 : vector<16xf32>
    %exp3A_382 = math.exp %get3A_374 : vector<16xf32>
    %mul3A_383 = arith.mulf %mul3A_381, %exp3A_382 : vector<16xf32>
    %swap3A_384 = arith.constant 0 : index
    %swap3A_385 = tpu.vector_load %arg13[%swap3A_384] {strides = array<i32>} : memref<128xf32, #tpu.memory_space<vmem>>, vector<16xf32>,
    %swap3A_386 = vector.shape_cast %swap3A_385 : vector<16xf32> to vector<16xf32>
    %swap3A_387 = vector.shape_cast %mul3A_383 : vector<16xf32> to vector<16xf32>
    tpu.vector_store %arg13[%swap3A_384], %swap3A_387 {strides = array<i32>} : memref<128xf32, #tpu.memory_space<vmem>>, vector<16xf32>,
    %get3A_388 = arith.constant 16 : index
    %get3A_389 = tpu.vector_load %arg7[%get3A_388] {strides = array<i32>} : memref<128xi32, #tpu.memory_space<vmem>>, vector<16xi32>,
    %get3A_390 = vector.shape_cast %get3A_389 : vector<16xi32> to vector<16xi32>
    %get3A_391 = arith.constant 16 : index
    %get3A_392 = tpu.vector_load %arg11[%get3A_391] {strides = array<i32>} : memref<128xf32, #tpu.memory_space<vmem>>, vector<16xf32>,
    %get3A_393 = vector.shape_cast %get3A_392 : vector<16xf32> to vector<16xf32>
    %convert_element_type3A_394 = arith.sitofp %get3A_390 : vector<16xi32> to vector<16xf32>
    %add3A_395 = arith.constant 1.000000e+00 : f32
    %add3A_396 = vector.broadcast %add3A_395 : f32 to vector<16xf32>
    %add3A_397 = arith.addf %convert_element_type3A_394, %add3A_396 : vector<16xf32>
    %mul3A_398 = arith.constant 1.20901459E-4 : f32
    %mul3A_399 = vector.broadcast %mul3A_398 : f32 to vector<16xf32>
    %mul3A_400 = arith.mulf %add3A_397, %mul3A_399 : vector<16xf32>
    %exp3A_401 = math.exp %get3A_393 : vector<16xf32>
    %mul3A_402 = arith.mulf %mul3A_400, %exp3A_401 : vector<16xf32>
    %swap3A_403 = arith.constant 16 : index
    %swap3A_404 = tpu.vector_load %arg13[%swap3A_403] {strides = array<i32>} : memref<128xf32, #tpu.memory_space<vmem>>, vector<16xf32>,
    %swap3A_405 = vector.shape_cast %swap3A_404 : vector<16xf32> to vector<16xf32>
    %swap3A_406 = vector.shape_cast %mul3A_402 : vector<16xf32> to vector<16xf32>
    tpu.vector_store %arg13[%swap3A_403], %swap3A_406 {strides = array<i32>} : memref<128xf32, #tpu.memory_space<vmem>>, vector<16xf32>,
    %get3A_407 = arith.constant 32 : index
    %get3A_408 = tpu.vector_load %arg7[%get3A_407] {strides = array<i32>} : memref<128xi32, #tpu.memory_space<vmem>>, vector<16xi32>,
    %get3A_409 = vector.shape_cast %get3A_408 : vector<16xi32> to vector<16xi32>
    %get3A_410 = arith.constant 32 : index
    %get3A_411 = tpu.vector_load %arg11[%get3A_410] {strides = array<i32>} : memref<128xf32, #tpu.memory_space<vmem>>, vector<16xf32>,
    %get3A_412 = vector.shape_cast %get3A_411 : vector<16xf32> to vector<16xf32>
    %convert_element_type3A_413 = arith.sitofp %get3A_409 : vector<16xi32> to vector<16xf32>
    %add3A_414 = arith.constant 1.000000e+00 : f32
    %add3A_415 = vector.broadcast %add3A_414 : f32 to vector<16xf32>
    %add3A_416 = arith.addf %convert_element_type3A_413, %add3A_415 : vector<16xf32>
    %mul3A_417 = arith.constant 1.20901459E-4 : f32
    %mul3A_418 = vector.broadcast %mul3A_417 : f32 to vector<16xf32>
    %mul3A_419 = arith.mulf %add3A_416, %mul3A_418 : vector<16xf32>
    %exp3A_420 = math.exp %get3A_412 : vector<16xf32>
    %mul3A_421 = arith.mulf %mul3A_419, %exp3A_420 : vector<16xf32>
    %swap3A_422 = arith.constant 32 : index
    %swap3A_423 = tpu.vector_load %arg13[%swap3A_422] {strides = array<i32>} : memref<128xf32, #tpu.memory_space<vmem>>, vector<16xf32>,
    %swap3A_424 = vector.shape_cast %swap3A_423 : vector<16xf32> to vector<16xf32>
    %swap3A_425 = vector.shape_cast %mul3A_421 : vector<16xf32> to vector<16xf32>
    tpu.vector_store %arg13[%swap3A_422], %swap3A_425 {strides = array<i32>} : memref<128xf32, #tpu.memory_space<vmem>>, vector<16xf32>,
    %get3A_426 = arith.constant 48 : index
    %get3A_427 = tpu.vector_load %arg7[%get3A_426] {strides = array<i32>} : memref<128xi32, #tpu.memory_space<vmem>>, vector<16xi32>,
    %get3A_428 = vector.shape_cast %get3A_427 : vector<16xi32> to vector<16xi32>
    %get3A_429 = arith.constant 48 : index
    %get3A_430 = tpu.vector_load %arg11[%get3A_429] {strides = array<i32>} : memref<128xf32, #tpu.memory_space<vmem>>, vector<16xf32>,
    %get3A_431 = vector.shape_cast %get3A_430 : vector<16xf32> to vector<16xf32>
    %convert_element_type3A_432 = arith.sitofp %get3A_428 : vector<16xi32> to vector<16xf32>
    %add3A_433 = arith.constant 1.000000e+00 : f32
    %add3A_434 = vector.broadcast %add3A_433 : f32 to vector<16xf32>
    %add3A_435 = arith.addf %convert_element_type3A_432, %add3A_434 : vector<16xf32>
    %mul3A_436 = arith.constant 1.20901459E-4 : f32
    %mul3A_437 = vector.broadcast %mul3A_436 : f32 to vector<16xf32>
    %mul3A_438 = arith.mulf %add3A_435, %mul3A_437 : vector<16xf32>
    %exp3A_439 = math.exp %get3A_431 : vector<16xf32>
    %mul3A_440 = arith.mulf %mul3A_438, %exp3A_439 : vector<16xf32>
    %swap3A_441 = arith.constant 48 : index
    %swap3A_442 = tpu.vector_load %arg13[%swap3A_441] {strides = array<i32>} : memref<128xf32, #tpu.memory_space<vmem>>, vector<16xf32>,
    %swap3A_443 = vector.shape_cast %swap3A_442 : vector<16xf32> to vector<16xf32>
    %swap3A_444 = vector.shape_cast %mul3A_440 : vector<16xf32> to vector<16xf32>
    tpu.vector_store %arg13[%swap3A_441], %swap3A_444 {strides = array<i32>} : memref<128xf32, #tpu.memory_space<vmem>>, vector<16xf32>,
    %get3A_445 = arith.constant 64 : index
    %get3A_446 = tpu.vector_load %arg7[%get3A_445] {strides = array<i32>} : memref<128xi32, #tpu.memory_space<vmem>>, vector<16xi32>,
    %get3A_447 = vector.shape_cast %get3A_446 : vector<16xi32> to vector<16xi32>
    %get3A_448 = arith.constant 64 : index
    %get3A_449 = tpu.vector_load %arg11[%get3A_448] {strides = array<i32>} : memref<128xf32, #tpu.memory_space<vmem>>, vector<16xf32>,
    %get3A_450 = vector.shape_cast %get3A_449 : vector<16xf32> to vector<16xf32>
    %convert_element_type3A_451 = arith.sitofp %get3A_447 : vector<16xi32> to vector<16xf32>
    %add3A_452 = arith.constant 1.000000e+00 : f32
    %add3A_453 = vector.broadcast %add3A_452 : f32 to vector<16xf32>
    %add3A_454 = arith.addf %convert_element_type3A_451, %add3A_453 : vector<16xf32>
    %mul3A_455 = arith.constant 1.20901459E-4 : f32
    %mul3A_456 = vector.broadcast %mul3A_455 : f32 to vector<16xf32>
    %mul3A_457 = arith.mulf %add3A_454, %mul3A_456 : vector<16xf32>
    %exp3A_458 = math.exp %get3A_450 : vector<16xf32>
    %mul3A_459 = arith.mulf %mul3A_457, %exp3A_458 : vector<16xf32>
    %swap3A_460 = arith.constant 64 : index
    %swap3A_461 = tpu.vector_load %arg13[%swap3A_460] {strides = array<i32>} : memref<128xf32, #tpu.memory_space<vmem>>, vector<16xf32>,
    %swap3A_462 = vector.shape_cast %swap3A_461 : vector<16xf32> to vector<16xf32>
    %swap3A_463 = vector.shape_cast %mul3A_459 : vector<16xf32> to vector<16xf32>
    tpu.vector_store %arg13[%swap3A_460], %swap3A_463 {strides = array<i32>} : memref<128xf32, #tpu.memory_space<vmem>>, vector<16xf32>,
    %get3A_464 = arith.constant 80 : index
    %get3A_465 = tpu.vector_load %arg7[%get3A_464] {strides = array<i32>} : memref<128xi32, #tpu.memory_space<vmem>>, vector<16xi32>,
    %get3A_466 = vector.shape_cast %get3A_465 : vector<16xi32> to vector<16xi32>
    %get3A_467 = arith.constant 80 : index
    %get3A_468 = tpu.vector_load %arg11[%get3A_467] {strides = array<i32>} : memref<128xf32, #tpu.memory_space<vmem>>, vector<16xf32>,
    %get3A_469 = vector.shape_cast %get3A_468 : vector<16xf32> to vector<16xf32>
    %convert_element_type3A_470 = arith.sitofp %get3A_466 : vector<16xi32> to vector<16xf32>
    %add3A_471 = arith.constant 1.000000e+00 : f32
    %add3A_472 = vector.broadcast %add3A_471 : f32 to vector<16xf32>
    %add3A_473 = arith.addf %convert_element_type3A_470, %add3A_472 : vector<16xf32>
    %mul3A_474 = arith.constant 1.20901459E-4 : f32
    %mul3A_475 = vector.broadcast %mul3A_474 : f32 to vector<16xf32>
    %mul3A_476 = arith.mulf %add3A_473, %mul3A_475 : vector<16xf32>
    %exp3A_477 = math.exp %get3A_469 : vector<16xf32>
    %mul3A_478 = arith.mulf %mul3A_476, %exp3A_477 : vector<16xf32>
    %swap3A_479 = arith.constant 80 : index
    %swap3A_480 = tpu.vector_load %arg13[%swap3A_479] {strides = array<i32>} : memref<128xf32, #tpu.memory_space<vmem>>, vector<16xf32>,
    %swap3A_481 = vector.shape_cast %swap3A_480 : vector<16xf32> to vector<16xf32>
    %swap3A_482 = vector.shape_cast %mul3A_478 : vector<16xf32> to vector<16xf32>
    tpu.vector_store %arg13[%swap3A_479], %swap3A_482 {strides = array<i32>} : memref<128xf32, #tpu.memory_space<vmem>>, vector<16xf32>,
    %get3A_483 = arith.constant 96 : index
    %get3A_484 = tpu.vector_load %arg7[%get3A_483] {strides = array<i32>} : memref<128xi32, #tpu.memory_space<vmem>>, vector<16xi32>,
    %get3A_485 = vector.shape_cast %get3A_484 : vector<16xi32> to vector<16xi32>
    %get3A_486 = arith.constant 96 : index
    %get3A_487 = tpu.vector_load %arg11[%get3A_486] {strides = array<i32>} : memref<128xf32, #tpu.memory_space<vmem>>, vector<16xf32>,
    %get3A_488 = vector.shape_cast %get3A_487 : vector<16xf32> to vector<16xf32>
    %convert_element_type3A_489 = arith.sitofp %get3A_485 : vector<16xi32> to vector<16xf32>
    %add3A_490 = arith.constant 1.000000e+00 : f32
    %add3A_491 = vector.broadcast %add3A_490 : f32 to vector<16xf32>
    %add3A_492 = arith.addf %convert_element_type3A_489, %add3A_491 : vector<16xf32>
    %mul3A_493 = arith.constant 1.20901459E-4 : f32
    %mul3A_494 = vector.broadcast %mul3A_493 : f32 to vector<16xf32>
    %mul3A_495 = arith.mulf %add3A_492, %mul3A_494 : vector<16xf32>
    %exp3A_496 = math.exp %get3A_488 : vector<16xf32>
    %mul3A_497 = arith.mulf %mul3A_495, %exp3A_496 : vector<16xf32>
    %swap3A_498 = arith.constant 96 : index
    %swap3A_499 = tpu.vector_load %arg13[%swap3A_498] {strides = array<i32>} : memref<128xf32, #tpu.memory_space<vmem>>, vector<16xf32>,
    %swap3A_500 = vector.shape_cast %swap3A_499 : vector<16xf32> to vector<16xf32>
    %swap3A_501 = vector.shape_cast %mul3A_497 : vector<16xf32> to vector<16xf32>
    tpu.vector_store %arg13[%swap3A_498], %swap3A_501 {strides = array<i32>} : memref<128xf32, #tpu.memory_space<vmem>>, vector<16xf32>,
    %get3A_502 = arith.constant 112 : index
    %get3A_503 = tpu.vector_load %arg7[%get3A_502] {strides = array<i32>} : memref<128xi32, #tpu.memory_space<vmem>>, vector<16xi32>,
    %get3A_504 = vector.shape_cast %get3A_503 : vector<16xi32> to vector<16xi32>
    %get3A_505 = arith.constant 112 : index
    %get3A_506 = tpu.vector_load %arg11[%get3A_505] {strides = array<i32>} : memref<128xf32, #tpu.memory_space<vmem>>, vector<16xf32>,
    %get3A_507 = vector.shape_cast %get3A_506 : vector<16xf32> to vector<16xf32>
    %convert_element_type3A_508 = arith.sitofp %get3A_504 : vector<16xi32> to vector<16xf32>
    %add3A_509 = arith.constant 1.000000e+00 : f32
    %add3A_510 = vector.broadcast %add3A_509 : f32 to vector<16xf32>
    %add3A_511 = arith.addf %convert_element_type3A_508, %add3A_510 : vector<16xf32>
    %mul3A_512 = arith.constant 1.20901459E-4 : f32
    %mul3A_513 = vector.broadcast %mul3A_512 : f32 to vector<16xf32>
    %mul3A_514 = arith.mulf %add3A_511, %mul3A_513 : vector<16xf32>
    %exp3A_515 = math.exp %get3A_507 : vector<16xf32>
    %mul3A_516 = arith.mulf %mul3A_514, %exp3A_515 : vector<16xf32>
    %swap3A_517 = arith.constant 112 : index
    %swap3A_518 = tpu.vector_load %arg13[%swap3A_517] {strides = array<i32>} : memref<128xf32, #tpu.memory_space<vmem>>, vector<16xf32>,
    %swap3A_519 = vector.shape_cast %swap3A_518 : vector<16xf32> to vector<16xf32>
    %swap3A_520 = vector.shape_cast %mul3A_516 : vector<16xf32> to vector<16xf32>
    tpu.vector_store %arg13[%swap3A_517], %swap3A_520 {strides = array<i32>} : memref<128xf32, #tpu.memory_space<vmem>>, vector<16xf32>,
    %dma_wait3A_521 = arith.constant 0 : i32
    %dma_wait3A_522 = arith.constant 0 : i32
    %dma_wait3A_523 = tpu.memref_slice %arg3[%dma_wait3A_521, %dma_wait3A_522] : memref<100000x128xf32, #tpu.memory_space<hbm>> -> memref<100000x128xf32, #tpu.memory_space<hbm>>
    tpu.wait_indirect_dma semaphore(%arg15 : memref<!tpu.dma_semaphore, #tpu.memory_space<semaphore_mem>>) src(%dma_wait3A_523 : memref<100000x128xf32, #tpu.memory_space<hbm>>) dst(%arg9 : memref<128x128xf32, #tpu.memory_space<vmem>>)
    %add3A_524 = arith.constant 256 : i32
    %add3A_525 = arith.addi %mul3A_2, %add3A_524 : i32
    %dma_start3A_526 = arith.constant 0 : i32
    %dma_start3A_527 = tpu.memref_slice %arg5[%add3A_525, %dma_start3A_526] : memref<32768x128xf32, #tpu.memory_space<hbm>> -> memref<128x128xf32, #tpu.memory_space<hbm>>
    %dma_start3A_528 = arith.constant 0 : i32
    %dma_start3A_529 = tpu.memref_slice %arg5[%add3A_525, %dma_start3A_528] : memref<32768x128xf32, #tpu.memory_space<hbm>> -> memref<128x128xf32, #tpu.memory_space<hbm>>
    tpu.enqueue_dma source(%arg9 : memref<128x128xf32, #tpu.memory_space<vmem>>) target(%dma_start3A_529 : memref<128x128xf32, #tpu.memory_space<hbm>>) target_semaphore(%arg19 : memref<!tpu.dma_semaphore, #tpu.memory_space<semaphore_mem>>)
    %dma_start3A_530 = tpu.memref_slice %arg6[%add3A_525] : memref<32768xf32, #tpu.memory_space<hbm>> -> memref<128xf32, #tpu.memory_space<hbm>>
    %dma_start3A_531 = tpu.memref_slice %arg6[%add3A_525] : memref<32768xf32, #tpu.memory_space<hbm>> -> memref<128xf32, #tpu.memory_space<hbm>>
    tpu.enqueue_dma source(%arg13 : memref<128xf32, #tpu.memory_space<vmem>>) target(%dma_start3A_531 : memref<128xf32, #tpu.memory_space<hbm>>) target_semaphore(%arg21 : memref<!tpu.dma_semaphore, #tpu.memory_space<semaphore_mem>>)
    %dma_wait3A_532 = arith.constant 0 : i32
    %dma_wait3A_533 = tpu.memref_slice %arg5[%add3A_525, %dma_wait3A_532] : memref<32768x128xf32, #tpu.memory_space<hbm>> -> memref<128x128xf32, #tpu.memory_space<hbm>>
    %dma_wait3A_534 = arith.constant 0 : i32
    %dma_wait3A_535 = tpu.memref_slice %arg5[%add3A_525, %dma_wait3A_534] : memref<32768x128xf32, #tpu.memory_space<hbm>> -> memref<128x128xf32, #tpu.memory_space<hbm>>
    tpu.wait_dma2 semaphore(%arg19 : memref<!tpu.dma_semaphore, #tpu.memory_space<semaphore_mem>>) src(%arg9 : memref<128x128xf32, #tpu.memory_space<vmem>>) dst(%dma_wait3A_535 : memref<128x128xf32, #tpu.memory_space<hbm>>)
    %dma_wait3A_536 = tpu.memref_slice %arg6[%add3A_525] : memref<32768xf32, #tpu.memory_space<hbm>> -> memref<128xf32, #tpu.memory_space<hbm>>
    %dma_wait3A_537 = tpu.memref_slice %arg6[%add3A_525] : memref<32768xf32, #tpu.memory_space<hbm>> -> memref<128xf32, #tpu.memory_space<hbm>>
    tpu.wait_dma2 semaphore(%arg21 : memref<!tpu.dma_semaphore, #tpu.memory_space<semaphore_mem>>) src(%arg13 : memref<128xf32, #tpu.memory_space<vmem>>) dst(%dma_wait3A_537 : memref<128xf32, #tpu.memory_space<hbm>>)
    %add3A_538 = arith.constant 512 : i32
    %add3A_539 = arith.addi %mul3A_2, %add3A_538 : i32
    "tpu.region"() ({
      %run_scoped3A = tpu.sem_alloc : memref<!tpu.dma_semaphore, #tpu.memory_space<semaphore_mem>>
      %dma_start3A_1421 = tpu.memref_slice %arg2[%add3A_539] : memref<32768xi32, #tpu.memory_space<hbm>> -> memref<128xi32, #tpu.memory_space<hbm>>
      %dma_start3A_1422 = tpu.memref_slice %arg2[%add3A_539] : memref<32768xi32, #tpu.memory_space<hbm>> -> memref<128xi32, #tpu.memory_space<hbm>>
      tpu.enqueue_dma source(%dma_start3A_1422 : memref<128xi32, #tpu.memory_space<hbm>>) target(%arg7 : memref<128xi32, #tpu.memory_space<vmem>>) target_semaphore(%run_scoped3A : memref<!tpu.dma_semaphore, #tpu.memory_space<semaphore_mem>>)
      %dma_wait3A_1423 = tpu.memref_slice %arg2[%add3A_539] : memref<32768xi32, #tpu.memory_space<hbm>> -> memref<128xi32, #tpu.memory_space<hbm>>
      %dma_wait3A_1424 = tpu.memref_slice %arg2[%add3A_539] : memref<32768xi32, #tpu.memory_space<hbm>> -> memref<128xi32, #tpu.memory_space<hbm>>
      tpu.wait_dma2 semaphore(%run_scoped3A : memref<!tpu.dma_semaphore, #tpu.memory_space<semaphore_mem>>) src(%dma_wait3A_1424 : memref<128xi32, #tpu.memory_space<hbm>>) dst(%arg7 : memref<128xi32, #tpu.memory_space<vmem>>)
      tpu.yield
    }) : () -> ()
    %dma_start3A_540 = arith.constant 0 : i32
    %dma_start3A_541 = arith.constant 0 : i32
    %dma_start3A_542 = tpu.memref_slice %arg3[%dma_start3A_540, %dma_start3A_541] : memref<100000x128xf32, #tpu.memory_space<hbm>> -> memref<100000x128xf32, #tpu.memory_space<hbm>>
    tpu.enqueue_indirect_dma source(%dma_start3A_542 : memref<100000x128xf32, #tpu.memory_space<hbm>>) target(%arg9 : memref<128x128xf32, #tpu.memory_space<vmem>>) offsets(%arg7 : memref<128xi32, #tpu.memory_space<vmem>>) semaphore(%arg15 : memref<!tpu.dma_semaphore, #tpu.memory_space<semaphore_mem>>)
    %dma_start3A_543 = arith.constant 0 : i32
    %dma_start3A_544 = tpu.memref_slice %arg4[%dma_start3A_543] : memref<100000xf32, #tpu.memory_space<hbm>> -> memref<100000xf32, #tpu.memory_space<hbm>>
    tpu.enqueue_indirect_dma source(%dma_start3A_544 : memref<100000xf32, #tpu.memory_space<hbm>>) target(%arg11 : memref<128xf32, #tpu.memory_space<vmem>>) offsets(%arg7 : memref<128xi32, #tpu.memory_space<vmem>>) semaphore(%arg17 : memref<!tpu.dma_semaphore, #tpu.memory_space<semaphore_mem>>)
    %dma_wait3A_545 = arith.constant 0 : i32
    %dma_wait3A_546 = tpu.memref_slice %arg4[%dma_wait3A_545] : memref<100000xf32, #tpu.memory_space<hbm>> -> memref<100000xf32, #tpu.memory_space<hbm>>
    tpu.wait_indirect_dma semaphore(%arg18 : memref<!tpu.dma_semaphore, #tpu.memory_space<semaphore_mem>>) src(%dma_wait3A_546 : memref<100000xf32, #tpu.memory_space<hbm>>) dst(%arg12 : memref<128xf32, #tpu.memory_space<vmem>>)
    %get3A_547 = arith.constant 0 : index
    %get3A_548 = tpu.vector_load %arg8[%get3A_547] {strides = array<i32>} : memref<128xi32, #tpu.memory_space<vmem>>, vector<16xi32>,
    %get3A_549 = vector.shape_cast %get3A_548 : vector<16xi32> to vector<16xi32>
    %get3A_550 = arith.constant 0 : index
    %get3A_551 = tpu.vector_load %arg12[%get3A_550] {strides = array<i32>} : memref<128xf32, #tpu.memory_space<vmem>>, vector<16xf32>,
    %get3A_552 = vector.shape_cast %get3A_551 : vector<16xf32> to vector<16xf32>
    %convert_element_type3A_553 = arith.sitofp %get3A_549 : vector<16xi32> to vector<16xf32>
    %add3A_554 = arith.constant 1.000000e+00 : f32
    %add3A_555 = vector.broadcast %add3A_554 : f32 to vector<16xf32>
    %add3A_556 = arith.addf %convert_element_type3A_553, %add3A_555 : vector<16xf32>
    %mul3A_557 = arith.constant 1.20901459E-4 : f32
    %mul3A_558 = vector.broadcast %mul3A_557 : f32 to vector<16xf32>
    %mul3A_559 = arith.mulf %add3A_556, %mul3A_558 : vector<16xf32>
    %exp3A_560 = math.exp %get3A_552 : vector<16xf32>
    %mul3A_561 = arith.mulf %mul3A_559, %exp3A_560 : vector<16xf32>
    %swap3A_562 = arith.constant 0 : index
    %swap3A_563 = tpu.vector_load %arg14[%swap3A_562] {strides = array<i32>} : memref<128xf32, #tpu.memory_space<vmem>>, vector<16xf32>,
    %swap3A_564 = vector.shape_cast %swap3A_563 : vector<16xf32> to vector<16xf32>
    %swap3A_565 = vector.shape_cast %mul3A_561 : vector<16xf32> to vector<16xf32>
    tpu.vector_store %arg14[%swap3A_562], %swap3A_565 {strides = array<i32>} : memref<128xf32, #tpu.memory_space<vmem>>, vector<16xf32>,
    %get3A_566 = arith.constant 16 : index
    %get3A_567 = tpu.vector_load %arg8[%get3A_566] {strides = array<i32>} : memref<128xi32, #tpu.memory_space<vmem>>, vector<16xi32>,
    %get3A_568 = vector.shape_cast %get3A_567 : vector<16xi32> to vector<16xi32>
    %get3A_569 = arith.constant 16 : index
    %get3A_570 = tpu.vector_load %arg12[%get3A_569] {strides = array<i32>} : memref<128xf32, #tpu.memory_space<vmem>>, vector<16xf32>,
    %get3A_571 = vector.shape_cast %get3A_570 : vector<16xf32> to vector<16xf32>
    %convert_element_type3A_572 = arith.sitofp %get3A_568 : vector<16xi32> to vector<16xf32>
    %add3A_573 = arith.constant 1.000000e+00 : f32
    %add3A_574 = vector.broadcast %add3A_573 : f32 to vector<16xf32>
    %add3A_575 = arith.addf %convert_element_type3A_572, %add3A_574 : vector<16xf32>
    %mul3A_576 = arith.constant 1.20901459E-4 : f32
    %mul3A_577 = vector.broadcast %mul3A_576 : f32 to vector<16xf32>
    %mul3A_578 = arith.mulf %add3A_575, %mul3A_577 : vector<16xf32>
    %exp3A_579 = math.exp %get3A_571 : vector<16xf32>
    %mul3A_580 = arith.mulf %mul3A_578, %exp3A_579 : vector<16xf32>
    %swap3A_581 = arith.constant 16 : index
    %swap3A_582 = tpu.vector_load %arg14[%swap3A_581] {strides = array<i32>} : memref<128xf32, #tpu.memory_space<vmem>>, vector<16xf32>,
    %swap3A_583 = vector.shape_cast %swap3A_582 : vector<16xf32> to vector<16xf32>
    %swap3A_584 = vector.shape_cast %mul3A_580 : vector<16xf32> to vector<16xf32>
    tpu.vector_store %arg14[%swap3A_581], %swap3A_584 {strides = array<i32>} : memref<128xf32, #tpu.memory_space<vmem>>, vector<16xf32>,
    %get3A_585 = arith.constant 32 : index
    %get3A_586 = tpu.vector_load %arg8[%get3A_585] {strides = array<i32>} : memref<128xi32, #tpu.memory_space<vmem>>, vector<16xi32>,
    %get3A_587 = vector.shape_cast %get3A_586 : vector<16xi32> to vector<16xi32>
    %get3A_588 = arith.constant 32 : index
    %get3A_589 = tpu.vector_load %arg12[%get3A_588] {strides = array<i32>} : memref<128xf32, #tpu.memory_space<vmem>>, vector<16xf32>,
    %get3A_590 = vector.shape_cast %get3A_589 : vector<16xf32> to vector<16xf32>
    %convert_element_type3A_591 = arith.sitofp %get3A_587 : vector<16xi32> to vector<16xf32>
    %add3A_592 = arith.constant 1.000000e+00 : f32
    %add3A_593 = vector.broadcast %add3A_592 : f32 to vector<16xf32>
    %add3A_594 = arith.addf %convert_element_type3A_591, %add3A_593 : vector<16xf32>
    %mul3A_595 = arith.constant 1.20901459E-4 : f32
    %mul3A_596 = vector.broadcast %mul3A_595 : f32 to vector<16xf32>
    %mul3A_597 = arith.mulf %add3A_594, %mul3A_596 : vector<16xf32>
    %exp3A_598 = math.exp %get3A_590 : vector<16xf32>
    %mul3A_599 = arith.mulf %mul3A_597, %exp3A_598 : vector<16xf32>
    %swap3A_600 = arith.constant 32 : index
    %swap3A_601 = tpu.vector_load %arg14[%swap3A_600] {strides = array<i32>} : memref<128xf32, #tpu.memory_space<vmem>>, vector<16xf32>,
    %swap3A_602 = vector.shape_cast %swap3A_601 : vector<16xf32> to vector<16xf32>
    %swap3A_603 = vector.shape_cast %mul3A_599 : vector<16xf32> to vector<16xf32>
    tpu.vector_store %arg14[%swap3A_600], %swap3A_603 {strides = array<i32>} : memref<128xf32, #tpu.memory_space<vmem>>, vector<16xf32>,
    %get3A_604 = arith.constant 48 : index
    %get3A_605 = tpu.vector_load %arg8[%get3A_604] {strides = array<i32>} : memref<128xi32, #tpu.memory_space<vmem>>, vector<16xi32>,
    %get3A_606 = vector.shape_cast %get3A_605 : vector<16xi32> to vector<16xi32>
    %get3A_607 = arith.constant 48 : index
    %get3A_608 = tpu.vector_load %arg12[%get3A_607] {strides = array<i32>} : memref<128xf32, #tpu.memory_space<vmem>>, vector<16xf32>,
    %get3A_609 = vector.shape_cast %get3A_608 : vector<16xf32> to vector<16xf32>
    %convert_element_type3A_610 = arith.sitofp %get3A_606 : vector<16xi32> to vector<16xf32>
    %add3A_611 = arith.constant 1.000000e+00 : f32
    %add3A_612 = vector.broadcast %add3A_611 : f32 to vector<16xf32>
    %add3A_613 = arith.addf %convert_element_type3A_610, %add3A_612 : vector<16xf32>
    %mul3A_614 = arith.constant 1.20901459E-4 : f32
    %mul3A_615 = vector.broadcast %mul3A_614 : f32 to vector<16xf32>
    %mul3A_616 = arith.mulf %add3A_613, %mul3A_615 : vector<16xf32>
    %exp3A_617 = math.exp %get3A_609 : vector<16xf32>
    %mul3A_618 = arith.mulf %mul3A_616, %exp3A_617 : vector<16xf32>
    %swap3A_619 = arith.constant 48 : index
    %swap3A_620 = tpu.vector_load %arg14[%swap3A_619] {strides = array<i32>} : memref<128xf32, #tpu.memory_space<vmem>>, vector<16xf32>,
    %swap3A_621 = vector.shape_cast %swap3A_620 : vector<16xf32> to vector<16xf32>
    %swap3A_622 = vector.shape_cast %mul3A_618 : vector<16xf32> to vector<16xf32>
    tpu.vector_store %arg14[%swap3A_619], %swap3A_622 {strides = array<i32>} : memref<128xf32, #tpu.memory_space<vmem>>, vector<16xf32>,
    %get3A_623 = arith.constant 64 : index
    %get3A_624 = tpu.vector_load %arg8[%get3A_623] {strides = array<i32>} : memref<128xi32, #tpu.memory_space<vmem>>, vector<16xi32>,
    %get3A_625 = vector.shape_cast %get3A_624 : vector<16xi32> to vector<16xi32>
    %get3A_626 = arith.constant 64 : index
    %get3A_627 = tpu.vector_load %arg12[%get3A_626] {strides = array<i32>} : memref<128xf32, #tpu.memory_space<vmem>>, vector<16xf32>,
    %get3A_628 = vector.shape_cast %get3A_627 : vector<16xf32> to vector<16xf32>
    %convert_element_type3A_629 = arith.sitofp %get3A_625 : vector<16xi32> to vector<16xf32>
    %add3A_630 = arith.constant 1.000000e+00 : f32
    %add3A_631 = vector.broadcast %add3A_630 : f32 to vector<16xf32>
    %add3A_632 = arith.addf %convert_element_type3A_629, %add3A_631 : vector<16xf32>
    %mul3A_633 = arith.constant 1.20901459E-4 : f32
    %mul3A_634 = vector.broadcast %mul3A_633 : f32 to vector<16xf32>
    %mul3A_635 = arith.mulf %add3A_632, %mul3A_634 : vector<16xf32>
    %exp3A_636 = math.exp %get3A_628 : vector<16xf32>
    %mul3A_637 = arith.mulf %mul3A_635, %exp3A_636 : vector<16xf32>
    %swap3A_638 = arith.constant 64 : index
    %swap3A_639 = tpu.vector_load %arg14[%swap3A_638] {strides = array<i32>} : memref<128xf32, #tpu.memory_space<vmem>>, vector<16xf32>,
    %swap3A_640 = vector.shape_cast %swap3A_639 : vector<16xf32> to vector<16xf32>
    %swap3A_641 = vector.shape_cast %mul3A_637 : vector<16xf32> to vector<16xf32>
    tpu.vector_store %arg14[%swap3A_638], %swap3A_641 {strides = array<i32>} : memref<128xf32, #tpu.memory_space<vmem>>, vector<16xf32>,
    %get3A_642 = arith.constant 80 : index
    %get3A_643 = tpu.vector_load %arg8[%get3A_642] {strides = array<i32>} : memref<128xi32, #tpu.memory_space<vmem>>, vector<16xi32>,
    %get3A_644 = vector.shape_cast %get3A_643 : vector<16xi32> to vector<16xi32>
    %get3A_645 = arith.constant 80 : index
    %get3A_646 = tpu.vector_load %arg12[%get3A_645] {strides = array<i32>} : memref<128xf32, #tpu.memory_space<vmem>>, vector<16xf32>,
    %get3A_647 = vector.shape_cast %get3A_646 : vector<16xf32> to vector<16xf32>
    %convert_element_type3A_648 = arith.sitofp %get3A_644 : vector<16xi32> to vector<16xf32>
    %add3A_649 = arith.constant 1.000000e+00 : f32
    %add3A_650 = vector.broadcast %add3A_649 : f32 to vector<16xf32>
    %add3A_651 = arith.addf %convert_element_type3A_648, %add3A_650 : vector<16xf32>
    %mul3A_652 = arith.constant 1.20901459E-4 : f32
    %mul3A_653 = vector.broadcast %mul3A_652 : f32 to vector<16xf32>
    %mul3A_654 = arith.mulf %add3A_651, %mul3A_653 : vector<16xf32>
    %exp3A_655 = math.exp %get3A_647 : vector<16xf32>
    %mul3A_656 = arith.mulf %mul3A_654, %exp3A_655 : vector<16xf32>
    %swap3A_657 = arith.constant 80 : index
    %swap3A_658 = tpu.vector_load %arg14[%swap3A_657] {strides = array<i32>} : memref<128xf32, #tpu.memory_space<vmem>>, vector<16xf32>,
    %swap3A_659 = vector.shape_cast %swap3A_658 : vector<16xf32> to vector<16xf32>
    %swap3A_660 = vector.shape_cast %mul3A_656 : vector<16xf32> to vector<16xf32>
    tpu.vector_store %arg14[%swap3A_657], %swap3A_660 {strides = array<i32>} : memref<128xf32, #tpu.memory_space<vmem>>, vector<16xf32>,
    %get3A_661 = arith.constant 96 : index
    %get3A_662 = tpu.vector_load %arg8[%get3A_661] {strides = array<i32>} : memref<128xi32, #tpu.memory_space<vmem>>, vector<16xi32>,
    %get3A_663 = vector.shape_cast %get3A_662 : vector<16xi32> to vector<16xi32>
    %get3A_664 = arith.constant 96 : index
    %get3A_665 = tpu.vector_load %arg12[%get3A_664] {strides = array<i32>} : memref<128xf32, #tpu.memory_space<vmem>>, vector<16xf32>,
    %get3A_666 = vector.shape_cast %get3A_665 : vector<16xf32> to vector<16xf32>
    %convert_element_type3A_667 = arith.sitofp %get3A_663 : vector<16xi32> to vector<16xf32>
    %add3A_668 = arith.constant 1.000000e+00 : f32
    %add3A_669 = vector.broadcast %add3A_668 : f32 to vector<16xf32>
    %add3A_670 = arith.addf %convert_element_type3A_667, %add3A_669 : vector<16xf32>
    %mul3A_671 = arith.constant 1.20901459E-4 : f32
    %mul3A_672 = vector.broadcast %mul3A_671 : f32 to vector<16xf32>
    %mul3A_673 = arith.mulf %add3A_670, %mul3A_672 : vector<16xf32>
    %exp3A_674 = math.exp %get3A_666 : vector<16xf32>
    %mul3A_675 = arith.mulf %mul3A_673, %exp3A_674 : vector<16xf32>
    %swap3A_676 = arith.constant 96 : index
    %swap3A_677 = tpu.vector_load %arg14[%swap3A_676] {strides = array<i32>} : memref<128xf32, #tpu.memory_space<vmem>>, vector<16xf32>,
    %swap3A_678 = vector.shape_cast %swap3A_677 : vector<16xf32> to vector<16xf32>
    %swap3A_679 = vector.shape_cast %mul3A_675 : vector<16xf32> to vector<16xf32>
    tpu.vector_store %arg14[%swap3A_676], %swap3A_679 {strides = array<i32>} : memref<128xf32, #tpu.memory_space<vmem>>, vector<16xf32>,
    %get3A_680 = arith.constant 112 : index
    %get3A_681 = tpu.vector_load %arg8[%get3A_680] {strides = array<i32>} : memref<128xi32, #tpu.memory_space<vmem>>, vector<16xi32>,
    %get3A_682 = vector.shape_cast %get3A_681 : vector<16xi32> to vector<16xi32>
    %get3A_683 = arith.constant 112 : index
    %get3A_684 = tpu.vector_load %arg12[%get3A_683] {strides = array<i32>} : memref<128xf32, #tpu.memory_space<vmem>>, vector<16xf32>,
    %get3A_685 = vector.shape_cast %get3A_684 : vector<16xf32> to vector<16xf32>
    %convert_element_type3A_686 = arith.sitofp %get3A_682 : vector<16xi32> to vector<16xf32>
    %add3A_687 = arith.constant 1.000000e+00 : f32
    %add3A_688 = vector.broadcast %add3A_687 : f32 to vector<16xf32>
    %add3A_689 = arith.addf %convert_element_type3A_686, %add3A_688 : vector<16xf32>
    %mul3A_690 = arith.constant 1.20901459E-4 : f32
    %mul3A_691 = vector.broadcast %mul3A_690 : f32 to vector<16xf32>
    %mul3A_692 = arith.mulf %add3A_689, %mul3A_691 : vector<16xf32>
    %exp3A_693 = math.exp %get3A_685 : vector<16xf32>
    %mul3A_694 = arith.mulf %mul3A_692, %exp3A_693 : vector<16xf32>
    %swap3A_695 = arith.constant 112 : index
    %swap3A_696 = tpu.vector_load %arg14[%swap3A_695] {strides = array<i32>} : memref<128xf32, #tpu.memory_space<vmem>>, vector<16xf32>,
    %swap3A_697 = vector.shape_cast %swap3A_696 : vector<16xf32> to vector<16xf32>
    %swap3A_698 = vector.shape_cast %mul3A_694 : vector<16xf32> to vector<16xf32>
    tpu.vector_store %arg14[%swap3A_695], %swap3A_698 {strides = array<i32>} : memref<128xf32, #tpu.memory_space<vmem>>, vector<16xf32>,
    %dma_wait3A_699 = arith.constant 0 : i32
    %dma_wait3A_700 = arith.constant 0 : i32
    %dma_wait3A_701 = tpu.memref_slice %arg3[%dma_wait3A_699, %dma_wait3A_700] : memref<100000x128xf32, #tpu.memory_space<hbm>> -> memref<100000x128xf32, #tpu.memory_space<hbm>>
    tpu.wait_indirect_dma semaphore(%arg16 : memref<!tpu.dma_semaphore, #tpu.memory_space<semaphore_mem>>) src(%dma_wait3A_701 : memref<100000x128xf32, #tpu.memory_space<hbm>>) dst(%arg10 : memref<128x128xf32, #tpu.memory_space<vmem>>)
    %add3A_702 = arith.constant 384 : i32
    %add3A_703 = arith.addi %mul3A_2, %add3A_702 : i32
    %dma_start3A_704 = arith.constant 0 : i32
    %dma_start3A_705 = tpu.memref_slice %arg5[%add3A_703, %dma_start3A_704] : memref<32768x128xf32, #tpu.memory_space<hbm>> -> memref<128x128xf32, #tpu.memory_space<hbm>>
    %dma_start3A_706 = arith.constant 0 : i32
    %dma_start3A_707 = tpu.memref_slice %arg5[%add3A_703, %dma_start3A_706] : memref<32768x128xf32, #tpu.memory_space<hbm>> -> memref<128x128xf32, #tpu.memory_space<hbm>>
    tpu.enqueue_dma source(%arg10 : memref<128x128xf32, #tpu.memory_space<vmem>>) target(%dma_start3A_707 : memref<128x128xf32, #tpu.memory_space<hbm>>) target_semaphore(%arg20 : memref<!tpu.dma_semaphore, #tpu.memory_space<semaphore_mem>>)
    %dma_start3A_708 = tpu.memref_slice %arg6[%add3A_703] : memref<32768xf32, #tpu.memory_space<hbm>> -> memref<128xf32, #tpu.memory_space<hbm>>
    %dma_start3A_709 = tpu.memref_slice %arg6[%add3A_703] : memref<32768xf32, #tpu.memory_space<hbm>> -> memref<128xf32, #tpu.memory_space<hbm>>
    tpu.enqueue_dma source(%arg14 : memref<128xf32, #tpu.memory_space<vmem>>) target(%dma_start3A_709 : memref<128xf32, #tpu.memory_space<hbm>>) target_semaphore(%arg22 : memref<!tpu.dma_semaphore, #tpu.memory_space<semaphore_mem>>)
    %dma_wait3A_710 = arith.constant 0 : i32
    %dma_wait3A_711 = tpu.memref_slice %arg5[%add3A_703, %dma_wait3A_710] : memref<32768x128xf32, #tpu.memory_space<hbm>> -> memref<128x128xf32, #tpu.memory_space<hbm>>
    %dma_wait3A_712 = arith.constant 0 : i32
    %dma_wait3A_713 = tpu.memref_slice %arg5[%add3A_703, %dma_wait3A_712] : memref<32768x128xf32, #tpu.memory_space<hbm>> -> memref<128x128xf32, #tpu.memory_space<hbm>>
    tpu.wait_dma2 semaphore(%arg20 : memref<!tpu.dma_semaphore, #tpu.memory_space<semaphore_mem>>) src(%arg10 : memref<128x128xf32, #tpu.memory_space<vmem>>) dst(%dma_wait3A_713 : memref<128x128xf32, #tpu.memory_space<hbm>>)
    %dma_wait3A_714 = tpu.memref_slice %arg6[%add3A_703] : memref<32768xf32, #tpu.memory_space<hbm>> -> memref<128xf32, #tpu.memory_space<hbm>>
    %dma_wait3A_715 = tpu.memref_slice %arg6[%add3A_703] : memref<32768xf32, #tpu.memory_space<hbm>> -> memref<128xf32, #tpu.memory_space<hbm>>
    tpu.wait_dma2 semaphore(%arg22 : memref<!tpu.dma_semaphore, #tpu.memory_space<semaphore_mem>>) src(%arg14 : memref<128xf32, #tpu.memory_space<vmem>>) dst(%dma_wait3A_715 : memref<128xf32, #tpu.memory_space<hbm>>)
    %add3A_716 = arith.constant 640 : i32
    %add3A_717 = arith.addi %mul3A_2, %add3A_716 : i32
    "tpu.region"() ({
      %run_scoped3A = tpu.sem_alloc : memref<!tpu.dma_semaphore, #tpu.memory_space<semaphore_mem>>
      %dma_start3A_1421 = tpu.memref_slice %arg2[%add3A_717] : memref<32768xi32, #tpu.memory_space<hbm>> -> memref<128xi32, #tpu.memory_space<hbm>>
      %dma_start3A_1422 = tpu.memref_slice %arg2[%add3A_717] : memref<32768xi32, #tpu.memory_space<hbm>> -> memref<128xi32, #tpu.memory_space<hbm>>
      tpu.enqueue_dma source(%dma_start3A_1422 : memref<128xi32, #tpu.memory_space<hbm>>) target(%arg8 : memref<128xi32, #tpu.memory_space<vmem>>) target_semaphore(%run_scoped3A : memref<!tpu.dma_semaphore, #tpu.memory_space<semaphore_mem>>)
      %dma_wait3A_1423 = tpu.memref_slice %arg2[%add3A_717] : memref<32768xi32, #tpu.memory_space<hbm>> -> memref<128xi32, #tpu.memory_space<hbm>>
      %dma_wait3A_1424 = tpu.memref_slice %arg2[%add3A_717] : memref<32768xi32, #tpu.memory_space<hbm>> -> memref<128xi32, #tpu.memory_space<hbm>>
      tpu.wait_dma2 semaphore(%run_scoped3A : memref<!tpu.dma_semaphore, #tpu.memory_space<semaphore_mem>>) src(%dma_wait3A_1424 : memref<128xi32, #tpu.memory_space<hbm>>) dst(%arg8 : memref<128xi32, #tpu.memory_space<vmem>>)
      tpu.yield
    }) : () -> ()
    %dma_start3A_718 = arith.constant 0 : i32
    %dma_start3A_719 = arith.constant 0 : i32
    %dma_start3A_720 = tpu.memref_slice %arg3[%dma_start3A_718, %dma_start3A_719] : memref<100000x128xf32, #tpu.memory_space<hbm>> -> memref<100000x128xf32, #tpu.memory_space<hbm>>
    tpu.enqueue_indirect_dma source(%dma_start3A_720 : memref<100000x128xf32, #tpu.memory_space<hbm>>) target(%arg10 : memref<128x128xf32, #tpu.memory_space<vmem>>) offsets(%arg8 : memref<128xi32, #tpu.memory_space<vmem>>) semaphore(%arg16 : memref<!tpu.dma_semaphore, #tpu.memory_space<semaphore_mem>>)
    %dma_start3A_721 = arith.constant 0 : i32
    %dma_start3A_722 = tpu.memref_slice %arg4[%dma_start3A_721] : memref<100000xf32, #tpu.memory_space<hbm>> -> memref<100000xf32, #tpu.memory_space<hbm>>
    tpu.enqueue_indirect_dma source(%dma_start3A_722 : memref<100000xf32, #tpu.memory_space<hbm>>) target(%arg12 : memref<128xf32, #tpu.memory_space<vmem>>) offsets(%arg8 : memref<128xi32, #tpu.memory_space<vmem>>) semaphore(%arg18 : memref<!tpu.dma_semaphore, #tpu.memory_space<semaphore_mem>>)
    %dma_wait3A_723 = arith.constant 0 : i32
    %dma_wait3A_724 = tpu.memref_slice %arg4[%dma_wait3A_723] : memref<100000xf32, #tpu.memory_space<hbm>> -> memref<100000xf32, #tpu.memory_space<hbm>>
    tpu.wait_indirect_dma semaphore(%arg17 : memref<!tpu.dma_semaphore, #tpu.memory_space<semaphore_mem>>) src(%dma_wait3A_724 : memref<100000xf32, #tpu.memory_space<hbm>>) dst(%arg11 : memref<128xf32, #tpu.memory_space<vmem>>)
    %get3A_725 = arith.constant 0 : index
    %get3A_726 = tpu.vector_load %arg7[%get3A_725] {strides = array<i32>} : memref<128xi32, #tpu.memory_space<vmem>>, vector<16xi32>,
    %get3A_727 = vector.shape_cast %get3A_726 : vector<16xi32> to vector<16xi32>
    %get3A_728 = arith.constant 0 : index
    %get3A_729 = tpu.vector_load %arg11[%get3A_728] {strides = array<i32>} : memref<128xf32, #tpu.memory_space<vmem>>, vector<16xf32>,
    %get3A_730 = vector.shape_cast %get3A_729 : vector<16xf32> to vector<16xf32>
    %convert_element_type3A_731 = arith.sitofp %get3A_727 : vector<16xi32> to vector<16xf32>
    %add3A_732 = arith.constant 1.000000e+00 : f32
    %add3A_733 = vector.broadcast %add3A_732 : f32 to vector<16xf32>
    %add3A_734 = arith.addf %convert_element_type3A_731, %add3A_733 : vector<16xf32>
    %mul3A_735 = arith.constant 1.20901459E-4 : f32
    %mul3A_736 = vector.broadcast %mul3A_735 : f32 to vector<16xf32>
    %mul3A_737 = arith.mulf %add3A_734, %mul3A_736 : vector<16xf32>
    %exp3A_738 = math.exp %get3A_730 : vector<16xf32>
    %mul3A_739 = arith.mulf %mul3A_737, %exp3A_738 : vector<16xf32>
    %swap3A_740 = arith.constant 0 : index
    %swap3A_741 = tpu.vector_load %arg13[%swap3A_740] {strides = array<i32>} : memref<128xf32, #tpu.memory_space<vmem>>, vector<16xf32>,
    %swap3A_742 = vector.shape_cast %swap3A_741 : vector<16xf32> to vector<16xf32>
    %swap3A_743 = vector.shape_cast %mul3A_739 : vector<16xf32> to vector<16xf32>
    tpu.vector_store %arg13[%swap3A_740], %swap3A_743 {strides = array<i32>} : memref<128xf32, #tpu.memory_space<vmem>>, vector<16xf32>,
    %get3A_744 = arith.constant 16 : index
    %get3A_745 = tpu.vector_load %arg7[%get3A_744] {strides = array<i32>} : memref<128xi32, #tpu.memory_space<vmem>>, vector<16xi32>,
    %get3A_746 = vector.shape_cast %get3A_745 : vector<16xi32> to vector<16xi32>
    %get3A_747 = arith.constant 16 : index
    %get3A_748 = tpu.vector_load %arg11[%get3A_747] {strides = array<i32>} : memref<128xf32, #tpu.memory_space<vmem>>, vector<16xf32>,
    %get3A_749 = vector.shape_cast %get3A_748 : vector<16xf32> to vector<16xf32>
    %convert_element_type3A_750 = arith.sitofp %get3A_746 : vector<16xi32> to vector<16xf32>
    %add3A_751 = arith.constant 1.000000e+00 : f32
    %add3A_752 = vector.broadcast %add3A_751 : f32 to vector<16xf32>
    %add3A_753 = arith.addf %convert_element_type3A_750, %add3A_752 : vector<16xf32>
    %mul3A_754 = arith.constant 1.20901459E-4 : f32
    %mul3A_755 = vector.broadcast %mul3A_754 : f32 to vector<16xf32>
    %mul3A_756 = arith.mulf %add3A_753, %mul3A_755 : vector<16xf32>
    %exp3A_757 = math.exp %get3A_749 : vector<16xf32>
    %mul3A_758 = arith.mulf %mul3A_756, %exp3A_757 : vector<16xf32>
    %swap3A_759 = arith.constant 16 : index
    %swap3A_760 = tpu.vector_load %arg13[%swap3A_759] {strides = array<i32>} : memref<128xf32, #tpu.memory_space<vmem>>, vector<16xf32>,
    %swap3A_761 = vector.shape_cast %swap3A_760 : vector<16xf32> to vector<16xf32>
    %swap3A_762 = vector.shape_cast %mul3A_758 : vector<16xf32> to vector<16xf32>
    tpu.vector_store %arg13[%swap3A_759], %swap3A_762 {strides = array<i32>} : memref<128xf32, #tpu.memory_space<vmem>>, vector<16xf32>,
    %get3A_763 = arith.constant 32 : index
    %get3A_764 = tpu.vector_load %arg7[%get3A_763] {strides = array<i32>} : memref<128xi32, #tpu.memory_space<vmem>>, vector<16xi32>,
    %get3A_765 = vector.shape_cast %get3A_764 : vector<16xi32> to vector<16xi32>
    %get3A_766 = arith.constant 32 : index
    %get3A_767 = tpu.vector_load %arg11[%get3A_766] {strides = array<i32>} : memref<128xf32, #tpu.memory_space<vmem>>, vector<16xf32>,
    %get3A_768 = vector.shape_cast %get3A_767 : vector<16xf32> to vector<16xf32>
    %convert_element_type3A_769 = arith.sitofp %get3A_765 : vector<16xi32> to vector<16xf32>
    %add3A_770 = arith.constant 1.000000e+00 : f32
    %add3A_771 = vector.broadcast %add3A_770 : f32 to vector<16xf32>
    %add3A_772 = arith.addf %convert_element_type3A_769, %add3A_771 : vector<16xf32>
    %mul3A_773 = arith.constant 1.20901459E-4 : f32
    %mul3A_774 = vector.broadcast %mul3A_773 : f32 to vector<16xf32>
    %mul3A_775 = arith.mulf %add3A_772, %mul3A_774 : vector<16xf32>
    %exp3A_776 = math.exp %get3A_768 : vector<16xf32>
    %mul3A_777 = arith.mulf %mul3A_775, %exp3A_776 : vector<16xf32>
    %swap3A_778 = arith.constant 32 : index
    %swap3A_779 = tpu.vector_load %arg13[%swap3A_778] {strides = array<i32>} : memref<128xf32, #tpu.memory_space<vmem>>, vector<16xf32>,
    %swap3A_780 = vector.shape_cast %swap3A_779 : vector<16xf32> to vector<16xf32>
    %swap3A_781 = vector.shape_cast %mul3A_777 : vector<16xf32> to vector<16xf32>
    tpu.vector_store %arg13[%swap3A_778], %swap3A_781 {strides = array<i32>} : memref<128xf32, #tpu.memory_space<vmem>>, vector<16xf32>,
    %get3A_782 = arith.constant 48 : index
    %get3A_783 = tpu.vector_load %arg7[%get3A_782] {strides = array<i32>} : memref<128xi32, #tpu.memory_space<vmem>>, vector<16xi32>,
    %get3A_784 = vector.shape_cast %get3A_783 : vector<16xi32> to vector<16xi32>
    %get3A_785 = arith.constant 48 : index
    %get3A_786 = tpu.vector_load %arg11[%get3A_785] {strides = array<i32>} : memref<128xf32, #tpu.memory_space<vmem>>, vector<16xf32>,
    %get3A_787 = vector.shape_cast %get3A_786 : vector<16xf32> to vector<16xf32>
    %convert_element_type3A_788 = arith.sitofp %get3A_784 : vector<16xi32> to vector<16xf32>
    %add3A_789 = arith.constant 1.000000e+00 : f32
    %add3A_790 = vector.broadcast %add3A_789 : f32 to vector<16xf32>
    %add3A_791 = arith.addf %convert_element_type3A_788, %add3A_790 : vector<16xf32>
    %mul3A_792 = arith.constant 1.20901459E-4 : f32
    %mul3A_793 = vector.broadcast %mul3A_792 : f32 to vector<16xf32>
    %mul3A_794 = arith.mulf %add3A_791, %mul3A_793 : vector<16xf32>
    %exp3A_795 = math.exp %get3A_787 : vector<16xf32>
    %mul3A_796 = arith.mulf %mul3A_794, %exp3A_795 : vector<16xf32>
    %swap3A_797 = arith.constant 48 : index
    %swap3A_798 = tpu.vector_load %arg13[%swap3A_797] {strides = array<i32>} : memref<128xf32, #tpu.memory_space<vmem>>, vector<16xf32>,
    %swap3A_799 = vector.shape_cast %swap3A_798 : vector<16xf32> to vector<16xf32>
    %swap3A_800 = vector.shape_cast %mul3A_796 : vector<16xf32> to vector<16xf32>
    tpu.vector_store %arg13[%swap3A_797], %swap3A_800 {strides = array<i32>} : memref<128xf32, #tpu.memory_space<vmem>>, vector<16xf32>,
    %get3A_801 = arith.constant 64 : index
    %get3A_802 = tpu.vector_load %arg7[%get3A_801] {strides = array<i32>} : memref<128xi32, #tpu.memory_space<vmem>>, vector<16xi32>,
    %get3A_803 = vector.shape_cast %get3A_802 : vector<16xi32> to vector<16xi32>
    %get3A_804 = arith.constant 64 : index
    %get3A_805 = tpu.vector_load %arg11[%get3A_804] {strides = array<i32>} : memref<128xf32, #tpu.memory_space<vmem>>, vector<16xf32>,
    %get3A_806 = vector.shape_cast %get3A_805 : vector<16xf32> to vector<16xf32>
    %convert_element_type3A_807 = arith.sitofp %get3A_803 : vector<16xi32> to vector<16xf32>
    %add3A_808 = arith.constant 1.000000e+00 : f32
    %add3A_809 = vector.broadcast %add3A_808 : f32 to vector<16xf32>
    %add3A_810 = arith.addf %convert_element_type3A_807, %add3A_809 : vector<16xf32>
    %mul3A_811 = arith.constant 1.20901459E-4 : f32
    %mul3A_812 = vector.broadcast %mul3A_811 : f32 to vector<16xf32>
    %mul3A_813 = arith.mulf %add3A_810, %mul3A_812 : vector<16xf32>
    %exp3A_814 = math.exp %get3A_806 : vector<16xf32>
    %mul3A_815 = arith.mulf %mul3A_813, %exp3A_814 : vector<16xf32>
    %swap3A_816 = arith.constant 64 : index
    %swap3A_817 = tpu.vector_load %arg13[%swap3A_816] {strides = array<i32>} : memref<128xf32, #tpu.memory_space<vmem>>, vector<16xf32>,
    %swap3A_818 = vector.shape_cast %swap3A_817 : vector<16xf32> to vector<16xf32>
    %swap3A_819 = vector.shape_cast %mul3A_815 : vector<16xf32> to vector<16xf32>
    tpu.vector_store %arg13[%swap3A_816], %swap3A_819 {strides = array<i32>} : memref<128xf32, #tpu.memory_space<vmem>>, vector<16xf32>,
    %get3A_820 = arith.constant 80 : index
    %get3A_821 = tpu.vector_load %arg7[%get3A_820] {strides = array<i32>} : memref<128xi32, #tpu.memory_space<vmem>>, vector<16xi32>,
    %get3A_822 = vector.shape_cast %get3A_821 : vector<16xi32> to vector<16xi32>
    %get3A_823 = arith.constant 80 : index
    %get3A_824 = tpu.vector_load %arg11[%get3A_823] {strides = array<i32>} : memref<128xf32, #tpu.memory_space<vmem>>, vector<16xf32>,
    %get3A_825 = vector.shape_cast %get3A_824 : vector<16xf32> to vector<16xf32>
    %convert_element_type3A_826 = arith.sitofp %get3A_822 : vector<16xi32> to vector<16xf32>
    %add3A_827 = arith.constant 1.000000e+00 : f32
    %add3A_828 = vector.broadcast %add3A_827 : f32 to vector<16xf32>
    %add3A_829 = arith.addf %convert_element_type3A_826, %add3A_828 : vector<16xf32>
    %mul3A_830 = arith.constant 1.20901459E-4 : f32
    %mul3A_831 = vector.broadcast %mul3A_830 : f32 to vector<16xf32>
    %mul3A_832 = arith.mulf %add3A_829, %mul3A_831 : vector<16xf32>
    %exp3A_833 = math.exp %get3A_825 : vector<16xf32>
    %mul3A_834 = arith.mulf %mul3A_832, %exp3A_833 : vector<16xf32>
    %swap3A_835 = arith.constant 80 : index
    %swap3A_836 = tpu.vector_load %arg13[%swap3A_835] {strides = array<i32>} : memref<128xf32, #tpu.memory_space<vmem>>, vector<16xf32>,
    %swap3A_837 = vector.shape_cast %swap3A_836 : vector<16xf32> to vector<16xf32>
    %swap3A_838 = vector.shape_cast %mul3A_834 : vector<16xf32> to vector<16xf32>
    tpu.vector_store %arg13[%swap3A_835], %swap3A_838 {strides = array<i32>} : memref<128xf32, #tpu.memory_space<vmem>>, vector<16xf32>,
    %get3A_839 = arith.constant 96 : index
    %get3A_840 = tpu.vector_load %arg7[%get3A_839] {strides = array<i32>} : memref<128xi32, #tpu.memory_space<vmem>>, vector<16xi32>,
    %get3A_841 = vector.shape_cast %get3A_840 : vector<16xi32> to vector<16xi32>
    %get3A_842 = arith.constant 96 : index
    %get3A_843 = tpu.vector_load %arg11[%get3A_842] {strides = array<i32>} : memref<128xf32, #tpu.memory_space<vmem>>, vector<16xf32>,
    %get3A_844 = vector.shape_cast %get3A_843 : vector<16xf32> to vector<16xf32>
    %convert_element_type3A_845 = arith.sitofp %get3A_841 : vector<16xi32> to vector<16xf32>
    %add3A_846 = arith.constant 1.000000e+00 : f32
    %add3A_847 = vector.broadcast %add3A_846 : f32 to vector<16xf32>
    %add3A_848 = arith.addf %convert_element_type3A_845, %add3A_847 : vector<16xf32>
    %mul3A_849 = arith.constant 1.20901459E-4 : f32
    %mul3A_850 = vector.broadcast %mul3A_849 : f32 to vector<16xf32>
    %mul3A_851 = arith.mulf %add3A_848, %mul3A_850 : vector<16xf32>
    %exp3A_852 = math.exp %get3A_844 : vector<16xf32>
    %mul3A_853 = arith.mulf %mul3A_851, %exp3A_852 : vector<16xf32>
    %swap3A_854 = arith.constant 96 : index
    %swap3A_855 = tpu.vector_load %arg13[%swap3A_854] {strides = array<i32>} : memref<128xf32, #tpu.memory_space<vmem>>, vector<16xf32>,
    %swap3A_856 = vector.shape_cast %swap3A_855 : vector<16xf32> to vector<16xf32>
    %swap3A_857 = vector.shape_cast %mul3A_853 : vector<16xf32> to vector<16xf32>
    tpu.vector_store %arg13[%swap3A_854], %swap3A_857 {strides = array<i32>} : memref<128xf32, #tpu.memory_space<vmem>>, vector<16xf32>,
    %get3A_858 = arith.constant 112 : index
    %get3A_859 = tpu.vector_load %arg7[%get3A_858] {strides = array<i32>} : memref<128xi32, #tpu.memory_space<vmem>>, vector<16xi32>,
    %get3A_860 = vector.shape_cast %get3A_859 : vector<16xi32> to vector<16xi32>
    %get3A_861 = arith.constant 112 : index
    %get3A_862 = tpu.vector_load %arg11[%get3A_861] {strides = array<i32>} : memref<128xf32, #tpu.memory_space<vmem>>, vector<16xf32>,
    %get3A_863 = vector.shape_cast %get3A_862 : vector<16xf32> to vector<16xf32>
    %convert_element_type3A_864 = arith.sitofp %get3A_860 : vector<16xi32> to vector<16xf32>
    %add3A_865 = arith.constant 1.000000e+00 : f32
    %add3A_866 = vector.broadcast %add3A_865 : f32 to vector<16xf32>
    %add3A_867 = arith.addf %convert_element_type3A_864, %add3A_866 : vector<16xf32>
    %mul3A_868 = arith.constant 1.20901459E-4 : f32
    %mul3A_869 = vector.broadcast %mul3A_868 : f32 to vector<16xf32>
    %mul3A_870 = arith.mulf %add3A_867, %mul3A_869 : vector<16xf32>
    %exp3A_871 = math.exp %get3A_863 : vector<16xf32>
    %mul3A_872 = arith.mulf %mul3A_870, %exp3A_871 : vector<16xf32>
    %swap3A_873 = arith.constant 112 : index
    %swap3A_874 = tpu.vector_load %arg13[%swap3A_873] {strides = array<i32>} : memref<128xf32, #tpu.memory_space<vmem>>, vector<16xf32>,
    %swap3A_875 = vector.shape_cast %swap3A_874 : vector<16xf32> to vector<16xf32>
    %swap3A_876 = vector.shape_cast %mul3A_872 : vector<16xf32> to vector<16xf32>
    tpu.vector_store %arg13[%swap3A_873], %swap3A_876 {strides = array<i32>} : memref<128xf32, #tpu.memory_space<vmem>>, vector<16xf32>,
    %dma_wait3A_877 = arith.constant 0 : i32
    %dma_wait3A_878 = arith.constant 0 : i32
    %dma_wait3A_879 = tpu.memref_slice %arg3[%dma_wait3A_877, %dma_wait3A_878] : memref<100000x128xf32, #tpu.memory_space<hbm>> -> memref<100000x128xf32, #tpu.memory_space<hbm>>
    tpu.wait_indirect_dma semaphore(%arg15 : memref<!tpu.dma_semaphore, #tpu.memory_space<semaphore_mem>>) src(%dma_wait3A_879 : memref<100000x128xf32, #tpu.memory_space<hbm>>) dst(%arg9 : memref<128x128xf32, #tpu.memory_space<vmem>>)
    %add3A_880 = arith.constant 512 : i32
    %add3A_881 = arith.addi %mul3A_2, %add3A_880 : i32
    %dma_start3A_882 = arith.constant 0 : i32
    %dma_start3A_883 = tpu.memref_slice %arg5[%add3A_881, %dma_start3A_882] : memref<32768x128xf32, #tpu.memory_space<hbm>> -> memref<128x128xf32, #tpu.memory_space<hbm>>
    %dma_start3A_884 = arith.constant 0 : i32
    %dma_start3A_885 = tpu.memref_slice %arg5[%add3A_881, %dma_start3A_884] : memref<32768x128xf32, #tpu.memory_space<hbm>> -> memref<128x128xf32, #tpu.memory_space<hbm>>
    tpu.enqueue_dma source(%arg9 : memref<128x128xf32, #tpu.memory_space<vmem>>) target(%dma_start3A_885 : memref<128x128xf32, #tpu.memory_space<hbm>>) target_semaphore(%arg19 : memref<!tpu.dma_semaphore, #tpu.memory_space<semaphore_mem>>)
    %dma_start3A_886 = tpu.memref_slice %arg6[%add3A_881] : memref<32768xf32, #tpu.memory_space<hbm>> -> memref<128xf32, #tpu.memory_space<hbm>>
    %dma_start3A_887 = tpu.memref_slice %arg6[%add3A_881] : memref<32768xf32, #tpu.memory_space<hbm>> -> memref<128xf32, #tpu.memory_space<hbm>>
    tpu.enqueue_dma source(%arg13 : memref<128xf32, #tpu.memory_space<vmem>>) target(%dma_start3A_887 : memref<128xf32, #tpu.memory_space<hbm>>) target_semaphore(%arg21 : memref<!tpu.dma_semaphore, #tpu.memory_space<semaphore_mem>>)
    %dma_wait3A_888 = arith.constant 0 : i32
    %dma_wait3A_889 = tpu.memref_slice %arg5[%add3A_881, %dma_wait3A_888] : memref<32768x128xf32, #tpu.memory_space<hbm>> -> memref<128x128xf32, #tpu.memory_space<hbm>>
    %dma_wait3A_890 = arith.constant 0 : i32
    %dma_wait3A_891 = tpu.memref_slice %arg5[%add3A_881, %dma_wait3A_890] : memref<32768x128xf32, #tpu.memory_space<hbm>> -> memref<128x128xf32, #tpu.memory_space<hbm>>
    tpu.wait_dma2 semaphore(%arg19 : memref<!tpu.dma_semaphore, #tpu.memory_space<semaphore_mem>>) src(%arg9 : memref<128x128xf32, #tpu.memory_space<vmem>>) dst(%dma_wait3A_891 : memref<128x128xf32, #tpu.memory_space<hbm>>)
    %dma_wait3A_892 = tpu.memref_slice %arg6[%add3A_881] : memref<32768xf32, #tpu.memory_space<hbm>> -> memref<128xf32, #tpu.memory_space<hbm>>
    %dma_wait3A_893 = tpu.memref_slice %arg6[%add3A_881] : memref<32768xf32, #tpu.memory_space<hbm>> -> memref<128xf32, #tpu.memory_space<hbm>>
    tpu.wait_dma2 semaphore(%arg21 : memref<!tpu.dma_semaphore, #tpu.memory_space<semaphore_mem>>) src(%arg13 : memref<128xf32, #tpu.memory_space<vmem>>) dst(%dma_wait3A_893 : memref<128xf32, #tpu.memory_space<hbm>>)
    %add3A_894 = arith.constant 768 : i32
    %add3A_895 = arith.addi %mul3A_2, %add3A_894 : i32
    "tpu.region"() ({
      %run_scoped3A = tpu.sem_alloc : memref<!tpu.dma_semaphore, #tpu.memory_space<semaphore_mem>>
      %dma_start3A_1421 = tpu.memref_slice %arg2[%add3A_895] : memref<32768xi32, #tpu.memory_space<hbm>> -> memref<128xi32, #tpu.memory_space<hbm>>
      %dma_start3A_1422 = tpu.memref_slice %arg2[%add3A_895] : memref<32768xi32, #tpu.memory_space<hbm>> -> memref<128xi32, #tpu.memory_space<hbm>>
      tpu.enqueue_dma source(%dma_start3A_1422 : memref<128xi32, #tpu.memory_space<hbm>>) target(%arg7 : memref<128xi32, #tpu.memory_space<vmem>>) target_semaphore(%run_scoped3A : memref<!tpu.dma_semaphore, #tpu.memory_space<semaphore_mem>>)
      %dma_wait3A_1423 = tpu.memref_slice %arg2[%add3A_895] : memref<32768xi32, #tpu.memory_space<hbm>> -> memref<128xi32, #tpu.memory_space<hbm>>
      %dma_wait3A_1424 = tpu.memref_slice %arg2[%add3A_895] : memref<32768xi32, #tpu.memory_space<hbm>> -> memref<128xi32, #tpu.memory_space<hbm>>
      tpu.wait_dma2 semaphore(%run_scoped3A : memref<!tpu.dma_semaphore, #tpu.memory_space<semaphore_mem>>) src(%dma_wait3A_1424 : memref<128xi32, #tpu.memory_space<hbm>>) dst(%arg7 : memref<128xi32, #tpu.memory_space<vmem>>)
      tpu.yield
    }) : () -> ()
    %dma_start3A_896 = arith.constant 0 : i32
    %dma_start3A_897 = arith.constant 0 : i32
    %dma_start3A_898 = tpu.memref_slice %arg3[%dma_start3A_896, %dma_start3A_897] : memref<100000x128xf32, #tpu.memory_space<hbm>> -> memref<100000x128xf32, #tpu.memory_space<hbm>>
    tpu.enqueue_indirect_dma source(%dma_start3A_898 : memref<100000x128xf32, #tpu.memory_space<hbm>>) target(%arg9 : memref<128x128xf32, #tpu.memory_space<vmem>>) offsets(%arg7 : memref<128xi32, #tpu.memory_space<vmem>>) semaphore(%arg15 : memref<!tpu.dma_semaphore, #tpu.memory_space<semaphore_mem>>)
    %dma_start3A_899 = arith.constant 0 : i32
    %dma_start3A_900 = tpu.memref_slice %arg4[%dma_start3A_899] : memref<100000xf32, #tpu.memory_space<hbm>> -> memref<100000xf32, #tpu.memory_space<hbm>>
    tpu.enqueue_indirect_dma source(%dma_start3A_900 : memref<100000xf32, #tpu.memory_space<hbm>>) target(%arg11 : memref<128xf32, #tpu.memory_space<vmem>>) offsets(%arg7 : memref<128xi32, #tpu.memory_space<vmem>>) semaphore(%arg17 : memref<!tpu.dma_semaphore, #tpu.memory_space<semaphore_mem>>)
    %dma_wait3A_901 = arith.constant 0 : i32
    %dma_wait3A_902 = tpu.memref_slice %arg4[%dma_wait3A_901] : memref<100000xf32, #tpu.memory_space<hbm>> -> memref<100000xf32, #tpu.memory_space<hbm>>
    tpu.wait_indirect_dma semaphore(%arg18 : memref<!tpu.dma_semaphore, #tpu.memory_space<semaphore_mem>>) src(%dma_wait3A_902 : memref<100000xf32, #tpu.memory_space<hbm>>) dst(%arg12 : memref<128xf32, #tpu.memory_space<vmem>>)
    %get3A_903 = arith.constant 0 : index
    %get3A_904 = tpu.vector_load %arg8[%get3A_903] {strides = array<i32>} : memref<128xi32, #tpu.memory_space<vmem>>, vector<16xi32>,
    %get3A_905 = vector.shape_cast %get3A_904 : vector<16xi32> to vector<16xi32>
    %get3A_906 = arith.constant 0 : index
    %get3A_907 = tpu.vector_load %arg12[%get3A_906] {strides = array<i32>} : memref<128xf32, #tpu.memory_space<vmem>>, vector<16xf32>,
    %get3A_908 = vector.shape_cast %get3A_907 : vector<16xf32> to vector<16xf32>
    %convert_element_type3A_909 = arith.sitofp %get3A_905 : vector<16xi32> to vector<16xf32>
    %add3A_910 = arith.constant 1.000000e+00 : f32
    %add3A_911 = vector.broadcast %add3A_910 : f32 to vector<16xf32>
    %add3A_912 = arith.addf %convert_element_type3A_909, %add3A_911 : vector<16xf32>
    %mul3A_913 = arith.constant 1.20901459E-4 : f32
    %mul3A_914 = vector.broadcast %mul3A_913 : f32 to vector<16xf32>
    %mul3A_915 = arith.mulf %add3A_912, %mul3A_914 : vector<16xf32>
    %exp3A_916 = math.exp %get3A_908 : vector<16xf32>
    %mul3A_917 = arith.mulf %mul3A_915, %exp3A_916 : vector<16xf32>
    %swap3A_918 = arith.constant 0 : index
    %swap3A_919 = tpu.vector_load %arg14[%swap3A_918] {strides = array<i32>} : memref<128xf32, #tpu.memory_space<vmem>>, vector<16xf32>,
    %swap3A_920 = vector.shape_cast %swap3A_919 : vector<16xf32> to vector<16xf32>
    %swap3A_921 = vector.shape_cast %mul3A_917 : vector<16xf32> to vector<16xf32>
    tpu.vector_store %arg14[%swap3A_918], %swap3A_921 {strides = array<i32>} : memref<128xf32, #tpu.memory_space<vmem>>, vector<16xf32>,
    %get3A_922 = arith.constant 16 : index
    %get3A_923 = tpu.vector_load %arg8[%get3A_922] {strides = array<i32>} : memref<128xi32, #tpu.memory_space<vmem>>, vector<16xi32>,
    %get3A_924 = vector.shape_cast %get3A_923 : vector<16xi32> to vector<16xi32>
    %get3A_925 = arith.constant 16 : index
    %get3A_926 = tpu.vector_load %arg12[%get3A_925] {strides = array<i32>} : memref<128xf32, #tpu.memory_space<vmem>>, vector<16xf32>,
    %get3A_927 = vector.shape_cast %get3A_926 : vector<16xf32> to vector<16xf32>
    %convert_element_type3A_928 = arith.sitofp %get3A_924 : vector<16xi32> to vector<16xf32>
    %add3A_929 = arith.constant 1.000000e+00 : f32
    %add3A_930 = vector.broadcast %add3A_929 : f32 to vector<16xf32>
    %add3A_931 = arith.addf %convert_element_type3A_928, %add3A_930 : vector<16xf32>
    %mul3A_932 = arith.constant 1.20901459E-4 : f32
    %mul3A_933 = vector.broadcast %mul3A_932 : f32 to vector<16xf32>
    %mul3A_934 = arith.mulf %add3A_931, %mul3A_933 : vector<16xf32>
    %exp3A_935 = math.exp %get3A_927 : vector<16xf32>
    %mul3A_936 = arith.mulf %mul3A_934, %exp3A_935 : vector<16xf32>
    %swap3A_937 = arith.constant 16 : index
    %swap3A_938 = tpu.vector_load %arg14[%swap3A_937] {strides = array<i32>} : memref<128xf32, #tpu.memory_space<vmem>>, vector<16xf32>,
    %swap3A_939 = vector.shape_cast %swap3A_938 : vector<16xf32> to vector<16xf32>
    %swap3A_940 = vector.shape_cast %mul3A_936 : vector<16xf32> to vector<16xf32>
    tpu.vector_store %arg14[%swap3A_937], %swap3A_940 {strides = array<i32>} : memref<128xf32, #tpu.memory_space<vmem>>, vector<16xf32>,
    %get3A_941 = arith.constant 32 : index
    %get3A_942 = tpu.vector_load %arg8[%get3A_941] {strides = array<i32>} : memref<128xi32, #tpu.memory_space<vmem>>, vector<16xi32>,
    %get3A_943 = vector.shape_cast %get3A_942 : vector<16xi32> to vector<16xi32>
    %get3A_944 = arith.constant 32 : index
    %get3A_945 = tpu.vector_load %arg12[%get3A_944] {strides = array<i32>} : memref<128xf32, #tpu.memory_space<vmem>>, vector<16xf32>,
    %get3A_946 = vector.shape_cast %get3A_945 : vector<16xf32> to vector<16xf32>
    %convert_element_type3A_947 = arith.sitofp %get3A_943 : vector<16xi32> to vector<16xf32>
    %add3A_948 = arith.constant 1.000000e+00 : f32
    %add3A_949 = vector.broadcast %add3A_948 : f32 to vector<16xf32>
    %add3A_950 = arith.addf %convert_element_type3A_947, %add3A_949 : vector<16xf32>
    %mul3A_951 = arith.constant 1.20901459E-4 : f32
    %mul3A_952 = vector.broadcast %mul3A_951 : f32 to vector<16xf32>
    %mul3A_953 = arith.mulf %add3A_950, %mul3A_952 : vector<16xf32>
    %exp3A_954 = math.exp %get3A_946 : vector<16xf32>
    %mul3A_955 = arith.mulf %mul3A_953, %exp3A_954 : vector<16xf32>
    %swap3A_956 = arith.constant 32 : index
    %swap3A_957 = tpu.vector_load %arg14[%swap3A_956] {strides = array<i32>} : memref<128xf32, #tpu.memory_space<vmem>>, vector<16xf32>,
    %swap3A_958 = vector.shape_cast %swap3A_957 : vector<16xf32> to vector<16xf32>
    %swap3A_959 = vector.shape_cast %mul3A_955 : vector<16xf32> to vector<16xf32>
    tpu.vector_store %arg14[%swap3A_956], %swap3A_959 {strides = array<i32>} : memref<128xf32, #tpu.memory_space<vmem>>, vector<16xf32>,
    %get3A_960 = arith.constant 48 : index
    %get3A_961 = tpu.vector_load %arg8[%get3A_960] {strides = array<i32>} : memref<128xi32, #tpu.memory_space<vmem>>, vector<16xi32>,
    %get3A_962 = vector.shape_cast %get3A_961 : vector<16xi32> to vector<16xi32>
    %get3A_963 = arith.constant 48 : index
    %get3A_964 = tpu.vector_load %arg12[%get3A_963] {strides = array<i32>} : memref<128xf32, #tpu.memory_space<vmem>>, vector<16xf32>,
    %get3A_965 = vector.shape_cast %get3A_964 : vector<16xf32> to vector<16xf32>
    %convert_element_type3A_966 = arith.sitofp %get3A_962 : vector<16xi32> to vector<16xf32>
    %add3A_967 = arith.constant 1.000000e+00 : f32
    %add3A_968 = vector.broadcast %add3A_967 : f32 to vector<16xf32>
    %add3A_969 = arith.addf %convert_element_type3A_966, %add3A_968 : vector<16xf32>
    %mul3A_970 = arith.constant 1.20901459E-4 : f32
    %mul3A_971 = vector.broadcast %mul3A_970 : f32 to vector<16xf32>
    %mul3A_972 = arith.mulf %add3A_969, %mul3A_971 : vector<16xf32>
    %exp3A_973 = math.exp %get3A_965 : vector<16xf32>
    %mul3A_974 = arith.mulf %mul3A_972, %exp3A_973 : vector<16xf32>
    %swap3A_975 = arith.constant 48 : index
    %swap3A_976 = tpu.vector_load %arg14[%swap3A_975] {strides = array<i32>} : memref<128xf32, #tpu.memory_space<vmem>>, vector<16xf32>,
    %swap3A_977 = vector.shape_cast %swap3A_976 : vector<16xf32> to vector<16xf32>
    %swap3A_978 = vector.shape_cast %mul3A_974 : vector<16xf32> to vector<16xf32>
    tpu.vector_store %arg14[%swap3A_975], %swap3A_978 {strides = array<i32>} : memref<128xf32, #tpu.memory_space<vmem>>, vector<16xf32>,
    %get3A_979 = arith.constant 64 : index
    %get3A_980 = tpu.vector_load %arg8[%get3A_979] {strides = array<i32>} : memref<128xi32, #tpu.memory_space<vmem>>, vector<16xi32>,
    %get3A_981 = vector.shape_cast %get3A_980 : vector<16xi32> to vector<16xi32>
    %get3A_982 = arith.constant 64 : index
    %get3A_983 = tpu.vector_load %arg12[%get3A_982] {strides = array<i32>} : memref<128xf32, #tpu.memory_space<vmem>>, vector<16xf32>,
    %get3A_984 = vector.shape_cast %get3A_983 : vector<16xf32> to vector<16xf32>
    %convert_element_type3A_985 = arith.sitofp %get3A_981 : vector<16xi32> to vector<16xf32>
    %add3A_986 = arith.constant 1.000000e+00 : f32
    %add3A_987 = vector.broadcast %add3A_986 : f32 to vector<16xf32>
    %add3A_988 = arith.addf %convert_element_type3A_985, %add3A_987 : vector<16xf32>
    %mul3A_989 = arith.constant 1.20901459E-4 : f32
    %mul3A_990 = vector.broadcast %mul3A_989 : f32 to vector<16xf32>
    %mul3A_991 = arith.mulf %add3A_988, %mul3A_990 : vector<16xf32>
    %exp3A_992 = math.exp %get3A_984 : vector<16xf32>
    %mul3A_993 = arith.mulf %mul3A_991, %exp3A_992 : vector<16xf32>
    %swap3A_994 = arith.constant 64 : index
    %swap3A_995 = tpu.vector_load %arg14[%swap3A_994] {strides = array<i32>} : memref<128xf32, #tpu.memory_space<vmem>>, vector<16xf32>,
    %swap3A_996 = vector.shape_cast %swap3A_995 : vector<16xf32> to vector<16xf32>
    %swap3A_997 = vector.shape_cast %mul3A_993 : vector<16xf32> to vector<16xf32>
    tpu.vector_store %arg14[%swap3A_994], %swap3A_997 {strides = array<i32>} : memref<128xf32, #tpu.memory_space<vmem>>, vector<16xf32>,
    %get3A_998 = arith.constant 80 : index
    %get3A_999 = tpu.vector_load %arg8[%get3A_998] {strides = array<i32>} : memref<128xi32, #tpu.memory_space<vmem>>, vector<16xi32>,
    %get3A_1000 = vector.shape_cast %get3A_999 : vector<16xi32> to vector<16xi32>
    %get3A_1001 = arith.constant 80 : index
    %get3A_1002 = tpu.vector_load %arg12[%get3A_1001] {strides = array<i32>} : memref<128xf32, #tpu.memory_space<vmem>>, vector<16xf32>,
    %get3A_1003 = vector.shape_cast %get3A_1002 : vector<16xf32> to vector<16xf32>
    %convert_element_type3A_1004 = arith.sitofp %get3A_1000 : vector<16xi32> to vector<16xf32>
    %add3A_1005 = arith.constant 1.000000e+00 : f32
    %add3A_1006 = vector.broadcast %add3A_1005 : f32 to vector<16xf32>
    %add3A_1007 = arith.addf %convert_element_type3A_1004, %add3A_1006 : vector<16xf32>
    %mul3A_1008 = arith.constant 1.20901459E-4 : f32
    %mul3A_1009 = vector.broadcast %mul3A_1008 : f32 to vector<16xf32>
    %mul3A_1010 = arith.mulf %add3A_1007, %mul3A_1009 : vector<16xf32>
    %exp3A_1011 = math.exp %get3A_1003 : vector<16xf32>
    %mul3A_1012 = arith.mulf %mul3A_1010, %exp3A_1011 : vector<16xf32>
    %swap3A_1013 = arith.constant 80 : index
    %swap3A_1014 = tpu.vector_load %arg14[%swap3A_1013] {strides = array<i32>} : memref<128xf32, #tpu.memory_space<vmem>>, vector<16xf32>,
    %swap3A_1015 = vector.shape_cast %swap3A_1014 : vector<16xf32> to vector<16xf32>
    %swap3A_1016 = vector.shape_cast %mul3A_1012 : vector<16xf32> to vector<16xf32>
    tpu.vector_store %arg14[%swap3A_1013], %swap3A_1016 {strides = array<i32>} : memref<128xf32, #tpu.memory_space<vmem>>, vector<16xf32>,
    %get3A_1017 = arith.constant 96 : index
    %get3A_1018 = tpu.vector_load %arg8[%get3A_1017] {strides = array<i32>} : memref<128xi32, #tpu.memory_space<vmem>>, vector<16xi32>,
    %get3A_1019 = vector.shape_cast %get3A_1018 : vector<16xi32> to vector<16xi32>
    %get3A_1020 = arith.constant 96 : index
    %get3A_1021 = tpu.vector_load %arg12[%get3A_1020] {strides = array<i32>} : memref<128xf32, #tpu.memory_space<vmem>>, vector<16xf32>,
    %get3A_1022 = vector.shape_cast %get3A_1021 : vector<16xf32> to vector<16xf32>
    %convert_element_type3A_1023 = arith.sitofp %get3A_1019 : vector<16xi32> to vector<16xf32>
    %add3A_1024 = arith.constant 1.000000e+00 : f32
    %add3A_1025 = vector.broadcast %add3A_1024 : f32 to vector<16xf32>
    %add3A_1026 = arith.addf %convert_element_type3A_1023, %add3A_1025 : vector<16xf32>
    %mul3A_1027 = arith.constant 1.20901459E-4 : f32
    %mul3A_1028 = vector.broadcast %mul3A_1027 : f32 to vector<16xf32>
    %mul3A_1029 = arith.mulf %add3A_1026, %mul3A_1028 : vector<16xf32>
    %exp3A_1030 = math.exp %get3A_1022 : vector<16xf32>
    %mul3A_1031 = arith.mulf %mul3A_1029, %exp3A_1030 : vector<16xf32>
    %swap3A_1032 = arith.constant 96 : index
    %swap3A_1033 = tpu.vector_load %arg14[%swap3A_1032] {strides = array<i32>} : memref<128xf32, #tpu.memory_space<vmem>>, vector<16xf32>,
    %swap3A_1034 = vector.shape_cast %swap3A_1033 : vector<16xf32> to vector<16xf32>
    %swap3A_1035 = vector.shape_cast %mul3A_1031 : vector<16xf32> to vector<16xf32>
    tpu.vector_store %arg14[%swap3A_1032], %swap3A_1035 {strides = array<i32>} : memref<128xf32, #tpu.memory_space<vmem>>, vector<16xf32>,
    %get3A_1036 = arith.constant 112 : index
    %get3A_1037 = tpu.vector_load %arg8[%get3A_1036] {strides = array<i32>} : memref<128xi32, #tpu.memory_space<vmem>>, vector<16xi32>,
    %get3A_1038 = vector.shape_cast %get3A_1037 : vector<16xi32> to vector<16xi32>
    %get3A_1039 = arith.constant 112 : index
    %get3A_1040 = tpu.vector_load %arg12[%get3A_1039] {strides = array<i32>} : memref<128xf32, #tpu.memory_space<vmem>>, vector<16xf32>,
    %get3A_1041 = vector.shape_cast %get3A_1040 : vector<16xf32> to vector<16xf32>
    %convert_element_type3A_1042 = arith.sitofp %get3A_1038 : vector<16xi32> to vector<16xf32>
    %add3A_1043 = arith.constant 1.000000e+00 : f32
    %add3A_1044 = vector.broadcast %add3A_1043 : f32 to vector<16xf32>
    %add3A_1045 = arith.addf %convert_element_type3A_1042, %add3A_1044 : vector<16xf32>
    %mul3A_1046 = arith.constant 1.20901459E-4 : f32
    %mul3A_1047 = vector.broadcast %mul3A_1046 : f32 to vector<16xf32>
    %mul3A_1048 = arith.mulf %add3A_1045, %mul3A_1047 : vector<16xf32>
    %exp3A_1049 = math.exp %get3A_1041 : vector<16xf32>
    %mul3A_1050 = arith.mulf %mul3A_1048, %exp3A_1049 : vector<16xf32>
    %swap3A_1051 = arith.constant 112 : index
    %swap3A_1052 = tpu.vector_load %arg14[%swap3A_1051] {strides = array<i32>} : memref<128xf32, #tpu.memory_space<vmem>>, vector<16xf32>,
    %swap3A_1053 = vector.shape_cast %swap3A_1052 : vector<16xf32> to vector<16xf32>
    %swap3A_1054 = vector.shape_cast %mul3A_1050 : vector<16xf32> to vector<16xf32>
    tpu.vector_store %arg14[%swap3A_1051], %swap3A_1054 {strides = array<i32>} : memref<128xf32, #tpu.memory_space<vmem>>, vector<16xf32>,
    %dma_wait3A_1055 = arith.constant 0 : i32
    %dma_wait3A_1056 = arith.constant 0 : i32
    %dma_wait3A_1057 = tpu.memref_slice %arg3[%dma_wait3A_1055, %dma_wait3A_1056] : memref<100000x128xf32, #tpu.memory_space<hbm>> -> memref<100000x128xf32, #tpu.memory_space<hbm>>
    tpu.wait_indirect_dma semaphore(%arg16 : memref<!tpu.dma_semaphore, #tpu.memory_space<semaphore_mem>>) src(%dma_wait3A_1057 : memref<100000x128xf32, #tpu.memory_space<hbm>>) dst(%arg10 : memref<128x128xf32, #tpu.memory_space<vmem>>)
    %add3A_1058 = arith.constant 640 : i32
    %add3A_1059 = arith.addi %mul3A_2, %add3A_1058 : i32
    %dma_start3A_1060 = arith.constant 0 : i32
    %dma_start3A_1061 = tpu.memref_slice %arg5[%add3A_1059, %dma_start3A_1060] : memref<32768x128xf32, #tpu.memory_space<hbm>> -> memref<128x128xf32, #tpu.memory_space<hbm>>
    %dma_start3A_1062 = arith.constant 0 : i32
    %dma_start3A_1063 = tpu.memref_slice %arg5[%add3A_1059, %dma_start3A_1062] : memref<32768x128xf32, #tpu.memory_space<hbm>> -> memref<128x128xf32, #tpu.memory_space<hbm>>
    tpu.enqueue_dma source(%arg10 : memref<128x128xf32, #tpu.memory_space<vmem>>) target(%dma_start3A_1063 : memref<128x128xf32, #tpu.memory_space<hbm>>) target_semaphore(%arg20 : memref<!tpu.dma_semaphore, #tpu.memory_space<semaphore_mem>>)
    %dma_start3A_1064 = tpu.memref_slice %arg6[%add3A_1059] : memref<32768xf32, #tpu.memory_space<hbm>> -> memref<128xf32, #tpu.memory_space<hbm>>
    %dma_start3A_1065 = tpu.memref_slice %arg6[%add3A_1059] : memref<32768xf32, #tpu.memory_space<hbm>> -> memref<128xf32, #tpu.memory_space<hbm>>
    tpu.enqueue_dma source(%arg14 : memref<128xf32, #tpu.memory_space<vmem>>) target(%dma_start3A_1065 : memref<128xf32, #tpu.memory_space<hbm>>) target_semaphore(%arg22 : memref<!tpu.dma_semaphore, #tpu.memory_space<semaphore_mem>>)
    %dma_wait3A_1066 = arith.constant 0 : i32
    %dma_wait3A_1067 = tpu.memref_slice %arg5[%add3A_1059, %dma_wait3A_1066] : memref<32768x128xf32, #tpu.memory_space<hbm>> -> memref<128x128xf32, #tpu.memory_space<hbm>>
    %dma_wait3A_1068 = arith.constant 0 : i32
    %dma_wait3A_1069 = tpu.memref_slice %arg5[%add3A_1059, %dma_wait3A_1068] : memref<32768x128xf32, #tpu.memory_space<hbm>> -> memref<128x128xf32, #tpu.memory_space<hbm>>
    tpu.wait_dma2 semaphore(%arg20 : memref<!tpu.dma_semaphore, #tpu.memory_space<semaphore_mem>>) src(%arg10 : memref<128x128xf32, #tpu.memory_space<vmem>>) dst(%dma_wait3A_1069 : memref<128x128xf32, #tpu.memory_space<hbm>>)
    %dma_wait3A_1070 = tpu.memref_slice %arg6[%add3A_1059] : memref<32768xf32, #tpu.memory_space<hbm>> -> memref<128xf32, #tpu.memory_space<hbm>>
    %dma_wait3A_1071 = tpu.memref_slice %arg6[%add3A_1059] : memref<32768xf32, #tpu.memory_space<hbm>> -> memref<128xf32, #tpu.memory_space<hbm>>
    tpu.wait_dma2 semaphore(%arg22 : memref<!tpu.dma_semaphore, #tpu.memory_space<semaphore_mem>>) src(%arg14 : memref<128xf32, #tpu.memory_space<vmem>>) dst(%dma_wait3A_1071 : memref<128xf32, #tpu.memory_space<hbm>>)
    %add3A_1072 = arith.constant 896 : i32
    %add3A_1073 = arith.addi %mul3A_2, %add3A_1072 : i32
    "tpu.region"() ({
      %run_scoped3A = tpu.sem_alloc : memref<!tpu.dma_semaphore, #tpu.memory_space<semaphore_mem>>
      %dma_start3A_1421 = tpu.memref_slice %arg2[%add3A_1073] : memref<32768xi32, #tpu.memory_space<hbm>> -> memref<128xi32, #tpu.memory_space<hbm>>
      %dma_start3A_1422 = tpu.memref_slice %arg2[%add3A_1073] : memref<32768xi32, #tpu.memory_space<hbm>> -> memref<128xi32, #tpu.memory_space<hbm>>
      tpu.enqueue_dma source(%dma_start3A_1422 : memref<128xi32, #tpu.memory_space<hbm>>) target(%arg8 : memref<128xi32, #tpu.memory_space<vmem>>) target_semaphore(%run_scoped3A : memref<!tpu.dma_semaphore, #tpu.memory_space<semaphore_mem>>)
      %dma_wait3A_1423 = tpu.memref_slice %arg2[%add3A_1073] : memref<32768xi32, #tpu.memory_space<hbm>> -> memref<128xi32, #tpu.memory_space<hbm>>
      %dma_wait3A_1424 = tpu.memref_slice %arg2[%add3A_1073] : memref<32768xi32, #tpu.memory_space<hbm>> -> memref<128xi32, #tpu.memory_space<hbm>>
      tpu.wait_dma2 semaphore(%run_scoped3A : memref<!tpu.dma_semaphore, #tpu.memory_space<semaphore_mem>>) src(%dma_wait3A_1424 : memref<128xi32, #tpu.memory_space<hbm>>) dst(%arg8 : memref<128xi32, #tpu.memory_space<vmem>>)
      tpu.yield
    }) : () -> ()
    %dma_start3A_1074 = arith.constant 0 : i32
    %dma_start3A_1075 = arith.constant 0 : i32
    %dma_start3A_1076 = tpu.memref_slice %arg3[%dma_start3A_1074, %dma_start3A_1075] : memref<100000x128xf32, #tpu.memory_space<hbm>> -> memref<100000x128xf32, #tpu.memory_space<hbm>>
    tpu.enqueue_indirect_dma source(%dma_start3A_1076 : memref<100000x128xf32, #tpu.memory_space<hbm>>) target(%arg10 : memref<128x128xf32, #tpu.memory_space<vmem>>) offsets(%arg8 : memref<128xi32, #tpu.memory_space<vmem>>) semaphore(%arg16 : memref<!tpu.dma_semaphore, #tpu.memory_space<semaphore_mem>>)
    %dma_start3A_1077 = arith.constant 0 : i32
    %dma_start3A_1078 = tpu.memref_slice %arg4[%dma_start3A_1077] : memref<100000xf32, #tpu.memory_space<hbm>> -> memref<100000xf32, #tpu.memory_space<hbm>>
    tpu.enqueue_indirect_dma source(%dma_start3A_1078 : memref<100000xf32, #tpu.memory_space<hbm>>) target(%arg12 : memref<128xf32, #tpu.memory_space<vmem>>) offsets(%arg8 : memref<128xi32, #tpu.memory_space<vmem>>) semaphore(%arg18 : memref<!tpu.dma_semaphore, #tpu.memory_space<semaphore_mem>>)
    %dma_wait3A_1079 = arith.constant 0 : i32
    %dma_wait3A_1080 = tpu.memref_slice %arg4[%dma_wait3A_1079] : memref<100000xf32, #tpu.memory_space<hbm>> -> memref<100000xf32, #tpu.memory_space<hbm>>
    tpu.wait_indirect_dma semaphore(%arg17 : memref<!tpu.dma_semaphore, #tpu.memory_space<semaphore_mem>>) src(%dma_wait3A_1080 : memref<100000xf32, #tpu.memory_space<hbm>>) dst(%arg11 : memref<128xf32, #tpu.memory_space<vmem>>)
    %get3A_1081 = arith.constant 0 : index
    %get3A_1082 = tpu.vector_load %arg7[%get3A_1081] {strides = array<i32>} : memref<128xi32, #tpu.memory_space<vmem>>, vector<16xi32>,
    %get3A_1083 = vector.shape_cast %get3A_1082 : vector<16xi32> to vector<16xi32>
    %get3A_1084 = arith.constant 0 : index
    %get3A_1085 = tpu.vector_load %arg11[%get3A_1084] {strides = array<i32>} : memref<128xf32, #tpu.memory_space<vmem>>, vector<16xf32>,
    %get3A_1086 = vector.shape_cast %get3A_1085 : vector<16xf32> to vector<16xf32>
    %convert_element_type3A_1087 = arith.sitofp %get3A_1083 : vector<16xi32> to vector<16xf32>
    %add3A_1088 = arith.constant 1.000000e+00 : f32
    %add3A_1089 = vector.broadcast %add3A_1088 : f32 to vector<16xf32>
    %add3A_1090 = arith.addf %convert_element_type3A_1087, %add3A_1089 : vector<16xf32>
    %mul3A_1091 = arith.constant 1.20901459E-4 : f32
    %mul3A_1092 = vector.broadcast %mul3A_1091 : f32 to vector<16xf32>
    %mul3A_1093 = arith.mulf %add3A_1090, %mul3A_1092 : vector<16xf32>
    %exp3A_1094 = math.exp %get3A_1086 : vector<16xf32>
    %mul3A_1095 = arith.mulf %mul3A_1093, %exp3A_1094 : vector<16xf32>
    %swap3A_1096 = arith.constant 0 : index
    %swap3A_1097 = tpu.vector_load %arg13[%swap3A_1096] {strides = array<i32>} : memref<128xf32, #tpu.memory_space<vmem>>, vector<16xf32>,
    %swap3A_1098 = vector.shape_cast %swap3A_1097 : vector<16xf32> to vector<16xf32>
    %swap3A_1099 = vector.shape_cast %mul3A_1095 : vector<16xf32> to vector<16xf32>
    tpu.vector_store %arg13[%swap3A_1096], %swap3A_1099 {strides = array<i32>} : memref<128xf32, #tpu.memory_space<vmem>>, vector<16xf32>,
    %get3A_1100 = arith.constant 16 : index
    %get3A_1101 = tpu.vector_load %arg7[%get3A_1100] {strides = array<i32>} : memref<128xi32, #tpu.memory_space<vmem>>, vector<16xi32>,
    %get3A_1102 = vector.shape_cast %get3A_1101 : vector<16xi32> to vector<16xi32>
    %get3A_1103 = arith.constant 16 : index
    %get3A_1104 = tpu.vector_load %arg11[%get3A_1103] {strides = array<i32>} : memref<128xf32, #tpu.memory_space<vmem>>, vector<16xf32>,
    %get3A_1105 = vector.shape_cast %get3A_1104 : vector<16xf32> to vector<16xf32>
    %convert_element_type3A_1106 = arith.sitofp %get3A_1102 : vector<16xi32> to vector<16xf32>
    %add3A_1107 = arith.constant 1.000000e+00 : f32
    %add3A_1108 = vector.broadcast %add3A_1107 : f32 to vector<16xf32>
    %add3A_1109 = arith.addf %convert_element_type3A_1106, %add3A_1108 : vector<16xf32>
    %mul3A_1110 = arith.constant 1.20901459E-4 : f32
    %mul3A_1111 = vector.broadcast %mul3A_1110 : f32 to vector<16xf32>
    %mul3A_1112 = arith.mulf %add3A_1109, %mul3A_1111 : vector<16xf32>
    %exp3A_1113 = math.exp %get3A_1105 : vector<16xf32>
    %mul3A_1114 = arith.mulf %mul3A_1112, %exp3A_1113 : vector<16xf32>
    %swap3A_1115 = arith.constant 16 : index
    %swap3A_1116 = tpu.vector_load %arg13[%swap3A_1115] {strides = array<i32>} : memref<128xf32, #tpu.memory_space<vmem>>, vector<16xf32>,
    %swap3A_1117 = vector.shape_cast %swap3A_1116 : vector<16xf32> to vector<16xf32>
    %swap3A_1118 = vector.shape_cast %mul3A_1114 : vector<16xf32> to vector<16xf32>
    tpu.vector_store %arg13[%swap3A_1115], %swap3A_1118 {strides = array<i32>} : memref<128xf32, #tpu.memory_space<vmem>>, vector<16xf32>,
    %get3A_1119 = arith.constant 32 : index
    %get3A_1120 = tpu.vector_load %arg7[%get3A_1119] {strides = array<i32>} : memref<128xi32, #tpu.memory_space<vmem>>, vector<16xi32>,
    %get3A_1121 = vector.shape_cast %get3A_1120 : vector<16xi32> to vector<16xi32>
    %get3A_1122 = arith.constant 32 : index
    %get3A_1123 = tpu.vector_load %arg11[%get3A_1122] {strides = array<i32>} : memref<128xf32, #tpu.memory_space<vmem>>, vector<16xf32>,
    %get3A_1124 = vector.shape_cast %get3A_1123 : vector<16xf32> to vector<16xf32>
    %convert_element_type3A_1125 = arith.sitofp %get3A_1121 : vector<16xi32> to vector<16xf32>
    %add3A_1126 = arith.constant 1.000000e+00 : f32
    %add3A_1127 = vector.broadcast %add3A_1126 : f32 to vector<16xf32>
    %add3A_1128 = arith.addf %convert_element_type3A_1125, %add3A_1127 : vector<16xf32>
    %mul3A_1129 = arith.constant 1.20901459E-4 : f32
    %mul3A_1130 = vector.broadcast %mul3A_1129 : f32 to vector<16xf32>
    %mul3A_1131 = arith.mulf %add3A_1128, %mul3A_1130 : vector<16xf32>
    %exp3A_1132 = math.exp %get3A_1124 : vector<16xf32>
    %mul3A_1133 = arith.mulf %mul3A_1131, %exp3A_1132 : vector<16xf32>
    %swap3A_1134 = arith.constant 32 : index
    %swap3A_1135 = tpu.vector_load %arg13[%swap3A_1134] {strides = array<i32>} : memref<128xf32, #tpu.memory_space<vmem>>, vector<16xf32>,
    %swap3A_1136 = vector.shape_cast %swap3A_1135 : vector<16xf32> to vector<16xf32>
    %swap3A_1137 = vector.shape_cast %mul3A_1133 : vector<16xf32> to vector<16xf32>
    tpu.vector_store %arg13[%swap3A_1134], %swap3A_1137 {strides = array<i32>} : memref<128xf32, #tpu.memory_space<vmem>>, vector<16xf32>,
    %get3A_1138 = arith.constant 48 : index
    %get3A_1139 = tpu.vector_load %arg7[%get3A_1138] {strides = array<i32>} : memref<128xi32, #tpu.memory_space<vmem>>, vector<16xi32>,
    %get3A_1140 = vector.shape_cast %get3A_1139 : vector<16xi32> to vector<16xi32>
    %get3A_1141 = arith.constant 48 : index
    %get3A_1142 = tpu.vector_load %arg11[%get3A_1141] {strides = array<i32>} : memref<128xf32, #tpu.memory_space<vmem>>, vector<16xf32>,
    %get3A_1143 = vector.shape_cast %get3A_1142 : vector<16xf32> to vector<16xf32>
    %convert_element_type3A_1144 = arith.sitofp %get3A_1140 : vector<16xi32> to vector<16xf32>
    %add3A_1145 = arith.constant 1.000000e+00 : f32
    %add3A_1146 = vector.broadcast %add3A_1145 : f32 to vector<16xf32>
    %add3A_1147 = arith.addf %convert_element_type3A_1144, %add3A_1146 : vector<16xf32>
    %mul3A_1148 = arith.constant 1.20901459E-4 : f32
    %mul3A_1149 = vector.broadcast %mul3A_1148 : f32 to vector<16xf32>
    %mul3A_1150 = arith.mulf %add3A_1147, %mul3A_1149 : vector<16xf32>
    %exp3A_1151 = math.exp %get3A_1143 : vector<16xf32>
    %mul3A_1152 = arith.mulf %mul3A_1150, %exp3A_1151 : vector<16xf32>
    %swap3A_1153 = arith.constant 48 : index
    %swap3A_1154 = tpu.vector_load %arg13[%swap3A_1153] {strides = array<i32>} : memref<128xf32, #tpu.memory_space<vmem>>, vector<16xf32>,
    %swap3A_1155 = vector.shape_cast %swap3A_1154 : vector<16xf32> to vector<16xf32>
    %swap3A_1156 = vector.shape_cast %mul3A_1152 : vector<16xf32> to vector<16xf32>
    tpu.vector_store %arg13[%swap3A_1153], %swap3A_1156 {strides = array<i32>} : memref<128xf32, #tpu.memory_space<vmem>>, vector<16xf32>,
    %get3A_1157 = arith.constant 64 : index
    %get3A_1158 = tpu.vector_load %arg7[%get3A_1157] {strides = array<i32>} : memref<128xi32, #tpu.memory_space<vmem>>, vector<16xi32>,
    %get3A_1159 = vector.shape_cast %get3A_1158 : vector<16xi32> to vector<16xi32>
    %get3A_1160 = arith.constant 64 : index
    %get3A_1161 = tpu.vector_load %arg11[%get3A_1160] {strides = array<i32>} : memref<128xf32, #tpu.memory_space<vmem>>, vector<16xf32>,
    %get3A_1162 = vector.shape_cast %get3A_1161 : vector<16xf32> to vector<16xf32>
    %convert_element_type3A_1163 = arith.sitofp %get3A_1159 : vector<16xi32> to vector<16xf32>
    %add3A_1164 = arith.constant 1.000000e+00 : f32
    %add3A_1165 = vector.broadcast %add3A_1164 : f32 to vector<16xf32>
    %add3A_1166 = arith.addf %convert_element_type3A_1163, %add3A_1165 : vector<16xf32>
    %mul3A_1167 = arith.constant 1.20901459E-4 : f32
    %mul3A_1168 = vector.broadcast %mul3A_1167 : f32 to vector<16xf32>
    %mul3A_1169 = arith.mulf %add3A_1166, %mul3A_1168 : vector<16xf32>
    %exp3A_1170 = math.exp %get3A_1162 : vector<16xf32>
    %mul3A_1171 = arith.mulf %mul3A_1169, %exp3A_1170 : vector<16xf32>
    %swap3A_1172 = arith.constant 64 : index
    %swap3A_1173 = tpu.vector_load %arg13[%swap3A_1172] {strides = array<i32>} : memref<128xf32, #tpu.memory_space<vmem>>, vector<16xf32>,
    %swap3A_1174 = vector.shape_cast %swap3A_1173 : vector<16xf32> to vector<16xf32>
    %swap3A_1175 = vector.shape_cast %mul3A_1171 : vector<16xf32> to vector<16xf32>
    tpu.vector_store %arg13[%swap3A_1172], %swap3A_1175 {strides = array<i32>} : memref<128xf32, #tpu.memory_space<vmem>>, vector<16xf32>,
    %get3A_1176 = arith.constant 80 : index
    %get3A_1177 = tpu.vector_load %arg7[%get3A_1176] {strides = array<i32>} : memref<128xi32, #tpu.memory_space<vmem>>, vector<16xi32>,
    %get3A_1178 = vector.shape_cast %get3A_1177 : vector<16xi32> to vector<16xi32>
    %get3A_1179 = arith.constant 80 : index
    %get3A_1180 = tpu.vector_load %arg11[%get3A_1179] {strides = array<i32>} : memref<128xf32, #tpu.memory_space<vmem>>, vector<16xf32>,
    %get3A_1181 = vector.shape_cast %get3A_1180 : vector<16xf32> to vector<16xf32>
    %convert_element_type3A_1182 = arith.sitofp %get3A_1178 : vector<16xi32> to vector<16xf32>
    %add3A_1183 = arith.constant 1.000000e+00 : f32
    %add3A_1184 = vector.broadcast %add3A_1183 : f32 to vector<16xf32>
    %add3A_1185 = arith.addf %convert_element_type3A_1182, %add3A_1184 : vector<16xf32>
    %mul3A_1186 = arith.constant 1.20901459E-4 : f32
    %mul3A_1187 = vector.broadcast %mul3A_1186 : f32 to vector<16xf32>
    %mul3A_1188 = arith.mulf %add3A_1185, %mul3A_1187 : vector<16xf32>
    %exp3A_1189 = math.exp %get3A_1181 : vector<16xf32>
    %mul3A_1190 = arith.mulf %mul3A_1188, %exp3A_1189 : vector<16xf32>
    %swap3A_1191 = arith.constant 80 : index
    %swap3A_1192 = tpu.vector_load %arg13[%swap3A_1191] {strides = array<i32>} : memref<128xf32, #tpu.memory_space<vmem>>, vector<16xf32>,
    %swap3A_1193 = vector.shape_cast %swap3A_1192 : vector<16xf32> to vector<16xf32>
    %swap3A_1194 = vector.shape_cast %mul3A_1190 : vector<16xf32> to vector<16xf32>
    tpu.vector_store %arg13[%swap3A_1191], %swap3A_1194 {strides = array<i32>} : memref<128xf32, #tpu.memory_space<vmem>>, vector<16xf32>,
    %get3A_1195 = arith.constant 96 : index
    %get3A_1196 = tpu.vector_load %arg7[%get3A_1195] {strides = array<i32>} : memref<128xi32, #tpu.memory_space<vmem>>, vector<16xi32>,
    %get3A_1197 = vector.shape_cast %get3A_1196 : vector<16xi32> to vector<16xi32>
    %get3A_1198 = arith.constant 96 : index
    %get3A_1199 = tpu.vector_load %arg11[%get3A_1198] {strides = array<i32>} : memref<128xf32, #tpu.memory_space<vmem>>, vector<16xf32>,
    %get3A_1200 = vector.shape_cast %get3A_1199 : vector<16xf32> to vector<16xf32>
    %convert_element_type3A_1201 = arith.sitofp %get3A_1197 : vector<16xi32> to vector<16xf32>
    %add3A_1202 = arith.constant 1.000000e+00 : f32
    %add3A_1203 = vector.broadcast %add3A_1202 : f32 to vector<16xf32>
    %add3A_1204 = arith.addf %convert_element_type3A_1201, %add3A_1203 : vector<16xf32>
    %mul3A_1205 = arith.constant 1.20901459E-4 : f32
    %mul3A_1206 = vector.broadcast %mul3A_1205 : f32 to vector<16xf32>
    %mul3A_1207 = arith.mulf %add3A_1204, %mul3A_1206 : vector<16xf32>
    %exp3A_1208 = math.exp %get3A_1200 : vector<16xf32>
    %mul3A_1209 = arith.mulf %mul3A_1207, %exp3A_1208 : vector<16xf32>
    %swap3A_1210 = arith.constant 96 : index
    %swap3A_1211 = tpu.vector_load %arg13[%swap3A_1210] {strides = array<i32>} : memref<128xf32, #tpu.memory_space<vmem>>, vector<16xf32>,
    %swap3A_1212 = vector.shape_cast %swap3A_1211 : vector<16xf32> to vector<16xf32>
    %swap3A_1213 = vector.shape_cast %mul3A_1209 : vector<16xf32> to vector<16xf32>
    tpu.vector_store %arg13[%swap3A_1210], %swap3A_1213 {strides = array<i32>} : memref<128xf32, #tpu.memory_space<vmem>>, vector<16xf32>,
    %get3A_1214 = arith.constant 112 : index
    %get3A_1215 = tpu.vector_load %arg7[%get3A_1214] {strides = array<i32>} : memref<128xi32, #tpu.memory_space<vmem>>, vector<16xi32>,
    %get3A_1216 = vector.shape_cast %get3A_1215 : vector<16xi32> to vector<16xi32>
    %get3A_1217 = arith.constant 112 : index
    %get3A_1218 = tpu.vector_load %arg11[%get3A_1217] {strides = array<i32>} : memref<128xf32, #tpu.memory_space<vmem>>, vector<16xf32>,
    %get3A_1219 = vector.shape_cast %get3A_1218 : vector<16xf32> to vector<16xf32>
    %convert_element_type3A_1220 = arith.sitofp %get3A_1216 : vector<16xi32> to vector<16xf32>
    %add3A_1221 = arith.constant 1.000000e+00 : f32
    %add3A_1222 = vector.broadcast %add3A_1221 : f32 to vector<16xf32>
    %add3A_1223 = arith.addf %convert_element_type3A_1220, %add3A_1222 : vector<16xf32>
    %mul3A_1224 = arith.constant 1.20901459E-4 : f32
    %mul3A_1225 = vector.broadcast %mul3A_1224 : f32 to vector<16xf32>
    %mul3A_1226 = arith.mulf %add3A_1223, %mul3A_1225 : vector<16xf32>
    %exp3A_1227 = math.exp %get3A_1219 : vector<16xf32>
    %mul3A_1228 = arith.mulf %mul3A_1226, %exp3A_1227 : vector<16xf32>
    %swap3A_1229 = arith.constant 112 : index
    %swap3A_1230 = tpu.vector_load %arg13[%swap3A_1229] {strides = array<i32>} : memref<128xf32, #tpu.memory_space<vmem>>, vector<16xf32>,
    %swap3A_1231 = vector.shape_cast %swap3A_1230 : vector<16xf32> to vector<16xf32>
    %swap3A_1232 = vector.shape_cast %mul3A_1228 : vector<16xf32> to vector<16xf32>
    tpu.vector_store %arg13[%swap3A_1229], %swap3A_1232 {strides = array<i32>} : memref<128xf32, #tpu.memory_space<vmem>>, vector<16xf32>,
    %dma_wait3A_1233 = arith.constant 0 : i32
    %dma_wait3A_1234 = arith.constant 0 : i32
    %dma_wait3A_1235 = tpu.memref_slice %arg3[%dma_wait3A_1233, %dma_wait3A_1234] : memref<100000x128xf32, #tpu.memory_space<hbm>> -> memref<100000x128xf32, #tpu.memory_space<hbm>>
    tpu.wait_indirect_dma semaphore(%arg15 : memref<!tpu.dma_semaphore, #tpu.memory_space<semaphore_mem>>) src(%dma_wait3A_1235 : memref<100000x128xf32, #tpu.memory_space<hbm>>) dst(%arg9 : memref<128x128xf32, #tpu.memory_space<vmem>>)
    %add3A_1236 = arith.constant 768 : i32
    %add3A_1237 = arith.addi %mul3A_2, %add3A_1236 : i32
    %dma_start3A_1238 = arith.constant 0 : i32
    %dma_start3A_1239 = tpu.memref_slice %arg5[%add3A_1237, %dma_start3A_1238] : memref<32768x128xf32, #tpu.memory_space<hbm>> -> memref<128x128xf32, #tpu.memory_space<hbm>>
    %dma_start3A_1240 = arith.constant 0 : i32
    %dma_start3A_1241 = tpu.memref_slice %arg5[%add3A_1237, %dma_start3A_1240] : memref<32768x128xf32, #tpu.memory_space<hbm>> -> memref<128x128xf32, #tpu.memory_space<hbm>>
    tpu.enqueue_dma source(%arg9 : memref<128x128xf32, #tpu.memory_space<vmem>>) target(%dma_start3A_1241 : memref<128x128xf32, #tpu.memory_space<hbm>>) target_semaphore(%arg19 : memref<!tpu.dma_semaphore, #tpu.memory_space<semaphore_mem>>)
    %dma_start3A_1242 = tpu.memref_slice %arg6[%add3A_1237] : memref<32768xf32, #tpu.memory_space<hbm>> -> memref<128xf32, #tpu.memory_space<hbm>>
    %dma_start3A_1243 = tpu.memref_slice %arg6[%add3A_1237] : memref<32768xf32, #tpu.memory_space<hbm>> -> memref<128xf32, #tpu.memory_space<hbm>>
    tpu.enqueue_dma source(%arg13 : memref<128xf32, #tpu.memory_space<vmem>>) target(%dma_start3A_1243 : memref<128xf32, #tpu.memory_space<hbm>>) target_semaphore(%arg21 : memref<!tpu.dma_semaphore, #tpu.memory_space<semaphore_mem>>)
    %dma_wait3A_1244 = arith.constant 0 : i32
    %dma_wait3A_1245 = tpu.memref_slice %arg4[%dma_wait3A_1244] : memref<100000xf32, #tpu.memory_space<hbm>> -> memref<100000xf32, #tpu.memory_space<hbm>>
    tpu.wait_indirect_dma semaphore(%arg18 : memref<!tpu.dma_semaphore, #tpu.memory_space<semaphore_mem>>) src(%dma_wait3A_1245 : memref<100000xf32, #tpu.memory_space<hbm>>) dst(%arg12 : memref<128xf32, #tpu.memory_space<vmem>>)
    %get3A_1246 = arith.constant 0 : index
    %get3A_1247 = tpu.vector_load %arg8[%get3A_1246] {strides = array<i32>} : memref<128xi32, #tpu.memory_space<vmem>>, vector<16xi32>,
    %get3A_1248 = vector.shape_cast %get3A_1247 : vector<16xi32> to vector<16xi32>
    %get3A_1249 = arith.constant 0 : index
    %get3A_1250 = tpu.vector_load %arg12[%get3A_1249] {strides = array<i32>} : memref<128xf32, #tpu.memory_space<vmem>>, vector<16xf32>,
    %get3A_1251 = vector.shape_cast %get3A_1250 : vector<16xf32> to vector<16xf32>
    %convert_element_type3A_1252 = arith.sitofp %get3A_1248 : vector<16xi32> to vector<16xf32>
    %add3A_1253 = arith.constant 1.000000e+00 : f32
    %add3A_1254 = vector.broadcast %add3A_1253 : f32 to vector<16xf32>
    %add3A_1255 = arith.addf %convert_element_type3A_1252, %add3A_1254 : vector<16xf32>
    %mul3A_1256 = arith.constant 1.20901459E-4 : f32
    %mul3A_1257 = vector.broadcast %mul3A_1256 : f32 to vector<16xf32>
    %mul3A_1258 = arith.mulf %add3A_1255, %mul3A_1257 : vector<16xf32>
    %exp3A_1259 = math.exp %get3A_1251 : vector<16xf32>
    %mul3A_1260 = arith.mulf %mul3A_1258, %exp3A_1259 : vector<16xf32>
    %swap3A_1261 = arith.constant 0 : index
    %swap3A_1262 = tpu.vector_load %arg14[%swap3A_1261] {strides = array<i32>} : memref<128xf32, #tpu.memory_space<vmem>>, vector<16xf32>,
    %swap3A_1263 = vector.shape_cast %swap3A_1262 : vector<16xf32> to vector<16xf32>
    %swap3A_1264 = vector.shape_cast %mul3A_1260 : vector<16xf32> to vector<16xf32>
    tpu.vector_store %arg14[%swap3A_1261], %swap3A_1264 {strides = array<i32>} : memref<128xf32, #tpu.memory_space<vmem>>, vector<16xf32>,
    %get3A_1265 = arith.constant 16 : index
    %get3A_1266 = tpu.vector_load %arg8[%get3A_1265] {strides = array<i32>} : memref<128xi32, #tpu.memory_space<vmem>>, vector<16xi32>,
    %get3A_1267 = vector.shape_cast %get3A_1266 : vector<16xi32> to vector<16xi32>
    %get3A_1268 = arith.constant 16 : index
    %get3A_1269 = tpu.vector_load %arg12[%get3A_1268] {strides = array<i32>} : memref<128xf32, #tpu.memory_space<vmem>>, vector<16xf32>,
    %get3A_1270 = vector.shape_cast %get3A_1269 : vector<16xf32> to vector<16xf32>
    %convert_element_type3A_1271 = arith.sitofp %get3A_1267 : vector<16xi32> to vector<16xf32>
    %add3A_1272 = arith.constant 1.000000e+00 : f32
    %add3A_1273 = vector.broadcast %add3A_1272 : f32 to vector<16xf32>
    %add3A_1274 = arith.addf %convert_element_type3A_1271, %add3A_1273 : vector<16xf32>
    %mul3A_1275 = arith.constant 1.20901459E-4 : f32
    %mul3A_1276 = vector.broadcast %mul3A_1275 : f32 to vector<16xf32>
    %mul3A_1277 = arith.mulf %add3A_1274, %mul3A_1276 : vector<16xf32>
    %exp3A_1278 = math.exp %get3A_1270 : vector<16xf32>
    %mul3A_1279 = arith.mulf %mul3A_1277, %exp3A_1278 : vector<16xf32>
    %swap3A_1280 = arith.constant 16 : index
    %swap3A_1281 = tpu.vector_load %arg14[%swap3A_1280] {strides = array<i32>} : memref<128xf32, #tpu.memory_space<vmem>>, vector<16xf32>,
    %swap3A_1282 = vector.shape_cast %swap3A_1281 : vector<16xf32> to vector<16xf32>
    %swap3A_1283 = vector.shape_cast %mul3A_1279 : vector<16xf32> to vector<16xf32>
    tpu.vector_store %arg14[%swap3A_1280], %swap3A_1283 {strides = array<i32>} : memref<128xf32, #tpu.memory_space<vmem>>, vector<16xf32>,
    %get3A_1284 = arith.constant 32 : index
    %get3A_1285 = tpu.vector_load %arg8[%get3A_1284] {strides = array<i32>} : memref<128xi32, #tpu.memory_space<vmem>>, vector<16xi32>,
    %get3A_1286 = vector.shape_cast %get3A_1285 : vector<16xi32> to vector<16xi32>
    %get3A_1287 = arith.constant 32 : index
    %get3A_1288 = tpu.vector_load %arg12[%get3A_1287] {strides = array<i32>} : memref<128xf32, #tpu.memory_space<vmem>>, vector<16xf32>,
    %get3A_1289 = vector.shape_cast %get3A_1288 : vector<16xf32> to vector<16xf32>
    %convert_element_type3A_1290 = arith.sitofp %get3A_1286 : vector<16xi32> to vector<16xf32>
    %add3A_1291 = arith.constant 1.000000e+00 : f32
    %add3A_1292 = vector.broadcast %add3A_1291 : f32 to vector<16xf32>
    %add3A_1293 = arith.addf %convert_element_type3A_1290, %add3A_1292 : vector<16xf32>
    %mul3A_1294 = arith.constant 1.20901459E-4 : f32
    %mul3A_1295 = vector.broadcast %mul3A_1294 : f32 to vector<16xf32>
    %mul3A_1296 = arith.mulf %add3A_1293, %mul3A_1295 : vector<16xf32>
    %exp3A_1297 = math.exp %get3A_1289 : vector<16xf32>
    %mul3A_1298 = arith.mulf %mul3A_1296, %exp3A_1297 : vector<16xf32>
    %swap3A_1299 = arith.constant 32 : index
    %swap3A_1300 = tpu.vector_load %arg14[%swap3A_1299] {strides = array<i32>} : memref<128xf32, #tpu.memory_space<vmem>>, vector<16xf32>,
    %swap3A_1301 = vector.shape_cast %swap3A_1300 : vector<16xf32> to vector<16xf32>
    %swap3A_1302 = vector.shape_cast %mul3A_1298 : vector<16xf32> to vector<16xf32>
    tpu.vector_store %arg14[%swap3A_1299], %swap3A_1302 {strides = array<i32>} : memref<128xf32, #tpu.memory_space<vmem>>, vector<16xf32>,
    %get3A_1303 = arith.constant 48 : index
    %get3A_1304 = tpu.vector_load %arg8[%get3A_1303] {strides = array<i32>} : memref<128xi32, #tpu.memory_space<vmem>>, vector<16xi32>,
    %get3A_1305 = vector.shape_cast %get3A_1304 : vector<16xi32> to vector<16xi32>
    %get3A_1306 = arith.constant 48 : index
    %get3A_1307 = tpu.vector_load %arg12[%get3A_1306] {strides = array<i32>} : memref<128xf32, #tpu.memory_space<vmem>>, vector<16xf32>,
    %get3A_1308 = vector.shape_cast %get3A_1307 : vector<16xf32> to vector<16xf32>
    %convert_element_type3A_1309 = arith.sitofp %get3A_1305 : vector<16xi32> to vector<16xf32>
    %add3A_1310 = arith.constant 1.000000e+00 : f32
    %add3A_1311 = vector.broadcast %add3A_1310 : f32 to vector<16xf32>
    %add3A_1312 = arith.addf %convert_element_type3A_1309, %add3A_1311 : vector<16xf32>
    %mul3A_1313 = arith.constant 1.20901459E-4 : f32
    %mul3A_1314 = vector.broadcast %mul3A_1313 : f32 to vector<16xf32>
    %mul3A_1315 = arith.mulf %add3A_1312, %mul3A_1314 : vector<16xf32>
    %exp3A_1316 = math.exp %get3A_1308 : vector<16xf32>
    %mul3A_1317 = arith.mulf %mul3A_1315, %exp3A_1316 : vector<16xf32>
    %swap3A_1318 = arith.constant 48 : index
    %swap3A_1319 = tpu.vector_load %arg14[%swap3A_1318] {strides = array<i32>} : memref<128xf32, #tpu.memory_space<vmem>>, vector<16xf32>,
    %swap3A_1320 = vector.shape_cast %swap3A_1319 : vector<16xf32> to vector<16xf32>
    %swap3A_1321 = vector.shape_cast %mul3A_1317 : vector<16xf32> to vector<16xf32>
    tpu.vector_store %arg14[%swap3A_1318], %swap3A_1321 {strides = array<i32>} : memref<128xf32, #tpu.memory_space<vmem>>, vector<16xf32>,
    %get3A_1322 = arith.constant 64 : index
    %get3A_1323 = tpu.vector_load %arg8[%get3A_1322] {strides = array<i32>} : memref<128xi32, #tpu.memory_space<vmem>>, vector<16xi32>,
    %get3A_1324 = vector.shape_cast %get3A_1323 : vector<16xi32> to vector<16xi32>
    %get3A_1325 = arith.constant 64 : index
    %get3A_1326 = tpu.vector_load %arg12[%get3A_1325] {strides = array<i32>} : memref<128xf32, #tpu.memory_space<vmem>>, vector<16xf32>,
    %get3A_1327 = vector.shape_cast %get3A_1326 : vector<16xf32> to vector<16xf32>
    %convert_element_type3A_1328 = arith.sitofp %get3A_1324 : vector<16xi32> to vector<16xf32>
    %add3A_1329 = arith.constant 1.000000e+00 : f32
    %add3A_1330 = vector.broadcast %add3A_1329 : f32 to vector<16xf32>
    %add3A_1331 = arith.addf %convert_element_type3A_1328, %add3A_1330 : vector<16xf32>
    %mul3A_1332 = arith.constant 1.20901459E-4 : f32
    %mul3A_1333 = vector.broadcast %mul3A_1332 : f32 to vector<16xf32>
    %mul3A_1334 = arith.mulf %add3A_1331, %mul3A_1333 : vector<16xf32>
    %exp3A_1335 = math.exp %get3A_1327 : vector<16xf32>
    %mul3A_1336 = arith.mulf %mul3A_1334, %exp3A_1335 : vector<16xf32>
    %swap3A_1337 = arith.constant 64 : index
    %swap3A_1338 = tpu.vector_load %arg14[%swap3A_1337] {strides = array<i32>} : memref<128xf32, #tpu.memory_space<vmem>>, vector<16xf32>,
    %swap3A_1339 = vector.shape_cast %swap3A_1338 : vector<16xf32> to vector<16xf32>
    %swap3A_1340 = vector.shape_cast %mul3A_1336 : vector<16xf32> to vector<16xf32>
    tpu.vector_store %arg14[%swap3A_1337], %swap3A_1340 {strides = array<i32>} : memref<128xf32, #tpu.memory_space<vmem>>, vector<16xf32>,
    %get3A_1341 = arith.constant 80 : index
    %get3A_1342 = tpu.vector_load %arg8[%get3A_1341] {strides = array<i32>} : memref<128xi32, #tpu.memory_space<vmem>>, vector<16xi32>,
    %get3A_1343 = vector.shape_cast %get3A_1342 : vector<16xi32> to vector<16xi32>
    %get3A_1344 = arith.constant 80 : index
    %get3A_1345 = tpu.vector_load %arg12[%get3A_1344] {strides = array<i32>} : memref<128xf32, #tpu.memory_space<vmem>>, vector<16xf32>,
    %get3A_1346 = vector.shape_cast %get3A_1345 : vector<16xf32> to vector<16xf32>
    %convert_element_type3A_1347 = arith.sitofp %get3A_1343 : vector<16xi32> to vector<16xf32>
    %add3A_1348 = arith.constant 1.000000e+00 : f32
    %add3A_1349 = vector.broadcast %add3A_1348 : f32 to vector<16xf32>
    %add3A_1350 = arith.addf %convert_element_type3A_1347, %add3A_1349 : vector<16xf32>
    %mul3A_1351 = arith.constant 1.20901459E-4 : f32
    %mul3A_1352 = vector.broadcast %mul3A_1351 : f32 to vector<16xf32>
    %mul3A_1353 = arith.mulf %add3A_1350, %mul3A_1352 : vector<16xf32>
    %exp3A_1354 = math.exp %get3A_1346 : vector<16xf32>
    %mul3A_1355 = arith.mulf %mul3A_1353, %exp3A_1354 : vector<16xf32>
    %swap3A_1356 = arith.constant 80 : index
    %swap3A_1357 = tpu.vector_load %arg14[%swap3A_1356] {strides = array<i32>} : memref<128xf32, #tpu.memory_space<vmem>>, vector<16xf32>,
    %swap3A_1358 = vector.shape_cast %swap3A_1357 : vector<16xf32> to vector<16xf32>
    %swap3A_1359 = vector.shape_cast %mul3A_1355 : vector<16xf32> to vector<16xf32>
    tpu.vector_store %arg14[%swap3A_1356], %swap3A_1359 {strides = array<i32>} : memref<128xf32, #tpu.memory_space<vmem>>, vector<16xf32>,
    %get3A_1360 = arith.constant 96 : index
    %get3A_1361 = tpu.vector_load %arg8[%get3A_1360] {strides = array<i32>} : memref<128xi32, #tpu.memory_space<vmem>>, vector<16xi32>,
    %get3A_1362 = vector.shape_cast %get3A_1361 : vector<16xi32> to vector<16xi32>
    %get3A_1363 = arith.constant 96 : index
    %get3A_1364 = tpu.vector_load %arg12[%get3A_1363] {strides = array<i32>} : memref<128xf32, #tpu.memory_space<vmem>>, vector<16xf32>,
    %get3A_1365 = vector.shape_cast %get3A_1364 : vector<16xf32> to vector<16xf32>
    %convert_element_type3A_1366 = arith.sitofp %get3A_1362 : vector<16xi32> to vector<16xf32>
    %add3A_1367 = arith.constant 1.000000e+00 : f32
    %add3A_1368 = vector.broadcast %add3A_1367 : f32 to vector<16xf32>
    %add3A_1369 = arith.addf %convert_element_type3A_1366, %add3A_1368 : vector<16xf32>
    %mul3A_1370 = arith.constant 1.20901459E-4 : f32
    %mul3A_1371 = vector.broadcast %mul3A_1370 : f32 to vector<16xf32>
    %mul3A_1372 = arith.mulf %add3A_1369, %mul3A_1371 : vector<16xf32>
    %exp3A_1373 = math.exp %get3A_1365 : vector<16xf32>
    %mul3A_1374 = arith.mulf %mul3A_1372, %exp3A_1373 : vector<16xf32>
    %swap3A_1375 = arith.constant 96 : index
    %swap3A_1376 = tpu.vector_load %arg14[%swap3A_1375] {strides = array<i32>} : memref<128xf32, #tpu.memory_space<vmem>>, vector<16xf32>,
    %swap3A_1377 = vector.shape_cast %swap3A_1376 : vector<16xf32> to vector<16xf32>
    %swap3A_1378 = vector.shape_cast %mul3A_1374 : vector<16xf32> to vector<16xf32>
    tpu.vector_store %arg14[%swap3A_1375], %swap3A_1378 {strides = array<i32>} : memref<128xf32, #tpu.memory_space<vmem>>, vector<16xf32>,
    %get3A_1379 = arith.constant 112 : index
    %get3A_1380 = tpu.vector_load %arg8[%get3A_1379] {strides = array<i32>} : memref<128xi32, #tpu.memory_space<vmem>>, vector<16xi32>,
    %get3A_1381 = vector.shape_cast %get3A_1380 : vector<16xi32> to vector<16xi32>
    %get3A_1382 = arith.constant 112 : index
    %get3A_1383 = tpu.vector_load %arg12[%get3A_1382] {strides = array<i32>} : memref<128xf32, #tpu.memory_space<vmem>>, vector<16xf32>,
    %get3A_1384 = vector.shape_cast %get3A_1383 : vector<16xf32> to vector<16xf32>
    %convert_element_type3A_1385 = arith.sitofp %get3A_1381 : vector<16xi32> to vector<16xf32>
    %add3A_1386 = arith.constant 1.000000e+00 : f32
    %add3A_1387 = vector.broadcast %add3A_1386 : f32 to vector<16xf32>
    %add3A_1388 = arith.addf %convert_element_type3A_1385, %add3A_1387 : vector<16xf32>
    %mul3A_1389 = arith.constant 1.20901459E-4 : f32
    %mul3A_1390 = vector.broadcast %mul3A_1389 : f32 to vector<16xf32>
    %mul3A_1391 = arith.mulf %add3A_1388, %mul3A_1390 : vector<16xf32>
    %exp3A_1392 = math.exp %get3A_1384 : vector<16xf32>
    %mul3A_1393 = arith.mulf %mul3A_1391, %exp3A_1392 : vector<16xf32>
    %swap3A_1394 = arith.constant 112 : index
    %swap3A_1395 = tpu.vector_load %arg14[%swap3A_1394] {strides = array<i32>} : memref<128xf32, #tpu.memory_space<vmem>>, vector<16xf32>,
    %swap3A_1396 = vector.shape_cast %swap3A_1395 : vector<16xf32> to vector<16xf32>
    %swap3A_1397 = vector.shape_cast %mul3A_1393 : vector<16xf32> to vector<16xf32>
    tpu.vector_store %arg14[%swap3A_1394], %swap3A_1397 {strides = array<i32>} : memref<128xf32, #tpu.memory_space<vmem>>, vector<16xf32>,
    %dma_wait3A_1398 = arith.constant 0 : i32
    %dma_wait3A_1399 = arith.constant 0 : i32
    %dma_wait3A_1400 = tpu.memref_slice %arg3[%dma_wait3A_1398, %dma_wait3A_1399] : memref<100000x128xf32, #tpu.memory_space<hbm>> -> memref<100000x128xf32, #tpu.memory_space<hbm>>
    tpu.wait_indirect_dma semaphore(%arg16 : memref<!tpu.dma_semaphore, #tpu.memory_space<semaphore_mem>>) src(%dma_wait3A_1400 : memref<100000x128xf32, #tpu.memory_space<hbm>>) dst(%arg10 : memref<128x128xf32, #tpu.memory_space<vmem>>)
    %add3A_1401 = arith.constant 896 : i32
    %add3A_1402 = arith.addi %mul3A_2, %add3A_1401 : i32
    %dma_start3A_1403 = arith.constant 0 : i32
    %dma_start3A_1404 = tpu.memref_slice %arg5[%add3A_1402, %dma_start3A_1403] : memref<32768x128xf32, #tpu.memory_space<hbm>> -> memref<128x128xf32, #tpu.memory_space<hbm>>
    %dma_start3A_1405 = arith.constant 0 : i32
    %dma_start3A_1406 = tpu.memref_slice %arg5[%add3A_1402, %dma_start3A_1405] : memref<32768x128xf32, #tpu.memory_space<hbm>> -> memref<128x128xf32, #tpu.memory_space<hbm>>
    tpu.enqueue_dma source(%arg10 : memref<128x128xf32, #tpu.memory_space<vmem>>) target(%dma_start3A_1406 : memref<128x128xf32, #tpu.memory_space<hbm>>) target_semaphore(%arg20 : memref<!tpu.dma_semaphore, #tpu.memory_space<semaphore_mem>>)
    %dma_start3A_1407 = tpu.memref_slice %arg6[%add3A_1402] : memref<32768xf32, #tpu.memory_space<hbm>> -> memref<128xf32, #tpu.memory_space<hbm>>
    %dma_start3A_1408 = tpu.memref_slice %arg6[%add3A_1402] : memref<32768xf32, #tpu.memory_space<hbm>> -> memref<128xf32, #tpu.memory_space<hbm>>
    tpu.enqueue_dma source(%arg14 : memref<128xf32, #tpu.memory_space<vmem>>) target(%dma_start3A_1408 : memref<128xf32, #tpu.memory_space<hbm>>) target_semaphore(%arg22 : memref<!tpu.dma_semaphore, #tpu.memory_space<semaphore_mem>>)
    %dma_wait3A_1409 = arith.constant 0 : i32
    %dma_wait3A_1410 = tpu.memref_slice %arg5[%add3A_1237, %dma_wait3A_1409] : memref<32768x128xf32, #tpu.memory_space<hbm>> -> memref<128x128xf32, #tpu.memory_space<hbm>>
    %dma_wait3A_1411 = arith.constant 0 : i32
    %dma_wait3A_1412 = tpu.memref_slice %arg5[%add3A_1237, %dma_wait3A_1411] : memref<32768x128xf32, #tpu.memory_space<hbm>> -> memref<128x128xf32, #tpu.memory_space<hbm>>
    tpu.wait_dma2 semaphore(%arg19 : memref<!tpu.dma_semaphore, #tpu.memory_space<semaphore_mem>>) src(%arg9 : memref<128x128xf32, #tpu.memory_space<vmem>>) dst(%dma_wait3A_1412 : memref<128x128xf32, #tpu.memory_space<hbm>>)
    %dma_wait3A_1413 = tpu.memref_slice %arg6[%add3A_1237] : memref<32768xf32, #tpu.memory_space<hbm>> -> memref<128xf32, #tpu.memory_space<hbm>>
    %dma_wait3A_1414 = tpu.memref_slice %arg6[%add3A_1237] : memref<32768xf32, #tpu.memory_space<hbm>> -> memref<128xf32, #tpu.memory_space<hbm>>
    tpu.wait_dma2 semaphore(%arg21 : memref<!tpu.dma_semaphore, #tpu.memory_space<semaphore_mem>>) src(%arg13 : memref<128xf32, #tpu.memory_space<vmem>>) dst(%dma_wait3A_1414 : memref<128xf32, #tpu.memory_space<hbm>>)
    %dma_wait3A_1415 = arith.constant 0 : i32
    %dma_wait3A_1416 = tpu.memref_slice %arg5[%add3A_1402, %dma_wait3A_1415] : memref<32768x128xf32, #tpu.memory_space<hbm>> -> memref<128x128xf32, #tpu.memory_space<hbm>>
    %dma_wait3A_1417 = arith.constant 0 : i32
    %dma_wait3A_1418 = tpu.memref_slice %arg5[%add3A_1402, %dma_wait3A_1417] : memref<32768x128xf32, #tpu.memory_space<hbm>> -> memref<128x128xf32, #tpu.memory_space<hbm>>
    tpu.wait_dma2 semaphore(%arg20 : memref<!tpu.dma_semaphore, #tpu.memory_space<semaphore_mem>>) src(%arg10 : memref<128x128xf32, #tpu.memory_space<vmem>>) dst(%dma_wait3A_1418 : memref<128x128xf32, #tpu.memory_space<hbm>>)
    %dma_wait3A_1419 = tpu.memref_slice %arg6[%add3A_1402] : memref<32768xf32, #tpu.memory_space<hbm>> -> memref<128xf32, #tpu.memory_space<hbm>>
    %dma_wait3A_1420 = tpu.memref_slice %arg6[%add3A_1402] : memref<32768xf32, #tpu.memory_space<hbm>> -> memref<128xf32, #tpu.memory_space<hbm>>
    tpu.wait_dma2 semaphore(%arg22 : memref<!tpu.dma_semaphore, #tpu.memory_space<semaphore_mem>>) src(%arg14 : memref<128xf32, #tpu.memory_space<vmem>>) dst(%dma_wait3A_1420 : memref<128xf32, #tpu.memory_space<hbm>>)
    return
  }
}

module attributes {stable_mosaic.version = 14 : i64} {
  func.func @_tc_body(%arg0: i32, %arg1: memref<2048x128xf32, #tpu.memory_space<vmem>>, %arg2: memref<2048x1xf32, #tpu.memory_space<vmem>>, %arg3: memref<128x128xf32, #tpu.memory_space<vmem>>, %arg4: memref<1x128xf32, #tpu.memory_space<vmem>>, %arg5: memref<2048x128xf32, #tpu.memory_space<vmem>>, %arg6: memref<2048x128xf32, #tpu.memory_space<vmem>>) attributes {dimension_semantics = [#tpu.dimension_semantics<arbitrary>], iteration_bounds = array<i64: 16>, scalar_prefetch = 0 : i64, scratch_operands = 0 : i64, tpu.core_type = #tpu.core_type<tc>, window_params = [{transform_indices = @transform_0, window_bounds = array<i64: 2048, 128>}, {transform_indices = @transform_1, window_bounds = array<i64: 2048, 1>}, {pipeline_mode = #tpu.pipeline_mode<synchronous>, transform_indices = @transform_2, window_bounds = array<i64: 128, 128>}, {pipeline_mode = #tpu.pipeline_mode<synchronous>, transform_indices = @transform_3, window_bounds = array<i64: 1, 128>}, {transform_indices = @transform_4, window_bounds = array<i64: 2048, 128>}, {transform_indices = @transform_5, window_bounds = array<i64: 2048, 128>}]} {
    %get3A = arith.constant 0 : index
    %get3A_0 = arith.constant 0 : index
    %get3A_1 = vector.load %arg1[%get3A, %get3A_0] : memref<2048x128xf32, #tpu.memory_space<vmem>>, vector<2048x128xf32>
    %max3A = arith.constant 0.000000e+00 : f32
    %max3A_2 = vector.broadcast %max3A : f32 to vector<2048x128xf32>
    %max3A_3 = arith.maximumf %get3A_1, %max3A_2 : vector<2048x128xf32>
    %abs3A = math.absf %get3A_1 : vector<2048x128xf32>
    %mul3A = arith.constant -1.44269502 : f32
    %mul3A_4 = vector.broadcast %mul3A : f32 to vector<2048x128xf32>
    %mul3A_5 = arith.mulf %mul3A_4, %abs3A : vector<2048x128xf32>
    %exp23A = math.exp2 %mul3A_5 : vector<2048x128xf32>
    %add3A = arith.constant 1.000000e+00 : f32
    %add3A_6 = vector.broadcast %add3A : f32 to vector<2048x128xf32>
    %add3A_7 = arith.addf %add3A_6, %exp23A : vector<2048x128xf32>
    %log3A = math.log %add3A_7 : vector<2048x128xf32>
    %log3A_8 = arith.constant 2.000000e+00 : f32
    %log3A_9 = math.log %log3A_8 : f32
    %div3A = vector.broadcast %log3A_9 : f32 to vector<2048x128xf32>
    %div3A_10 = arith.divf %log3A, %div3A : vector<2048x128xf32>
    %mul3A_11 = arith.constant 0.693147182 : f32
    %mul3A_12 = vector.broadcast %mul3A_11 : f32 to vector<2048x128xf32>
    %mul3A_13 = arith.mulf %mul3A_12, %div3A_10 : vector<2048x128xf32>
    %add3A_14 = arith.addf %max3A_3, %mul3A_13 : vector<2048x128xf32>
    %mul3A_15 = arith.mulf %add3A_14, %add3A_14 : vector<2048x128xf32>
    %broadcast_in_dim3A = arith.constant 1.000000e+00 : f32
    %broadcast_in_dim3A_16 = vector.broadcast %broadcast_in_dim3A : f32 to vector<128x128xf32>
    %dot_general3A = arith.constant dense<0.000000e+00> : vector<2048x128xf32>
    %dot_general3A_17 = tpu.matmul %mul3A_15, %broadcast_in_dim3A_16, %dot_general3A {dimension_numbers = #tpu.dot_dimension_numbers<[1], [0], [0], [1], [0, 0, 1, 1], [], []>, transpose_lhs_hint = false} : vector<2048x128xf32>, vector<128x128xf32>, vector<2048x128xf32> -> vector<2048x128xf32>
    %get3A_18 = arith.constant 0 : index
    %get3A_19 = arith.constant 0 : index
    %get3A_20 = vector.load %arg2[%get3A_18, %get3A_19] : memref<2048x1xf32, #tpu.memory_space<vmem>>, vector<2048x1xf32>
    %max3A_21 = arith.constant 9.99999993E-9 : f32
    %max3A_22 = vector.broadcast %max3A_21 : f32 to vector<2048x128xf32>
    %max3A_23 = arith.maximumf %dot_general3A_17, %max3A_22 : vector<2048x128xf32>
    %rsqrt3A = math.rsqrt %max3A_23 : vector<2048x128xf32>
    %mul3A_24 = vector.broadcast %get3A_20 : vector<2048x1xf32> to vector<2048x128xf32>
    %mul3A_25 = arith.mulf %mul3A_24, %rsqrt3A : vector<2048x128xf32>
    %mul3A_26 = arith.mulf %add3A_14, %mul3A_25 : vector<2048x128xf32>
    %jit3A = arith.constant 4 : i32
    %eq3A = arith.constant 0 : i32
    %eq3A_27 = arith.cmpi eq, %jit3A, %eq3A : i32
    %jit3A_28 = arith.constant 1 : i32
    %select_n3A = arith.select %eq3A_27, %jit3A_28, %jit3A : i32
    %rem3A = arith.remsi %arg0, %select_n3A : i32
    %ne3A = arith.constant 0 : i32
    %ne3A_29 = arith.cmpi ne, %rem3A, %ne3A : i32
    %lt3A = arith.constant 0 : i32
    %lt3A_30 = arith.cmpi slt, %rem3A, %lt3A : i32
    %lt3A_31 = arith.constant 0 : i32
    %lt3A_32 = arith.cmpi slt, %select_n3A, %lt3A_31 : i32
    %ne3A_33 = arith.xori %lt3A_30, %lt3A_32 : i1
    %and3A = arith.andi %ne3A_33, %ne3A_29 : i1
    %add3A_34 = arith.addi %rem3A, %select_n3A : i32
    %select_n3A_35 = arith.select %and3A, %add3A_34, %rem3A : i32
    %mul3A_36 = arith.constant 2048 : i32
    %mul3A_37 = arith.muli %select_n3A_35, %mul3A_36 : i32
    %iota3A = tpu.iota {dimensions = array<i32: 0>} : vector<2048x1xi32>
    %add3A_38 = vector.broadcast %mul3A_37 : i32 to vector<2048x1xi32>
    %add3A_39 = arith.addi %add3A_38, %iota3A : vector<2048x1xi32>
    %convert_element_type3A = arith.sitofp %add3A_39 : vector<2048x1xi32> to vector<2048x1xf32>
    %get3A_40 = arith.constant 0 : index
    %get3A_41 = arith.constant 0 : index
    %get3A_42 = vector.load %arg4[%get3A_40, %get3A_41] : memref<1x128xf32, #tpu.memory_space<vmem>>, vector<1x128xf32>
    %mul3A_43 = vector.broadcast %convert_element_type3A : vector<2048x1xf32> to vector<2048x128xf32>
    %mul3A_44 = vector.broadcast %get3A_42 : vector<1x128xf32> to vector<2048x128xf32>
    %mul3A_45 = arith.mulf %mul3A_43, %mul3A_44 : vector<2048x128xf32>
    %get3A_46 = arith.constant 0 : index
    %get3A_47 = arith.constant 0 : index
    %get3A_48 = vector.load %arg3[%get3A_46, %get3A_47] : memref<128x128xf32, #tpu.memory_space<vmem>>, vector<128x128xf32>
    %dot_general3A_49 = arith.constant dense<0.000000e+00> : vector<2048x128xf32>
    %dot_general3A_50 = tpu.matmul %get3A_1, %get3A_48, %dot_general3A_49 {dimension_numbers = #tpu.dot_dimension_numbers<[1], [0], [0], [1], [0, 0, 1, 1], [], []>, transpose_lhs_hint = false} : vector<2048x128xf32>, vector<128x128xf32>, vector<2048x128xf32> -> vector<2048x128xf32>
    %add3A_51 = arith.addf %mul3A_45, %dot_general3A_50 : vector<2048x128xf32>
    %mul3A_52 = arith.constant 0.159154937 : f32
    %mul3A_53 = vector.broadcast %mul3A_52 : f32 to vector<2048x128xf32>
    %mul3A_54 = arith.mulf %add3A_51, %mul3A_53 : vector<2048x128xf32>
    %round3A = math.roundeven %mul3A_54 : vector<2048x128xf32>
    %mul3A_55 = arith.constant 6.281250e+00 : f32
    %mul3A_56 = vector.broadcast %mul3A_55 : f32 to vector<2048x128xf32>
    %mul3A_57 = arith.mulf %round3A, %mul3A_56 : vector<2048x128xf32>
    %sub3A = arith.subf %add3A_51, %mul3A_57 : vector<2048x128xf32>
    %mul3A_58 = arith.constant 0.00193530717 : f32
    %mul3A_59 = vector.broadcast %mul3A_58 : f32 to vector<2048x128xf32>
    %mul3A_60 = arith.mulf %round3A, %mul3A_59 : vector<2048x128xf32>
    %sub3A_61 = arith.subf %sub3A, %mul3A_60 : vector<2048x128xf32>
    %mul3A_62 = arith.mulf %sub3A_61, %sub3A_61 : vector<2048x128xf32>
    %broadcast_in_dim3A_63 = arith.constant -9.92846325E-4 : f32
    %broadcast_in_dim3A_64 = vector.broadcast %broadcast_in_dim3A_63 : f32 to vector<2048x128xf32>
    %broadcast_in_dim3A_65 = arith.constant -1.53250119E-4 : f32
    %broadcast_in_dim3A_66 = vector.broadcast %broadcast_in_dim3A_65 : f32 to vector<2048x128xf32>
    %mul3A_67 = arith.mulf %broadcast_in_dim3A_64, %mul3A_62 : vector<2048x128xf32>
    %add3A_68 = arith.constant 0.03952213 : f32
    %add3A_69 = vector.broadcast %add3A_68 : f32 to vector<2048x128xf32>
    %add3A_70 = arith.addf %mul3A_67, %add3A_69 : vector<2048x128xf32>
    %mul3A_71 = arith.mulf %broadcast_in_dim3A_66, %mul3A_62 : vector<2048x128xf32>
    %add3A_72 = arith.constant 0.00808642525 : f32
    %add3A_73 = vector.broadcast %add3A_72 : f32 to vector<2048x128xf32>
    %add3A_74 = arith.addf %mul3A_71, %add3A_73 : vector<2048x128xf32>
    %mul3A_75 = arith.mulf %add3A_70, %mul3A_62 : vector<2048x128xf32>
    %add3A_76 = arith.constant -0.496248156 : f32
    %add3A_77 = vector.broadcast %add3A_76 : f32 to vector<2048x128xf32>
    %add3A_78 = arith.addf %mul3A_75, %add3A_77 : vector<2048x128xf32>
    %mul3A_79 = arith.mulf %add3A_74, %mul3A_62 : vector<2048x128xf32>
    %add3A_80 = arith.constant -0.166232571 : f32
    %add3A_81 = vector.broadcast %add3A_80 : f32 to vector<2048x128xf32>
    %add3A_82 = arith.addf %mul3A_79, %add3A_81 : vector<2048x128xf32>
    %mul3A_83 = arith.mulf %add3A_78, %mul3A_62 : vector<2048x128xf32>
    %add3A_84 = arith.constant 0.998986959 : f32
    %add3A_85 = vector.broadcast %add3A_84 : f32 to vector<2048x128xf32>
    %add3A_86 = arith.addf %mul3A_83, %add3A_85 : vector<2048x128xf32>
    %mul3A_87 = arith.mulf %add3A_82, %mul3A_62 : vector<2048x128xf32>
    %add3A_88 = arith.constant 0.999882459 : f32
    %add3A_89 = vector.broadcast %add3A_88 : f32 to vector<2048x128xf32>
    %add3A_90 = arith.addf %mul3A_87, %add3A_89 : vector<2048x128xf32>
    %mul3A_91 = arith.mulf %add3A_90, %sub3A_61 : vector<2048x128xf32>
    %mul3A_92 = arith.mulf %mul3A_26, %add3A_86 : vector<2048x128xf32>
    %swap3A = arith.constant 0 : index
    %swap3A_93 = arith.constant 0 : index
    %swap3A_94 = vector.load %arg5[%swap3A, %swap3A_93] : memref<2048x128xf32, #tpu.memory_space<vmem>>, vector<2048x128xf32>
    tpu.vector_store %arg5[%swap3A, %swap3A_93], %mul3A_92 {strides = array<i32>} : memref<2048x128xf32, #tpu.memory_space<vmem>>, vector<2048x128xf32>,
    %mul3A_95 = arith.mulf %mul3A_26, %mul3A_91 : vector<2048x128xf32>
    %swap3A_96 = arith.constant 0 : index
    %swap3A_97 = arith.constant 0 : index
    %swap3A_98 = vector.load %arg6[%swap3A_96, %swap3A_97] : memref<2048x128xf32, #tpu.memory_space<vmem>>, vector<2048x128xf32>
    tpu.vector_store %arg6[%swap3A_96, %swap3A_97], %mul3A_95 {strides = array<i32>} : memref<2048x128xf32, #tpu.memory_space<vmem>>, vector<2048x128xf32>,
    return
  }
  func.func @transform_0(%arg0: i32) -> (i32, i32) {
    %c0_i32 = arith.constant 0 : i32
    %c0_i32_0 = arith.constant 0 : i32
    return %arg0, %c0_i32 : i32, i32
  }
  func.func @transform_1(%arg0: i32) -> (i32, i32) {
    %c0_i32 = arith.constant 0 : i32
    %c0_i32_0 = arith.constant 0 : i32
    return %arg0, %c0_i32 : i32, i32
  }
  func.func @transform_2(%arg0: i32) -> (i32, i32) {
    %c0_i32 = arith.constant 0 : i32
    %c0_i32_0 = arith.constant 0 : i32
    %c0_i32_1 = arith.constant 0 : i32
    return %c0_i32, %c0_i32_0 : i32, i32
  }
  func.func @transform_3(%arg0: i32) -> (i32, i32) {
    %c0_i32 = arith.constant 0 : i32
    %c0_i32_0 = arith.constant 0 : i32
    %c0_i32_1 = arith.constant 0 : i32
    return %c0_i32, %c0_i32_0 : i32, i32
  }
  func.func @transform_4(%arg0: i32) -> (i32, i32) {
    %c0_i32 = arith.constant 0 : i32
    %c0_i32_0 = arith.constant 0 : i32
    return %arg0, %c0_i32 : i32, i32
  }
  func.func @transform_5(%arg0: i32) -> (i32, i32) {
    %c0_i32 = arith.constant 0 : i32
    %c0_i32_0 = arith.constant 0 : i32
    return %arg0, %c0_i32 : i32, i32
  }
}

</mosaic_0001>

<sc_bundles>
// kernel: kernel.4.cloned.1.call-start
scs
__scs_entry_jumppad:
0x0: {  	(pc) =	sbr.rel $0x88, $3  }
0x1: {  	(tag) =	ssettag $0x0;
	lr =	simm.s32 $0x1  }
0x2: {  	[smem:$0x3F9D] =	sst lr;
	_ =	strace $0xD0000000  }
0x3: {  	_ = 	snop  }
0x4: {  	_ = 	snop  }
0x5: {  	_ = 	snop  }
0x6: {  	_ = 	snop  }
0x7: {  	_ = 	snop  }
__scs_overlays_trampoline_lowered:
0x8: {  	[smem:$0x3FAC] =	sst s0  }
0x9: {  	[smem:$0x3FAD] =	sst s1  }
0xa: {  	[smem:$0x3FAE] =	sst s2  }
0xb: {  	[smem:$0x3FAF] =	sst s3  }
0xc: {  	[smem:$0x3FB0] =	sst s4  }
0xd: {  	[smem:$0x3FB1] =	sst s5  }
0xe: {  	[smem:$0x3FB2] =	sst s6  }
0xf: {  	[smem:$0x3FB3] =	sst s7  }
0x10: {  	[smem:$0x3FB4] =	sst s8  }
0x11: {  	[smem:$0x3FB5] =	sst s9;
	s0 =	simm.s32 @!p0 $0x0  }
0x12: {  	s1 =	sld [smem:$0x3F9B];
	s0 =	simm.s32 @p0 $0x1  }
0x13: {  	[smem:$0x3FB6] =	sst s0;
	s0 =	simm.s32 @!p1 $0x0  }
0x14: {  	s2 =	sld [smem:$0x3F9A];
	s0 =	simm.s32 @p1 $0x1  }
0x15: {  	[smem:$0x3FB7] =	sst s0;
	s0 =	simm.s32 @!p2 $0x0  }
0x16: {  	s3 =	sld [smem:$0x3FDB];
	s0 =	simm.s32 @p2 $0x1  }
0x17: {  	s4 =	simm.s32 $0x1BF5;
	[smem:$0x3FB9] =	sst s0  }
0x18: {  	s0 =	sld [smem:$0x3F9C];
	_ =	swait.ge [sflag:s4], $0x0  }
0x19: {  	s7 =	sld [smem:$0x3F9D]  }
0x1a: {  	s8 =	sadd.s32 $0xFFFFE003, lr  }
0x1b: {  	s9 =	sadd.s32 $0xFFFFFEF7, lr;
	s5 =	simm.s32 $0xFFFFFFFF;
	p2 =	slt.u32 s8, $0xFFFFF086  }
0x1c: {  	p1 =	slt.u32 s9, $0xF7A;
	s5 =	simm.s32 @!p2 $0x0  }
0x1d: {  	s5 =	simm.s32 @p1 $0x1;
	p0 =	seq.s32 s7, s2  }
0x1e: {  	s7 =	smul.u32 @!p0 $0xF7A, s2;
	p2 =	seq.s32 @!p0 s5, $0x0  }
0x1f: {  	s9 =	smul.u32 $0xF7A, s1;
	s8 =	simm.s32 @!p0 $0x1BF5;
	p2 =	por !p2, p0  }
0x20: {  	[sflag:s8] =	ssyncset.s32 @!p0 $0xFFFFF086;
	s6 =	sadd.s32 @!p0 s3, s7;
	s7 =	simm.s32 @!p0 $0x108  }
0x21: {  	s3 =	sadd.s32 s3, s9;
	s6 =	sadd.s32 @!p0 $0x88, s6;
	s7 =	simm.s32 @p2 $0x1082  }
0x22: {  	[simem:s7], [sflag:s8] =	dma.local @!p0 [hbm:s6], $0xF7A  }
0x23: {  	s9 =	sor.u32 $0xD0000000, s2;
	s6 =	simm.s32 $0x108;
	_ =	swait.ge @!p0 [sflag:s8], $0x0  }
0x24: {  	s3 =	sadd.s32 $0x88, s3;
	s6 =	simm.s32 @!p1 $0x1082;
	[sflag:s4] =	ssyncset.s32 $0xFFFFF086  }
0x25: {  	[simem:s6], [sflag:s4] =	dma.local [hbm:s3], $0xF7A  }
0x26: {  	[smem:$0x3F9D] =	sst s1;
	(tag) =	ssettag s2;
	_ =	strace s9  }
0x27: {  	s1 =	sld [smem:$0x3FAD]  }
0x28: {  	s2 =	sld [smem:$0x3FAE]  }
0x29: {  	s4 =	sld [smem:$0x3FB0]  }
0x2a: {  	p0 =	seq.s32 s5, $0x0;
	s5 =	sld [smem:$0x3FB1]  }
0x2b: {  	s6 =	sld [smem:$0x3FB2]  }
0x2c: {  	s7 =	sld [smem:$0x3FB3]  }
0x2d: {  	s3 =	simm.s32 $0x108;
	s8 =	sld [smem:$0x3FB4]  }
0x2e: {  	s3 =	simm.s32 @!p0 $0x1082;
	s9 =	sld [smem:$0x3FB5]  }
0x2f: {  	lr =	sadd.s32 s0, s3;
	s0 =	sld [smem:$0x3FAC]  }
0x30: {  	s3 =	sld [smem:$0x3FAF]  }
0x31: {  	[smem:$0x3FB8] =	sst s10  }
0x32: {  	s10 =	sld [smem:$0x3FB6];
	_ =	sdelay $0x3  }
0x33: {  	p0 =	seq.s32 s10, $0x1;
	s10 =	sld [smem:$0x3FB8];
	_ =	sdelay $0x3  }
0x34: {  	[smem:$0x3FB8] =	sst s10  }
0x35: {  	s10 =	sld [smem:$0x3FB7];
	_ =	sdelay $0x3  }
0x36: {  	p1 =	seq.s32 s10, $0x1;
	s10 =	sld [smem:$0x3FB8];
	_ =	sdelay $0x3  }
0x37: {  	[smem:$0x3FB8] =	sst s10  }
0x38: {  	s10 =	sld [smem:$0x3FB9]  }
0x39: {  	_ = 	snop;
	(pc) =	sbr.ind lr, $3  }
0x3a: {  	_ = 	snop  }
0x3b: {  	_ = 	snop  }
0x3c: {  	p2 =	seq.s32 s10, $0x1;
	s10 =	sld [smem:$0x3FB8]  }
0x3d: {  	_ =	shalt  }
0x3e: {  	_ =	shalt  }
0x3f: {  	_ =	shalt  }
0x40: {  	_ =	shalt  }
0x41: {  	_ =	shalt  }
0x42: {  	_ =	shalt  }
0x43: {  	_ =	shalt  }
0x44: {  	_ =	shalt  }
0x45: {  	_ =	shalt  }
0x46: {  	_ =	shalt  }
0x47: {  	_ =	shalt  }
0x48: {  	_ =	shalt  }
0x49: {  	_ =	shalt  }
0x4a: {  	_ =	shalt  }
0x4b: {  	_ =	shalt  }
0x4c: {  	_ =	shalt  }
0x4d: {  	_ =	shalt  }
0x4e: {  	_ =	shalt  }
0x4f: {  	_ =	shalt  }
0x50: {  	_ =	shalt  }
0x51: {  	_ =	shalt  }
0x52: {  	_ =	shalt  }
0x53: {  	_ =	shalt  }
0x54: {  	_ =	shalt  }
0x55: {  	_ =	shalt  }
0x56: {  	_ =	shalt  }
0x57: {  	_ =	shalt  }
0x58: {  	_ =	shalt  }
0x59: {  	_ =	shalt  }
0x5a: {  	_ =	shalt  }
0x5b: {  	_ =	shalt  }
0x5c: {  	_ =	shalt  }
0x5d: {  	_ =	shalt  }
0x5e: {  	_ =	shalt  }
0x5f: {  	_ =	shalt  }
0x60: {  	_ =	shalt  }
0x61: {  	_ =	shalt  }
0x62: {  	_ =	shalt  }
0x63: {  	_ =	shalt  }
0x64: {  	_ =	shalt  }
0x65: {  	_ =	shalt  }
0x66: {  	_ =	shalt  }
0x67: {  	_ =	shalt  }
0x68: {  	_ =	shalt  }
0x69: {  	_ =	shalt  }
0x6a: {  	_ =	shalt  }
0x6b: {  	_ =	shalt  }
0x6c: {  	_ =	shalt  }
0x6d: {  	_ =	shalt  }
0x6e: {  	_ =	shalt  }
0x6f: {  	_ =	shalt  }
0x70: {  	_ =	shalt  }
0x71: {  	_ =	shalt  }
0x72: {  	_ =	shalt  }
0x73: {  	_ =	shalt  }
0x74: {  	_ =	shalt  }
0x75: {  	_ =	shalt  }
0x76: {  	_ =	shalt  }
0x77: {  	_ =	shalt  }
0x78: {  	_ =	shalt  }
0x79: {  	_ =	shalt  }
0x7a: {  	_ =	shalt  }
0x7b: {  	_ =	shalt  }
0x7c: {  	_ =	shalt  }
0x7d: {  	_ =	shalt  }
0x7e: {  	_ =	shalt  }
0x7f: {  	_ =	shalt  }
0x80: {  	_ =	shalt  }
0x81: {  	_ =	shalt  }
0x82: {  	_ =	shalt  }
0x83: {  	_ =	shalt  }
0x84: {  	_ =	shalt  }
0x85: {  	_ =	shalt  }
0x86: {  	_ =	shalt  }
0x87: {  	_ =	shalt  }
.Lfunc_end0:
.L_simem_size_0:
called_computation_lowered:
.L_overlay_start_0:
0x88: {  	s2 =	sld [smem:$0x3FD9]  }
0x89: {  	s3 =	sld [smem:$0x3FFE];
	_ =	sdelay $0x1  }
0x8a: {  	s1 =	srdreg.scid  }
0x8b: {  	s0 =	sand.u32 $0x1, s1  }
0x8c: {  	s17 =	sshll.u32 s0, $0xA;
	s2 =	sadd.s32 s3, s2  }
0x8d: {  	s2 =	sadd.s32 s2, s17  }
0x8e: {  	[smem:$0x3FC4] =	sst s2  }
0x8f: {  	_ = 	snop  }
0x90: {  	s2 =	sld [smem:$0x3FC8]  }
0x91: {  	s18 =	sld [smem:$0x3FD0];
	(tm) =	ssettm $0x1  }
0x92: {  	s4 =	sld [smem:$0x3FFB];
	_ =	sdelay $0x3  }
0x93: {  	_ =	strace s4  }
0x94: {  	s4 =	sld [smem:$0x3FFC];
	_ =	sdelay $0x3  }
0x95: {  	_ =	strace s4  }
0x96: {  	s4 =	sld [smem:$0x3FFD];
	_ =	sdelay $0x3  }
0x97: {  	_ =	strace s4  }
0x98: {  	_ =	strace $0x8FFFFFFF  }
0x99: {  	s19 =	sld [smem:$0x3FDB];
	_ =	sdelay $0x1  }
0x9a: {  	s5 =	simm.s32 $_scs_section_size  }
0x9b: {  	s6 =	simm.s32 $_size__tile_overlayer_lowered;
	s7 =	simm.s32 $_tile_overlayer_lowered  }
0x9c: {  	s22 =	simm.s32 $0x1BFF;
	s21 =	sshll.u32 s7, $0x1;
	s4 =	sadd.s32 s5, s19  }
0x9d: {  	s8 =	simm.s32 $0x0;
	s20 =	sshll.u32 s6, $0x1;
	s6 =	sadd.s32 s21, s4  }
0x9e: {  	[timem:s8], [sflag:s22] =	dma.local [hbm:s6], s20  }
0x9f: {  	_ =	swait.ge [sflag:s22], s20  }
0xa0: {  	s5 =	ssub.s32 $0x0, s20;
	[sflag:s22] =	ssyncset.done $0x0  }
0xa1: {  	[sflag:s22] =	ssyncadd.s32 s5;
	_ =	sdelay $0x1  }
0xa2: {  	s23 =	simm.s32 $0x1B8B  }
0xa3: {  	_ =	swait.ge [sflag:s23], $0x1  }
0xa4: {  	[sflag:s23] =	ssyncset.done $0x0  }
0xa5: {  	s25 =	simm.s32 $0x1B8E;
	s24 =	sld [smem:$0x3FFE];
	[sflag:s23] =	ssyncadd.s32 $0xFFFFFFFF  }
0xa6: {  	s26 =	simm.s32 $execute0_lowered;
	[smem:$0x3FD2] =	sst s25  }
0xa7: {  	s6 =	sshll.u32 s26, $0x1;
	_ =	strace $0x80000046;
	[dreg:$0x1] =	wrdreg $0xFFFFFFFF  }
0xa8: {  	s28 =	simm.s32 $_size_execute0_lowered;
	s4 =	sadd.s32 s4, s6;
	[dreg:$0x0] =	wrdreg $0x0  }
0xa9: {  	s6 =	sshll.u32 s28, $0x1;
	[dreg:$0x2] =	wrdreg s4  }
0xaa: {  	[dreg:$0x3] =	wrdreg s6  }
0xab: {  	[dreg:$0x4] =	wrdreg $0xC0  }
0xac: {  	_ =	task [dreg:s8], $0x5FFFF  }
0xad: {  	[dreg:$0x1] =	wrdreg $0xFFFFFFFF  }
0xae: {  	[dreg:$0x0] =	wrdreg $0x60  }
0xaf: {  	[dreg:$0x2] =	wrdreg s24  }
0xb0: {  	[dreg:$0x3] =	wrdreg s2  }
0xb1: {  	[dreg:$0x4] =	wrdreg s18  }
0xb2: {  	[dreg:$0x5] =	wrdreg $0x9  }
0xb3: {  	_ =	task.clear_ibuf [dreg:s8], $0x6FFFF;
	_ =	strace $0x90000046  }
0xb4: {  	s29 =	simm.s32 $0x9;
	_ =	strace $0x80000048  }
0xb5: {  	_ =	swait.ge [sflag:s29], $0x1  }
0xb6: {  	[sflag:s29] =	ssyncadd.s32 $0xFFFFFFFF  }
0xb7: {  	_ =	strace $0x90000048  }
0xb8: {  	_ =	sfence  }
0xb9: {  	s30 =	sld [smem:$0x0];
	_ =	sdelay $0x2  }
0xba: {  	s31 =	sshll.u32 s1, $0xD;
	s1 =	sshrl.u32 s1, $0x2  }
0xbb: {  	s3 =	sand.u32 $0x4000, s31;
	s1 =	sadd.s32 s1, s30  }
0xbc: {  	s0 =	sor.u32 s3, s0;
	s1 =	sshll.u32 s1, $0x11  }
0xbd: {  	s0 =	sor.u32 s1, s0  }
0xbe: {  	s0 =	sadd.s32 $0x8F2B, s0  }
0xbf: {  	[sflag:s0] =	ssyncadd.remote.s32 $0x1  }
0xc0: {  	_ =	sfence.sel $0xFFFF  }
0xc1: {  	[dreg:$0x0] =	wrdreg $0xFFFFFFFF;
	(pc) =	sbr.abs _section_cstart, $3  }
0xc2: {  	[dreg:$0x1] =	wrdreg $0xFFFFFFFF  }
0xc3: {  	_ =	task.clear_ibuf [dreg:s8], $0x2FFFF;
	_ =	strace $0x9FFFFFFF  }
0xc4: {  	(tm) =	ssettm $0x7FFFFFFF  }
0xc5: {  	_ =	shalt  }
tec
execute0_lowered:
.L_overlay_start_1:
0x0: {  	(tag) =	ssettag $0x1  }
0x1: {  	s5 =	rddreg [dreg:$0x0]  }
0x2: {  	s1 =	rddreg [dreg:$0x1]  }
0x3: {  	s2 =	rddreg [dreg:$0x2];
	s4 =	simm.s32 $0x0  }
0x4: {  	s0 =	srdreg.scid;
	s3 =	stileid.u32;
	s28 =	simm.s32 $0x4  }
0x5: {  	s29 =	simm.s32 $0x2;
	s30 =	simm.s32 $0x8280;
	s31 =	simm.s32 $0x6  }
0x6: {  	[smem:$0x7FF] =	sst s4;
	s6 =	sand.u32 $0x1, s0;
	s10 =	sadd.s32 $0x800, s5  }
0x7: {  	s7 =	sshll.u32 s3, $0xB;
	s0 =	sadd.s32 $0x2800, s5;
	s8 =	sshll.u32 s6, $0xA  }
0x8: {  	s14 =	sadd.s32 $0x1800, s5;
	s5 =	ssub.s32 $0x2, s6;
	s8 =	sor.u32 s8, s7  }
0x9: {  	_ =	strace $0x80000047;
	s9 =	sshrl.u32 s5, $0x1;
	s22 =	sshrl.u32 s8, $0x3  }
0xa: {  	s7 =	sor.u32 $0x80, s8;
	s13 =	sshll.u32 s8, $0x4;
	s11 =	sadd.s32 s10, s22  }
0xb: {  	s25 =	sor.u32 $0x100, s8;
	s24 =	sadd.s32 s0, s13;
	[dreg:$0x4] =	wrdreg s11  }
0xc: {  	s12 =	sshrl.u32 s7, $0x3;
	s6 =	sadd.s32 s14, s22;
	[dreg:$0x6] =	wrdreg s24  }
0xd: {  	s26 =	sshrl.u32 s25, $0x3;
	s23 =	sadd.s32 s10, s12;
	[dreg:$0x7] =	wrdreg s6  }
0xe: {  	s7 =	sshll.u32 s7, $0x4;
	s3 =	sadd.s32 s10, s26;
	[dreg:$0x5] =	wrdreg s23  }
0xf: {  	s15 =	sor.u32 $0x180, s8;
	s7 =	sadd.s32 s0, s7;
	[dreg:$0x8] =	wrdreg s3  }
0x10: {  	s17 =	sshrl.u32 s15, $0x3;
	s16 =	sadd.s32 s14, s12;
	[dreg:$0x9] =	wrdreg s7  }
0x11: {  	s13 =	sshll.u32 s25, $0x4;
	s18 =	sadd.s32 s10, s17;
	[dreg:$0xa] =	wrdreg s16  }
0x12: {  	s20 =	sor.u32 $0x200, s8;
	s19 =	sadd.s32 s0, s13;
	[dreg:$0xb] =	wrdreg s18  }
0x13: {  	s22 =	sshrl.u32 s20, $0x3;
	s21 =	sadd.s32 s14, s26;
	[dreg:$0xc] =	wrdreg s19  }
0x14: {  	s25 =	sadd.s32 s14, s17;
	s6 =	sadd.s32 s14, s22;
	[dreg:$0xd] =	wrdreg s21  }
0x15: {  	s23 =	sadd.s32 s10, s22;
	s7 =	sshll.u32 s15, $0x4;
	s15 =	sor.u32 $0x280, s8  }
0x16: {  	s16 =	ssub.s32 s5, s9;
	[dreg:$0x10] =	wrdreg s25;
	s19 =	sshll.u32 s20, $0x4  }
0x17: {  	s20 =	sor.u32 $0x300, s8;
	[dreg:$0xe] =	wrdreg s23;
	s24 =	sadd.s32 s0, s7  }
0x18: {  	s26 =	sshrl.u32 s15, $0x3;
	s21 =	sadd.s32 s0, s19;
	s17 =	sshrl.u32 s20, $0x3  }
0x19: {  	s22 =	sshll.u32 s15, $0x4;
	s23 =	sor.u32 $0x380, s8;
	s25 =	sshll.u32 s20, $0x4  }
0x1a: {  	s15 =	smax.u32 s16, $0x1;
	s16 =	simm.s32 $0x9;
	s19 =	simm.s32 $0x8100  }
0x1b: {  	s20 =	simm.s32 $0x4100;
	[dreg:$0xf] =	wrdreg s24;
	s18 =	sadd.s32 s10, s26  }
0x1c: {  	[dreg:$0x12] =	wrdreg s21;
	s7 =	sadd.s32 s10, s17;
	s8 =	sadd.s32 s0, s22  }
0x1d: {  	s9 =	sadd.s32 s14, s26;
	s24 =	sshrl.u32 s23, $0x3;
	s26 =	sshll.u32 s23, $0x4  }
0x1e: {  	s11 =	sadd.s32 s0, s25;
	s12 =	sadd.s32 s14, s17;
	s17 =	simm.s32 $0x80  }
0x1f: {  	s21 =	simm.s32 $0x8180;
	s22 =	simm.s32 $0x3;
	s23 =	simm.s32 $0x1  }
0x20: {  	s25 =	simm.s32 $0x5;
	[dreg:$0x11] =	wrdreg s18;
	s10 =	sadd.s32 s10, s24  }
0x21: {  	s13 =	sadd.s32 s0, s26;
	s14 =	sadd.s32 s14, s24;
	s18 =	simm.s32 $0x100  }
0x22: {  	s24 =	simm.s32 $0x8200;
	s26 =	simm.s32 $0x7;
	s0 =	simm.s32 $0x8  }
.LBB2_1:
0x23: {  	s3 =	rddreg [dreg:$0x4]  }
0x24: {  	[tilespmem:s4], [sflag:$0x9] =	stream.linear.gather [hbm4b:s3+s4], $0x80, $0x38;
	[tilespmem:$0x8300] =	vst v63  }
0x25: {  	_ =	swait.ge [sflag:s16], $0x80  }
0x26: {  	[sflag:s16] =	ssyncset.done $0x0  }
0x27: {  	[sflag:s16] =	ssyncadd.s32 $0xFFFFFF80  }
0x28: {  	[tilespmem:s18], [sflag:$0x1] =	stream.indirect.gather [hbm4b:s1+s17], $0x80, s4, s17, $0xb8;
	[tilespmem:$0x8300] =	vst v63  }
0x29: {  	_ = 	snop  }
0x2a: {  	[tilespmem:s19], [sflag:$0x3] =	stream.indirect.gather [hbm4b:s2+s17], $0x1, s4, s17, $0xb8;
	[tilespmem:$0x8300] =	vst v63  }
0x2b: {  	s5 =	rddreg [dreg:$0x5]  }
0x2c: {  	[tilespmem:s17], [sflag:$0x9] =	stream.linear.gather [hbm4b:s5+s4], $0x80, $0x38;
	[tilespmem:$0x8300] =	vst v63  }
0x2d: {  	_ =	swait.ge [sflag:s16], $0x80  }
0x2e: {  	[sflag:s16] =	ssyncset.done $0x0  }
0x2f: {  	[sflag:s16] =	ssyncadd.s32 $0xFFFFFF80  }
0x30: {  	[tilespmem:s20], [sflag:$0x2] =	stream.indirect.gather [hbm4b:s1+s17], $0x80, s17, s17, $0xb8;
	[tilespmem:$0x8300] =	vst v63  }
0x31: {  	_ = 	snop  }
0x32: {  	[tilespmem:s21], [sflag:$0x4] =	stream.indirect.gather [hbm4b:s2+s17], $0x1, s17, s17, $0xb8;
	[tilespmem:$0x8300] =	vst v63  }
0x33: {  	_ =	swait.ge [sflag:s22], $0x80  }
0x34: {  	[sflag:s22] =	ssyncset.done $0x0  }
0x35: {  	[sflag:s22] =	ssyncadd.s32 $0xFFFFFF80  }
0x36: {  	v0 =	vld [tilespmem:$0x0]  }
0x37: {  	v1 =	vld [tilespmem:$0x8100]  }
0x38: {  	v2 =	vld [tilespmem:$0x10]  }
0x39: {  	v3 =	vld [tilespmem:$0x8110]  }
0x3a: {  	v4 =	vld [tilespmem:$0x8120]  }
0x3b: {  	v5 =	vld [tilespmem:$0x8130]  }
0x3c: {  	v6 =	vld [tilespmem:$0x8140]  }
0x3d: {  	v7 =	vld [tilespmem:$0x8170];
	v1 =	vmul.f32 $1.442695020e+00, v1  }
0x3e: {  	v8 =	vld [tilespmem:$0x20];
	v0 =	vcvt.s32.f32 v0  }
0x3f: {  	v48 =	vld [tilespmem:$0x8150];
	v2 =	vcvt.s32.f32 v2;
	(erf) = vpow2.f32 v1  }
0x40: {  	v49 =	vld [tilespmem:$0x8160];
	v3 =	vmul.f32 $1.442695020e+00, v3;
	v4 =	vmul.f32 $1.442695020e+00, v4  }
0x41: {  	v5 =	vmul.f32 $1.442695020e+00, v5;
	v6 =	vmul.f32 $1.442695020e+00, v6  }
0x42: {  	v50 =	vld [tilespmem:$0x30];
	v7 =	vmul.f32 $1.442695020e+00, v7;
	(erf) = vpow2.f32 v3  }
0x43: {  	v51 =	vld [tilespmem:$0x40];
	v8 =	vcvt.s32.f32 v8;
	(erf) = vpow2.f32 v4  }
0x44: {  	v52 =	vld [tilespmem:$0x50];
	v0 =	vadd.f32 $1.000000000e+00, v0;
	v1 =	vmul.f32 $1.442695020e+00, v48;
	(erf) = vpow2.f32 v5  }
0x45: {  	v53 =	vld [tilespmem:$0x60];
	v3 =	vmul.f32 $1.442695020e+00, v49;
	(erf) = vpow2.f32 v6  }
0x46: {  	v2 =	vadd.f32 $1.000000000e+00, v2;
	v0 =	vmul.f32 $1.209014590e-04, v0;
	(erf) = vpow2.f32 v1  }
0x47: {  	v54 =	vld [tilespmem:$0x70];
	v8 =	vadd.f32 $1.000000000e+00, v8;
	v4 =	vcvt.s32.f32 v50;
	(erf) = vpow2.f32 v3  }
0x48: {  	v2 =	vmul.f32 $1.209014590e-04, v2;
	v9 =	vpop (erf);
	(erf) = vpow2.f32 v7  }
0x49: {  	v56 =	vmul.f32 $1.209014590e-04, v8;
	v5 =	vcvt.s32.f32 v51;
	v4 =	vadd.f32 $1.000000000e+00, v4  }
0x4a: {  	v6 =	vcvt.s32.f32 v52;
	v1 =	vcvt.s32.f32 v53  }
0x4b: {  	v5 =	vadd.f32 $1.000000000e+00, v5;
	v4 =	vmul.f32 $1.209014590e-04, v4;
	v0 =	vmul.f32 v9, v0;
	v55 =	vpop (erf)  }
0x4c: {  	v6 =	vadd.f32 $1.000000000e+00, v6;
	v3 =	vcvt.s32.f32 v54;
	v2 =	vmul.f32 v55, v2;
	v57 =	vpop (erf)  }
0x4d: {  	v5 =	vmul.f32 $1.209014590e-04, v5;
	v1 =	vadd.f32 $1.000000000e+00, v1;
	[tilespmem:$0x8200] =	vst v0;
	v58 =	vmul.f32 v57, v56;
	v59 =	vpop (erf)  }
0x4e: {  	v6 =	vmul.f32 $1.209014590e-04, v6;
	v3 =	vadd.f32 $1.000000000e+00, v3;
	[tilespmem:$0x8210] =	vst v2;
	v60 =	vmul.f32 v59, v4;
	v61 =	vpop (erf)  }
0x4f: {  	v1 =	vmul.f32 $1.209014590e-04, v1;
	[tilespmem:$0x8220] =	vst v58;
	v62 =	vmul.f32 v61, v5;
	v63 =	vpop (erf)  }
0x50: {  	v3 =	vmul.f32 $1.209014590e-04, v3;
	[tilespmem:$0x8230] =	vst v60;
	v8 =	vmul.f32 v63, v6;
	v9 =	vpop (erf)  }
0x51: {  	[tilespmem:$0x8240] =	vst v62;
	v10 =	vmul.f32 v9, v1;
	v11 =	vpop (erf)  }
0x52: {  	[tilespmem:$0x8250] =	vst v8;
	v1 =	vmul.f32 v11, v3  }
0x53: {  	[tilespmem:$0x8260] =	vst v10  }
0x54: {  	[tilespmem:$0x8270] =	vst v1  }
0x55: {  	_ =	swait.ge [sflag:s23], $0x4000  }
0x56: {  	[sflag:s23] =	ssyncset.done $0x0  }
0x57: {  	s3 =	rddreg [dreg:$0x6];
	[sflag:s23] =	ssyncadd.s32 $0xFFFFC000  }
0x58: {  	[hbm4b:s3+s4] =	stream.linear.scatter [tilespmem:s18], [sflag:$0x5], $0x4000, $0x38;
	[tilespmem:$0x8300] =	vst v63  }
0x59: {  	s5 =	rddreg [dreg:$0x7]  }
0x5a: {  	[hbm4b:s5+s4] =	stream.linear.scatter [tilespmem:s24], [sflag:$0x7], $0x80, $0x38;
	[tilespmem:$0x8300] =	vst v63  }
0x5b: {  	_ =	swait.ge [sflag:s25], $0x4000  }
0x5c: {  	[sflag:s25] =	ssyncset.done $0x0  }
0x5d: {  	[sflag:s25] =	ssyncadd.s32 $0xFFFFC000  }
0x5e: {  	_ =	swait.ge [sflag:s26], $0x80  }
0x5f: {  	[sflag:s26] =	ssyncset.done $0x0  }
0x60: {  	s5 =	rddreg [dreg:$0x8];
	[sflag:s26] =	ssyncadd.s32 $0xFFFFFF80  }
0x61: {  	[tilespmem:s4], [sflag:$0x9] =	stream.linear.gather [hbm4b:s5+s4], $0x80, $0x38;
	[tilespmem:$0x8300] =	vst v63  }
0x62: {  	_ =	swait.ge [sflag:s16], $0x80  }
0x63: {  	[sflag:s16] =	ssyncset.done $0x0  }
0x64: {  	[sflag:s16] =	ssyncadd.s32 $0xFFFFFF80  }
0x65: {  	[tilespmem:s18], [sflag:$0x1] =	stream.indirect.gather [hbm4b:s1+s17], $0x80, s4, s17, $0xb8;
	[tilespmem:$0x8300] =	vst v63  }
0x66: {  	_ = 	snop  }
0x67: {  	[tilespmem:s19], [sflag:$0x3] =	stream.indirect.gather [hbm4b:s2+s17], $0x1, s4, s17, $0xb8;
	[tilespmem:$0x8300] =	vst v63  }
0x68: {  	_ =	swait.ge [sflag:s28], $0x80  }
0x69: {  	[sflag:s28] =	ssyncset.done $0x0  }
0x6a: {  	[sflag:s28] =	ssyncadd.s32 $0xFFFFFF80  }
0x6b: {  	v12 =	vld [tilespmem:$0x80]  }
0x6c: {  	v13 =	vld [tilespmem:$0x8180]  }
0x6d: {  	v14 =	vld [tilespmem:$0x90]  }
0x6e: {  	v15 =	vld [tilespmem:$0x8190]  }
0x6f: {  	v16 =	vld [tilespmem:$0x81A0]  }
0x70: {  	v17 =	vld [tilespmem:$0x81B0]  }
0x71: {  	v18 =	vld [tilespmem:$0x81C0]  }
0x72: {  	v21 =	vld [tilespmem:$0x81F0];
	v1 =	vmul.f32 $1.442695020e+00, v13  }
0x73: {  	v22 =	vld [tilespmem:$0xA0];
	v0 =	vcvt.s32.f32 v12  }
0x74: {  	v19 =	vld [tilespmem:$0x81D0];
	v2 =	vcvt.s32.f32 v14;
	(erf) = vpow2.f32 v1  }
0x75: {  	v20 =	vld [tilespmem:$0x81E0];
	v3 =	vmul.f32 $1.442695020e+00, v15;
	v4 =	vmul.f32 $1.442695020e+00, v16  }
0x76: {  	v5 =	vmul.f32 $1.442695020e+00, v17;
	v6 =	vmul.f32 $1.442695020e+00, v18  }
0x77: {  	v23 =	vld [tilespmem:$0xB0];
	v7 =	vmul.f32 $1.442695020e+00, v21;
	(erf) = vpow2.f32 v3  }
0x78: {  	v24 =	vld [tilespmem:$0xC0];
	v8 =	vcvt.s32.f32 v22;
	(erf) = vpow2.f32 v4  }
0x79: {  	v25 =	vld [tilespmem:$0xD0];
	v0 =	vadd.f32 $1.000000000e+00, v0;
	v1 =	vmul.f32 $1.442695020e+00, v19;
	(erf) = vpow2.f32 v5  }
0x7a: {  	v26 =	vld [tilespmem:$0xE0];
	v3 =	vmul.f32 $1.442695020e+00, v20;
	(erf) = vpow2.f32 v6  }
0x7b: {  	v2 =	vadd.f32 $1.000000000e+00, v2;
	v0 =	vmul.f32 $1.209014590e-04, v0;
	(erf) = vpow2.f32 v1  }
0x7c: {  	v27 =	vld [tilespmem:$0xF0];
	v8 =	vadd.f32 $1.000000000e+00, v8;
	v4 =	vcvt.s32.f32 v23;
	(erf) = vpow2.f32 v3  }
0x7d: {  	v2 =	vmul.f32 $1.209014590e-04, v2;
	v28 =	vpop (erf);
	(erf) = vpow2.f32 v7  }
0x7e: {  	v30 =	vmul.f32 $1.209014590e-04, v8;
	v5 =	vcvt.s32.f32 v24;
	v4 =	vadd.f32 $1.000000000e+00, v4  }
0x7f: {  	v6 =	vcvt.s32.f32 v25;
	v1 =	vcvt.s32.f32 v26  }
0x80: {  	v5 =	vadd.f32 $1.000000000e+00, v5;
	v4 =	vmul.f32 $1.209014590e-04, v4;
	v0 =	vmul.f32 v28, v0;
	v29 =	vpop (erf)  }
0x81: {  	v6 =	vadd.f32 $1.000000000e+00, v6;
	v3 =	vcvt.s32.f32 v27;
	v2 =	vmul.f32 v29, v2;
	v31 =	vpop (erf)  }
0x82: {  	v5 =	vmul.f32 $1.209014590e-04, v5;
	v1 =	vadd.f32 $1.000000000e+00, v1;
	[tilespmem:$0x8280] =	vst v0;
	v32 =	vmul.f32 v31, v30;
	v33 =	vpop (erf)  }
0x83: {  	v6 =	vmul.f32 $1.209014590e-04, v6;
	v3 =	vadd.f32 $1.000000000e+00, v3;
	[tilespmem:$0x8290] =	vst v2;
	v34 =	vmul.f32 v33, v4;
	v35 =	vpop (erf)  }
0x84: {  	v1 =	vmul.f32 $1.209014590e-04, v1;
	[tilespmem:$0x82A0] =	vst v32;
	v36 =	vmul.f32 v35, v5;
	v37 =	vpop (erf)  }
0x85: {  	v3 =	vmul.f32 $1.209014590e-04, v3;
	[tilespmem:$0x82B0] =	vst v34;
	v38 =	vmul.f32 v37, v6;
	v39 =	vpop (erf)  }
0x86: {  	[tilespmem:$0x82C0] =	vst v36;
	v40 =	vmul.f32 v39, v1;
	v41 =	vpop (erf)  }
0x87: {  	[tilespmem:$0x82D0] =	vst v38;
	v1 =	vmul.f32 v41, v3  }
0x88: {  	[tilespmem:$0x82E0] =	vst v40  }
0x89: {  	[tilespmem:$0x82F0] =	vst v1  }
0x8a: {  	_ =	swait.ge [sflag:s29], $0x4000  }
0x8b: {  	[sflag:s29] =	ssyncset.done $0x0  }
0x8c: {  	s3 =	rddreg [dreg:$0x9];
	[sflag:s29] =	ssyncadd.s32 $0xFFFFC000  }
0x8d: {  	[hbm4b:s3+s4] =	stream.linear.scatter [tilespmem:s20], [sflag:$0x6], $0x4000, $0x38;
	[tilespmem:$0x8300] =	vst v63  }
0x8e: {  	s5 =	rddreg [dreg:$0xa]  }
0x8f: {  	[hbm4b:s5+s4] =	stream.linear.scatter [tilespmem:s30], [sflag:$0x8], $0x80, $0x38;
	[tilespmem:$0x8300] =	vst v63  }
0x90: {  	_ =	swait.ge [sflag:s31], $0x4000  }
0x91: {  	[sflag:s31] =	ssyncset.done $0x0  }
0x92: {  	[sflag:s31] =	ssyncadd.s32 $0xFFFFC000  }
0x93: {  	_ =	swait.ge [sflag:s0], $0x80  }
0x94: {  	[sflag:s0] =	ssyncset.done $0x0  }
0x95: {  	s5 =	rddreg [dreg:$0xb];
	[sflag:s0] =	ssyncadd.s32 $0xFFFFFF80  }
0x96: {  	[tilespmem:s17], [sflag:$0x9] =	stream.linear.gather [hbm4b:s5+s4], $0x80, $0x38;
	[tilespmem:$0x8300] =	vst v63  }
0x97: {  	_ =	swait.ge [sflag:s16], $0x80  }
0x98: {  	[sflag:s16] =	ssyncset.done $0x0  }
0x99: {  	[sflag:s16] =	ssyncadd.s32 $0xFFFFFF80  }
0x9a: {  	[tilespmem:s20], [sflag:$0x2] =	stream.indirect.gather [hbm4b:s1+s17], $0x80, s17, s17, $0xb8;
	[tilespmem:$0x8300] =	vst v63  }
0x9b: {  	_ = 	snop  }
0x9c: {  	[tilespmem:s21], [sflag:$0x4] =	stream.indirect.gather [hbm4b:s2+s17], $0x1, s17, s17, $0xb8;
	[tilespmem:$0x8300] =	vst v63  }
0x9d: {  	_ =	swait.ge [sflag:s22], $0x80  }
0x9e: {  	[sflag:s22] =	ssyncset.done $0x0  }
0x9f: {  	[sflag:s22] =	ssyncadd.s32 $0xFFFFFF80  }
0xa0: {  	v42 =	vld [tilespmem:$0x0]  }
0xa1: {  	v43 =	vld [tilespmem:$0x8100]  }
0xa2: {  	v44 =	vld [tilespmem:$0x10]  }
0xa3: {  	v45 =	vld [tilespmem:$0x8110]  }
0xa4: {  	v46 =	vld [tilespmem:$0x8120]  }
0xa5: {  	v47 =	vld [tilespmem:$0x8130]  }
0xa6: {  	v48 =	vld [tilespmem:$0x8140]  }
0xa7: {  	v51 =	vld [tilespmem:$0x8170];
	v1 =	vmul.f32 $1.442695020e+00, v43  }
0xa8: {  	v52 =	vld [tilespmem:$0x20];
	v0 =	vcvt.s32.f32 v42  }
0xa9: {  	v49 =	vld [tilespmem:$0x8150];
	v2 =	vcvt.s32.f32 v44;
	(erf) = vpow2.f32 v1  }
0xaa: {  	v50 =	vld [tilespmem:$0x8160];
	v3 =	vmul.f32 $1.442695020e+00, v45;
	v4 =	vmul.f32 $1.442695020e+00, v46  }
0xab: {  	v5 =	vmul.f32 $1.442695020e+00, v47;
	v6 =	vmul.f32 $1.442695020e+00, v48  }
0xac: {  	v53 =	vld [tilespmem:$0x30];
	v7 =	vmul.f32 $1.442695020e+00, v51;
	(erf) = vpow2.f32 v3  }
0xad: {  	v54 =	vld [tilespmem:$0x40];
	v8 =	vcvt.s32.f32 v52;
	(erf) = vpow2.f32 v4  }
0xae: {  	v55 =	vld [tilespmem:$0x50];
	v0 =	vadd.f32 $1.000000000e+00, v0;
	v1 =	vmul.f32 $1.442695020e+00, v49;
	(erf) = vpow2.f32 v5  }
0xaf: {  	v56 =	vld [tilespmem:$0x60];
	v3 =	vmul.f32 $1.442695020e+00, v50;
	(erf) = vpow2.f32 v6  }
0xb0: {  	v2 =	vadd.f32 $1.000000000e+00, v2;
	v0 =	vmul.f32 $1.209014590e-04, v0;
	(erf) = vpow2.f32 v1  }
0xb1: {  	v57 =	vld [tilespmem:$0x70];
	v8 =	vadd.f32 $1.000000000e+00, v8;
	v4 =	vcvt.s32.f32 v53;
	(erf) = vpow2.f32 v3  }
0xb2: {  	v2 =	vmul.f32 $1.209014590e-04, v2;
	v58 =	vpop (erf);
	(erf) = vpow2.f32 v7  }
0xb3: {  	v60 =	vmul.f32 $1.209014590e-04, v8;
	v5 =	vcvt.s32.f32 v54;
	v4 =	vadd.f32 $1.000000000e+00, v4  }
0xb4: {  	v6 =	vcvt.s32.f32 v55;
	v1 =	vcvt.s32.f32 v56  }
0xb5: {  	v5 =	vadd.f32 $1.000000000e+00, v5;
	v4 =	vmul.f32 $1.209014590e-04, v4;
	v0 =	vmul.f32 v58, v0;
	v59 =	vpop (erf)  }
0xb6: {  	v6 =	vadd.f32 $1.000000000e+00, v6;
	v3 =	vcvt.s32.f32 v57;
	v2 =	vmul.f32 v59, v2;
	v61 =	vpop (erf)  }
0xb7: {  	v5 =	vmul.f32 $1.209014590e-04, v5;
	v1 =	vadd.f32 $1.000000000e+00, v1;
	[tilespmem:$0x8200] =	vst v0;
	v62 =	vmul.f32 v61, v60;
	v63 =	vpop (erf)  }
0xb8: {  	v6 =	vmul.f32 $1.209014590e-04, v6;
	v3 =	vadd.f32 $1.000000000e+00, v3;
	[tilespmem:$0x8210] =	vst v2;
	v9 =	vmul.f32 v63, v4;
	v10 =	vpop (erf)  }
0xb9: {  	v1 =	vmul.f32 $1.209014590e-04, v1;
	[tilespmem:$0x8220] =	vst v62;
	v11 =	vmul.f32 v10, v5;
	v12 =	vpop (erf)  }
0xba: {  	v3 =	vmul.f32 $1.209014590e-04, v3;
	[tilespmem:$0x8230] =	vst v9;
	v13 =	vmul.f32 v12, v6;
	v14 =	vpop (erf)  }
0xbb: {  	[tilespmem:$0x8240] =	vst v11;
	v15 =	vmul.f32 v14, v1;
	v16 =	vpop (erf)  }
0xbc: {  	[tilespmem:$0x8250] =	vst v13;
	v1 =	vmul.f32 v16, v3  }
0xbd: {  	[tilespmem:$0x8260] =	vst v15  }
0xbe: {  	[tilespmem:$0x8270] =	vst v1  }
0xbf: {  	_ =	swait.ge [sflag:s23], $0x4000  }
0xc0: {  	[sflag:s23] =	ssyncset.done $0x0  }
0xc1: {  	s3 =	rddreg [dreg:$0xc];
	[sflag:s23] =	ssyncadd.s32 $0xFFFFC000  }
0xc2: {  	[hbm4b:s3+s4] =	stream.linear.scatter [tilespmem:s18], [sflag:$0x5], $0x4000, $0x38;
	[tilespmem:$0x8300] =	vst v63  }
0xc3: {  	s5 =	rddreg [dreg:$0xd]  }
0xc4: {  	[hbm4b:s5+s4] =	stream.linear.scatter [tilespmem:s24], [sflag:$0x7], $0x80, $0x38;
	[tilespmem:$0x8300] =	vst v63  }
0xc5: {  	_ =	swait.ge [sflag:s25], $0x4000  }
0xc6: {  	[sflag:s25] =	ssyncset.done $0x0  }
0xc7: {  	[sflag:s25] =	ssyncadd.s32 $0xFFFFC000  }
0xc8: {  	_ =	swait.ge [sflag:s26], $0x80  }
0xc9: {  	[sflag:s26] =	ssyncset.done $0x0  }
0xca: {  	s5 =	rddreg [dreg:$0xe];
	[sflag:s26] =	ssyncadd.s32 $0xFFFFFF80  }
0xcb: {  	[tilespmem:s4], [sflag:$0x9] =	stream.linear.gather [hbm4b:s5+s4], $0x80, $0x38;
	[tilespmem:$0x8300] =	vst v63  }
0xcc: {  	_ =	swait.ge [sflag:s16], $0x80  }
0xcd: {  	[sflag:s16] =	ssyncset.done $0x0  }
0xce: {  	[sflag:s16] =	ssyncadd.s32 $0xFFFFFF80  }
0xcf: {  	[tilespmem:s18], [sflag:$0x1] =	stream.indirect.gather [hbm4b:s1+s17], $0x80, s4, s17, $0xb8;
	[tilespmem:$0x8300] =	vst v63  }
0xd0: {  	_ = 	snop  }
0xd1: {  	[tilespmem:s19], [sflag:$0x3] =	stream.indirect.gather [hbm4b:s2+s17], $0x1, s4, s17, $0xb8;
	[tilespmem:$0x8300] =	vst v63  }
0xd2: {  	_ =	swait.ge [sflag:s28], $0x80  }
0xd3: {  	[sflag:s28] =	ssyncset.done $0x0  }
0xd4: {  	[sflag:s28] =	ssyncadd.s32 $0xFFFFFF80  }
0xd5: {  	v17 =	vld [tilespmem:$0x80]  }
0xd6: {  	v18 =	vld [tilespmem:$0x8180]  }
0xd7: {  	v19 =	vld [tilespmem:$0x90]  }
0xd8: {  	v20 =	vld [tilespmem:$0x8190]  }
0xd9: {  	v21 =	vld [tilespmem:$0x81A0]  }
0xda: {  	v22 =	vld [tilespmem:$0x81B0]  }
0xdb: {  	v23 =	vld [tilespmem:$0x81C0]  }
0xdc: {  	v26 =	vld [tilespmem:$0x81F0];
	v1 =	vmul.f32 $1.442695020e+00, v18  }
0xdd: {  	v27 =	vld [tilespmem:$0xA0];
	v0 =	vcvt.s32.f32 v17  }
0xde: {  	v24 =	vld [tilespmem:$0x81D0];
	v2 =	vcvt.s32.f32 v19;
	(erf) = vpow2.f32 v1  }
0xdf: {  	v25 =	vld [tilespmem:$0x81E0];
	v3 =	vmul.f32 $1.442695020e+00, v20;
	v4 =	vmul.f32 $1.442695020e+00, v21  }
0xe0: {  	v5 =	vmul.f32 $1.442695020e+00, v22;
	v6 =	vmul.f32 $1.442695020e+00, v23  }
0xe1: {  	v28 =	vld [tilespmem:$0xB0];
	v7 =	vmul.f32 $1.442695020e+00, v26;
	(erf) = vpow2.f32 v3  }
0xe2: {  	v29 =	vld [tilespmem:$0xC0];
	v8 =	vcvt.s32.f32 v27;
	(erf) = vpow2.f32 v4  }
0xe3: {  	v30 =	vld [tilespmem:$0xD0];
	v0 =	vadd.f32 $1.000000000e+00, v0;
	v1 =	vmul.f32 $1.442695020e+00, v24;
	(erf) = vpow2.f32 v5  }
0xe4: {  	v31 =	vld [tilespmem:$0xE0];
	v3 =	vmul.f32 $1.442695020e+00, v25;
	(erf) = vpow2.f32 v6  }
0xe5: {  	v2 =	vadd.f32 $1.000000000e+00, v2;
	v0 =	vmul.f32 $1.209014590e-04, v0;
	(erf) = vpow2.f32 v1  }
0xe6: {  	v32 =	vld [tilespmem:$0xF0];
	v8 =	vadd.f32 $1.000000000e+00, v8;
	v4 =	vcvt.s32.f32 v28;
	(erf) = vpow2.f32 v3  }
0xe7: {  	v2 =	vmul.f32 $1.209014590e-04, v2;
	v33 =	vpop (erf);
	(erf) = vpow2.f32 v7  }
0xe8: {  	v35 =	vmul.f32 $1.209014590e-04, v8;
	v5 =	vcvt.s32.f32 v29;
	v4 =	vadd.f32 $1.000000000e+00, v4  }
0xe9: {  	v6 =	vcvt.s32.f32 v30;
	v1 =	vcvt.s32.f32 v31  }
0xea: {  	v5 =	vadd.f32 $1.000000000e+00, v5;
	v4 =	vmul.f32 $1.209014590e-04, v4;
	v0 =	vmul.f32 v33, v0;
	v34 =	vpop (erf)  }
0xeb: {  	v6 =	vadd.f32 $1.000000000e+00, v6;
	v3 =	vcvt.s32.f32 v32;
	v2 =	vmul.f32 v34, v2;
	v36 =	vpop (erf)  }
0xec: {  	v5 =	vmul.f32 $1.209014590e-04, v5;
	v1 =	vadd.f32 $1.000000000e+00, v1;
	[tilespmem:$0x8280] =	vst v0;
	v37 =	vmul.f32 v36, v35;
	v38 =	vpop (erf)  }
0xed: {  	v6 =	vmul.f32 $1.209014590e-04, v6;
	v3 =	vadd.f32 $1.000000000e+00, v3;
	[tilespmem:$0x8290] =	vst v2;
	v39 =	vmul.f32 v38, v4;
	v40 =	vpop (erf)  }
0xee: {  	v1 =	vmul.f32 $1.209014590e-04, v1;
	[tilespmem:$0x82A0] =	vst v37;
	v41 =	vmul.f32 v40, v5;
	v42 =	vpop (erf)  }
0xef: {  	v3 =	vmul.f32 $1.209014590e-04, v3;
	[tilespmem:$0x82B0] =	vst v39;
	v43 =	vmul.f32 v42, v6;
	v44 =	vpop (erf)  }
0xf0: {  	[tilespmem:$0x82C0] =	vst v41;
	v45 =	vmul.f32 v44, v1;
	v46 =	vpop (erf)  }
0xf1: {  	[tilespmem:$0x82D0] =	vst v43;
	v1 =	vmul.f32 v46, v3  }
0xf2: {  	[tilespmem:$0x82E0] =	vst v45  }
0xf3: {  	[tilespmem:$0x82F0] =	vst v1  }
0xf4: {  	_ =	swait.ge [sflag:s29], $0x4000  }
0xf5: {  	[sflag:s29] =	ssyncset.done $0x0  }
0xf6: {  	s3 =	rddreg [dreg:$0xf];
	[sflag:s29] =	ssyncadd.s32 $0xFFFFC000  }
0xf7: {  	[hbm4b:s3+s4] =	stream.linear.scatter [tilespmem:s20], [sflag:$0x6], $0x4000, $0x38;
	[tilespmem:$0x8300] =	vst v63  }
0xf8: {  	s5 =	rddreg [dreg:$0x10]  }
0xf9: {  	[hbm4b:s5+s4] =	stream.linear.scatter [tilespmem:s30], [sflag:$0x8], $0x80, $0x38;
	[tilespmem:$0x8300] =	vst v63  }
0xfa: {  	_ =	swait.ge [sflag:s31], $0x4000  }
0xfb: {  	[sflag:s31] =	ssyncset.done $0x0  }
0xfc: {  	[sflag:s31] =	ssyncadd.s32 $0xFFFFC000  }
0xfd: {  	_ =	swait.ge [sflag:s0], $0x80  }
0xfe: {  	[sflag:s0] =	ssyncset.done $0x0  }
0xff: {  	s5 =	rddreg [dreg:$0x11];
	[sflag:s0] =	ssyncadd.s32 $0xFFFFFF80  }
0x100: {  	[tilespmem:s17], [sflag:$0x9] =	stream.linear.gather [hbm4b:s5+s4], $0x80, $0x38;
	[tilespmem:$0x8300] =	vst v63  }
0x101: {  	_ =	swait.ge [sflag:s16], $0x80  }
0x102: {  	[sflag:s16] =	ssyncset.done $0x0  }
0x103: {  	[sflag:s16] =	ssyncadd.s32 $0xFFFFFF80  }
0x104: {  	[tilespmem:s20], [sflag:$0x2] =	stream.indirect.gather [hbm4b:s1+s17], $0x80, s17, s17, $0xb8;
	[tilespmem:$0x8300] =	vst v63  }
0x105: {  	_ = 	snop  }
0x106: {  	[tilespmem:s21], [sflag:$0x4] =	stream.indirect.gather [hbm4b:s2+s17], $0x1, s17, s17, $0xb8;
	[tilespmem:$0x8300] =	vst v63  }
0x107: {  	_ =	swait.ge [sflag:s22], $0x80  }
0x108: {  	[sflag:s22] =	ssyncset.done $0x0  }
0x109: {  	[sflag:s22] =	ssyncadd.s32 $0xFFFFFF80  }
0x10a: {  	v47 =	vld [tilespmem:$0x0]  }
0x10b: {  	v48 =	vld [tilespmem:$0x8100]  }
0x10c: {  	v49 =	vld [tilespmem:$0x10]  }
0x10d: {  	v50 =	vld [tilespmem:$0x8110]  }
0x10e: {  	v51 =	vld [tilespmem:$0x8120]  }
0x10f: {  	v52 =	vld [tilespmem:$0x8130]  }
0x110: {  	v53 =	vld [tilespmem:$0x8140]  }
0x111: {  	v56 =	vld [tilespmem:$0x8170];
	v1 =	vmul.f32 $1.442695020e+00, v48  }
0x112: {  	v57 =	vld [tilespmem:$0x20];
	v0 =	vcvt.s32.f32 v47  }
0x113: {  	v54 =	vld [tilespmem:$0x8150];
	v2 =	vcvt.s32.f32 v49;
	(erf) = vpow2.f32 v1  }
0x114: {  	v55 =	vld [tilespmem:$0x8160];
	v3 =	vmul.f32 $1.442695020e+00, v50;
	v4 =	vmul.f32 $1.442695020e+00, v51  }
0x115: {  	v5 =	vmul.f32 $1.442695020e+00, v52;
	v6 =	vmul.f32 $1.442695020e+00, v53  }
0x116: {  	v58 =	vld [tilespmem:$0x30];
	v7 =	vmul.f32 $1.442695020e+00, v56;
	(erf) = vpow2.f32 v3  }
0x117: {  	v59 =	vld [tilespmem:$0x40];
	v8 =	vcvt.s32.f32 v57;
	(erf) = vpow2.f32 v4  }
0x118: {  	v60 =	vld [tilespmem:$0x50];
	v0 =	vadd.f32 $1.000000000e+00, v0;
	v1 =	vmul.f32 $1.442695020e+00, v54;
	(erf) = vpow2.f32 v5  }
0x119: {  	v61 =	vld [tilespmem:$0x60];
	v3 =	vmul.f32 $1.442695020e+00, v55;
	(erf) = vpow2.f32 v6  }
0x11a: {  	v2 =	vadd.f32 $1.000000000e+00, v2;
	v0 =	vmul.f32 $1.209014590e-04, v0;
	(erf) = vpow2.f32 v1  }
0x11b: {  	v62 =	vld [tilespmem:$0x70];
	v8 =	vadd.f32 $1.000000000e+00, v8;
	v4 =	vcvt.s32.f32 v58;
	(erf) = vpow2.f32 v3  }
0x11c: {  	v2 =	vmul.f32 $1.209014590e-04, v2;
	v63 =	vpop (erf);
	(erf) = vpow2.f32 v7  }
0x11d: {  	v13 =	vmul.f32 $1.209014590e-04, v8;
	v5 =	vcvt.s32.f32 v59;
	v4 =	vadd.f32 $1.000000000e+00, v4  }
0x11e: {  	v6 =	vcvt.s32.f32 v60;
	v1 =	vcvt.s32.f32 v61  }
0x11f: {  	v5 =	vadd.f32 $1.000000000e+00, v5;
	v4 =	vmul.f32 $1.209014590e-04, v4;
	v0 =	vmul.f32 v63, v0;
	v12 =	vpop (erf)  }
0x120: {  	v6 =	vadd.f32 $1.000000000e+00, v6;
	v3 =	vcvt.s32.f32 v62;
	v2 =	vmul.f32 v12, v2;
	v14 =	vpop (erf)  }
0x121: {  	v5 =	vmul.f32 $1.209014590e-04, v5;
	v1 =	vadd.f32 $1.000000000e+00, v1;
	[tilespmem:$0x8200] =	vst v0;
	v15 =	vmul.f32 v14, v13;
	v16 =	vpop (erf)  }
0x122: {  	v6 =	vmul.f32 $1.209014590e-04, v6;
	v3 =	vadd.f32 $1.000000000e+00, v3;
	[tilespmem:$0x8210] =	vst v2;
	v17 =	vmul.f32 v16, v4;
	v18 =	vpop (erf)  }
0x123: {  	v1 =	vmul.f32 $1.209014590e-04, v1;
	[tilespmem:$0x8220] =	vst v15;
	v19 =	vmul.f32 v18, v5;
	v20 =	vpop (erf)  }
0x124: {  	v3 =	vmul.f32 $1.209014590e-04, v3;
	[tilespmem:$0x8230] =	vst v17;
	v21 =	vmul.f32 v20, v6;
	v22 =	vpop (erf)  }
0x125: {  	[tilespmem:$0x8240] =	vst v19;
	v23 =	vmul.f32 v22, v1;
	v24 =	vpop (erf)  }
0x126: {  	[tilespmem:$0x8250] =	vst v21;
	v1 =	vmul.f32 v24, v3  }
0x127: {  	[tilespmem:$0x8260] =	vst v23  }
0x128: {  	[tilespmem:$0x8270] =	vst v1  }
0x129: {  	_ =	swait.ge [sflag:s23], $0x4000  }
0x12a: {  	[sflag:s23] =	ssyncset.done $0x0  }
0x12b: {  	s5 =	rddreg [dreg:$0x12];
	[sflag:s23] =	ssyncadd.s32 $0xFFFFC000  }
0x12c: {  	[hbm4b:s5+s4] =	stream.linear.scatter [tilespmem:s18], [sflag:$0x5], $0x4000, $0x38;
	[tilespmem:$0x8300] =	vst v63  }
0x12d: {  	_ = 	snop  }
0x12e: {  	[hbm4b:s6+s4] =	stream.linear.scatter [tilespmem:s24], [sflag:$0x7], $0x80, $0x38;
	[tilespmem:$0x8300] =	vst v63  }
0x12f: {  	_ =	swait.ge [sflag:s25], $0x4000  }
0x130: {  	[sflag:s25] =	ssyncset.done $0x0  }
0x131: {  	[sflag:s25] =	ssyncadd.s32 $0xFFFFC000  }
0x132: {  	_ =	swait.ge [sflag:s26], $0x80  }
0x133: {  	[sflag:s26] =	ssyncset.done $0x0  }
0x134: {  	[sflag:s26] =	ssyncadd.s32 $0xFFFFFF80  }
0x135: {  	[tilespmem:s4], [sflag:$0x9] =	stream.linear.gather [hbm4b:s7+s4], $0x80, $0x38;
	[tilespmem:$0x8300] =	vst v63  }
0x136: {  	_ =	swait.ge [sflag:s16], $0x80  }
0x137: {  	[sflag:s16] =	ssyncset.done $0x0  }
0x138: {  	[sflag:s16] =	ssyncadd.s32 $0xFFFFFF80  }
0x139: {  	[tilespmem:s18], [sflag:$0x1] =	stream.indirect.gather [hbm4b:s1+s17], $0x80, s4, s17, $0xb8;
	[tilespmem:$0x8300] =	vst v63  }
0x13a: {  	_ = 	snop  }
0x13b: {  	[tilespmem:s19], [sflag:$0x3] =	stream.indirect.gather [hbm4b:s2+s17], $0x1, s4, s17, $0xb8;
	[tilespmem:$0x8300] =	vst v63  }
0x13c: {  	_ =	swait.ge [sflag:s28], $0x80  }
0x13d: {  	[sflag:s28] =	ssyncset.done $0x0  }
0x13e: {  	[sflag:s28] =	ssyncadd.s32 $0xFFFFFF80  }
0x13f: {  	v25 =	vld [tilespmem:$0x80]  }
0x140: {  	v26 =	vld [tilespmem:$0x8180]  }
0x141: {  	v27 =	vld [tilespmem:$0x90]  }
0x142: {  	v28 =	vld [tilespmem:$0x8190]  }
0x143: {  	v29 =	vld [tilespmem:$0x81A0]  }
0x144: {  	v30 =	vld [tilespmem:$0x81B0]  }
0x145: {  	v31 =	vld [tilespmem:$0x81C0]  }
0x146: {  	v34 =	vld [tilespmem:$0x81F0];
	v1 =	vmul.f32 $1.442695020e+00, v26  }
0x147: {  	v35 =	vld [tilespmem:$0xA0];
	v0 =	vcvt.s32.f32 v25  }
0x148: {  	v32 =	vld [tilespmem:$0x81D0];
	v2 =	vcvt.s32.f32 v27;
	(erf) = vpow2.f32 v1  }
0x149: {  	v33 =	vld [tilespmem:$0x81E0];
	v3 =	vmul.f32 $1.442695020e+00, v28;
	v4 =	vmul.f32 $1.442695020e+00, v29  }
0x14a: {  	v5 =	vmul.f32 $1.442695020e+00, v30;
	v6 =	vmul.f32 $1.442695020e+00, v31  }
0x14b: {  	v36 =	vld [tilespmem:$0xB0];
	v7 =	vmul.f32 $1.442695020e+00, v34;
	(erf) = vpow2.f32 v3  }
0x14c: {  	v37 =	vld [tilespmem:$0xC0];
	v8 =	vcvt.s32.f32 v35;
	(erf) = vpow2.f32 v4  }
0x14d: {  	v38 =	vld [tilespmem:$0xD0];
	v0 =	vadd.f32 $1.000000000e+00, v0;
	v1 =	vmul.f32 $1.442695020e+00, v32;
	(erf) = vpow2.f32 v5  }
0x14e: {  	v39 =	vld [tilespmem:$0xE0];
	v3 =	vmul.f32 $1.442695020e+00, v33;
	(erf) = vpow2.f32 v6  }
0x14f: {  	v2 =	vadd.f32 $1.000000000e+00, v2;
	v0 =	vmul.f32 $1.209014590e-04, v0;
	(erf) = vpow2.f32 v1  }
0x150: {  	v40 =	vld [tilespmem:$0xF0];
	v8 =	vadd.f32 $1.000000000e+00, v8;
	v4 =	vcvt.s32.f32 v36;
	(erf) = vpow2.f32 v3  }
0x151: {  	v2 =	vmul.f32 $1.209014590e-04, v2;
	v41 =	vpop (erf);
	(erf) = vpow2.f32 v7  }
0x152: {  	v43 =	vmul.f32 $1.209014590e-04, v8;
	v5 =	vcvt.s32.f32 v37;
	v4 =	vadd.f32 $1.000000000e+00, v4  }
0x153: {  	v6 =	vcvt.s32.f32 v38;
	v1 =	vcvt.s32.f32 v39  }
0x154: {  	v5 =	vadd.f32 $1.000000000e+00, v5;
	v4 =	vmul.f32 $1.209014590e-04, v4;
	v0 =	vmul.f32 v41, v0;
	v42 =	vpop (erf)  }
0x155: {  	v6 =	vadd.f32 $1.000000000e+00, v6;
	v3 =	vcvt.s32.f32 v40;
	v2 =	vmul.f32 v42, v2;
	v44 =	vpop (erf)  }
0x156: {  	v5 =	vmul.f32 $1.209014590e-04, v5;
	v1 =	vadd.f32 $1.000000000e+00, v1;
	[tilespmem:$0x8280] =	vst v0;
	v45 =	vmul.f32 v44, v43;
	v46 =	vpop (erf)  }
0x157: {  	v6 =	vmul.f32 $1.209014590e-04, v6;
	v3 =	vadd.f32 $1.000000000e+00, v3;
	[tilespmem:$0x8290] =	vst v2;
	v47 =	vmul.f32 v46, v4;
	v48 =	vpop (erf)  }
0x158: {  	v1 =	vmul.f32 $1.209014590e-04, v1;
	[tilespmem:$0x82A0] =	vst v45;
	v49 =	vmul.f32 v48, v5;
	v50 =	vpop (erf)  }
0x159: {  	v3 =	vmul.f32 $1.209014590e-04, v3;
	[tilespmem:$0x82B0] =	vst v47;
	v51 =	vmul.f32 v50, v6;
	v52 =	vpop (erf)  }
0x15a: {  	[tilespmem:$0x82C0] =	vst v49;
	v53 =	vmul.f32 v52, v1;
	v54 =	vpop (erf)  }
0x15b: {  	[tilespmem:$0x82D0] =	vst v51;
	v1 =	vmul.f32 v54, v3  }
0x15c: {  	[tilespmem:$0x82E0] =	vst v53  }
0x15d: {  	[tilespmem:$0x82F0] =	vst v1  }
0x15e: {  	_ =	swait.ge [sflag:s29], $0x4000  }
0x15f: {  	[sflag:s29] =	ssyncset.done $0x0  }
0x160: {  	[sflag:s29] =	ssyncadd.s32 $0xFFFFC000  }
0x161: {  	[hbm4b:s8+s4] =	stream.linear.scatter [tilespmem:s20], [sflag:$0x6], $0x4000, $0x38;
	[tilespmem:$0x8300] =	vst v63  }
0x162: {  	_ = 	snop  }
0x163: {  	[hbm4b:s9+s4] =	stream.linear.scatter [tilespmem:s30], [sflag:$0x8], $0x80, $0x38;
	[tilespmem:$0x8300] =	vst v63  }
0x164: {  	_ =	swait.ge [sflag:s31], $0x4000  }
0x165: {  	[sflag:s31] =	ssyncset.done $0x0  }
0x166: {  	[sflag:s31] =	ssyncadd.s32 $0xFFFFC000  }
0x167: {  	_ =	swait.ge [sflag:s0], $0x80  }
0x168: {  	[sflag:s0] =	ssyncset.done $0x0  }
0x169: {  	[sflag:s0] =	ssyncadd.s32 $0xFFFFFF80  }
0x16a: {  	[tilespmem:s17], [sflag:$0x9] =	stream.linear.gather [hbm4b:s10+s4], $0x80, $0x38;
	[tilespmem:$0x8300] =	vst v63  }
0x16b: {  	_ =	swait.ge [sflag:s16], $0x80  }
0x16c: {  	[sflag:s16] =	ssyncset.done $0x0  }
0x16d: {  	[sflag:s16] =	ssyncadd.s32 $0xFFFFFF80  }
0x16e: {  	[tilespmem:s20], [sflag:$0x2] =	stream.indirect.gather [hbm4b:s1+s17], $0x80, s17, s17, $0xb8;
	[tilespmem:$0x8300] =	vst v63  }
0x16f: {  	_ = 	snop  }
0x170: {  	[tilespmem:s21], [sflag:$0x4] =	stream.indirect.gather [hbm4b:s2+s17], $0x1, s17, s17, $0xb8;
	[tilespmem:$0x8300] =	vst v63  }
0x171: {  	_ =	swait.ge [sflag:s22], $0x80  }
0x172: {  	[sflag:s22] =	ssyncset.done $0x0  }
0x173: {  	[sflag:s22] =	ssyncadd.s32 $0xFFFFFF80  }
0x174: {  	v55 =	vld [tilespmem:$0x0]  }
0x175: {  	v56 =	vld [tilespmem:$0x8100]  }
0x176: {  	v57 =	vld [tilespmem:$0x10]  }
0x177: {  	v58 =	vld [tilespmem:$0x8110]  }
0x178: {  	v59 =	vld [tilespmem:$0x8120]  }
0x179: {  	v60 =	vld [tilespmem:$0x8130]  }
0x17a: {  	v61 =	vld [tilespmem:$0x8140]  }
0x17b: {  	v12 =	vld [tilespmem:$0x8170];
	v1 =	vmul.f32 $1.442695020e+00, v56  }
0x17c: {  	v13 =	vld [tilespmem:$0x20];
	v0 =	vcvt.s32.f32 v55  }
0x17d: {  	v62 =	vld [tilespmem:$0x8150];
	v2 =	vcvt.s32.f32 v57;
	(erf) = vpow2.f32 v1  }
0x17e: {  	v63 =	vld [tilespmem:$0x8160];
	v3 =	vmul.f32 $1.442695020e+00, v58;
	v4 =	vmul.f32 $1.442695020e+00, v59  }
0x17f: {  	v5 =	vmul.f32 $1.442695020e+00, v60;
	v6 =	vmul.f32 $1.442695020e+00, v61  }
0x180: {  	v14 =	vld [tilespmem:$0x30];
	v7 =	vmul.f32 $1.442695020e+00, v12;
	(erf) = vpow2.f32 v3  }
0x181: {  	v15 =	vld [tilespmem:$0x40];
	v8 =	vcvt.s32.f32 v13;
	(erf) = vpow2.f32 v4  }
0x182: {  	v16 =	vld [tilespmem:$0x50];
	v0 =	vadd.f32 $1.000000000e+00, v0;
	v1 =	vmul.f32 $1.442695020e+00, v62;
	(erf) = vpow2.f32 v5  }
0x183: {  	v17 =	vld [tilespmem:$0x60];
	v3 =	vmul.f32 $1.442695020e+00, v63;
	(erf) = vpow2.f32 v6  }
0x184: {  	v2 =	vadd.f32 $1.000000000e+00, v2;
	v0 =	vmul.f32 $1.209014590e-04, v0;
	(erf) = vpow2.f32 v1  }
0x185: {  	v18 =	vld [tilespmem:$0x70];
	v8 =	vadd.f32 $1.000000000e+00, v8;
	v4 =	vcvt.s32.f32 v14;
	(erf) = vpow2.f32 v3  }
0x186: {  	v2 =	vmul.f32 $1.209014590e-04, v2;
	v19 =	vpop (erf);
	(erf) = vpow2.f32 v7  }
0x187: {  	v21 =	vmul.f32 $1.209014590e-04, v8;
	v5 =	vcvt.s32.f32 v15;
	v4 =	vadd.f32 $1.000000000e+00, v4  }
0x188: {  	v6 =	vcvt.s32.f32 v16;
	v1 =	vcvt.s32.f32 v17  }
0x189: {  	v5 =	vadd.f32 $1.000000000e+00, v5;
	v4 =	vmul.f32 $1.209014590e-04, v4;
	v0 =	vmul.f32 v19, v0;
	v20 =	vpop (erf)  }
0x18a: {  	v6 =	vadd.f32 $1.000000000e+00, v6;
	v3 =	vcvt.s32.f32 v18;
	v2 =	vmul.f32 v20, v2;
	v22 =	vpop (erf)  }
0x18b: {  	v5 =	vmul.f32 $1.209014590e-04, v5;
	v1 =	vadd.f32 $1.000000000e+00, v1;
	[tilespmem:$0x8200] =	vst v0;
	v23 =	vmul.f32 v22, v21;
	v24 =	vpop (erf)  }
0x18c: {  	v6 =	vmul.f32 $1.209014590e-04, v6;
	v3 =	vadd.f32 $1.000000000e+00, v3;
	[tilespmem:$0x8210] =	vst v2;
	v25 =	vmul.f32 v24, v4;
	v26 =	vpop (erf)  }
0x18d: {  	v1 =	vmul.f32 $1.209014590e-04, v1;
	[tilespmem:$0x8220] =	vst v23;
	v27 =	vmul.f32 v26, v5;
	v28 =	vpop (erf)  }
0x18e: {  	v3 =	vmul.f32 $1.209014590e-04, v3;
	[tilespmem:$0x8230] =	vst v25;
	v29 =	vmul.f32 v28, v6;
	v30 =	vpop (erf)  }
0x18f: {  	[tilespmem:$0x8240] =	vst v27;
	v31 =	vmul.f32 v30, v1;
	v32 =	vpop (erf)  }
0x190: {  	[tilespmem:$0x8250] =	vst v29;
	v1 =	vmul.f32 v32, v3  }
0x191: {  	[tilespmem:$0x8260] =	vst v31  }
0x192: {  	[tilespmem:$0x8270] =	vst v1  }
0x193: {  	_ =	swait.ge [sflag:s23], $0x4000  }
0x194: {  	[sflag:s23] =	ssyncset.done $0x0  }
0x195: {  	[sflag:s23] =	ssyncadd.s32 $0xFFFFC000  }
0x196: {  	[hbm4b:s11+s4] =	stream.linear.scatter [tilespmem:s18], [sflag:$0x5], $0x4000, $0x38;
	[tilespmem:$0x8300] =	vst v63  }
0x197: {  	_ = 	snop  }
0x198: {  	[hbm4b:s12+s4] =	stream.linear.scatter [tilespmem:s24], [sflag:$0x7], $0x80, $0x38;
	[tilespmem:$0x8300] =	vst v63  }
0x199: {  	_ =	swait.ge [sflag:s28], $0x80  }
0x19a: {  	[sflag:s28] =	ssyncset.done $0x0  }
0x19b: {  	[sflag:s28] =	ssyncadd.s32 $0xFFFFFF80  }
0x19c: {  	v33 =	vld [tilespmem:$0x80]  }
0x19d: {  	v34 =	vld [tilespmem:$0x8180]  }
0x19e: {  	v35 =	vld [tilespmem:$0x90]  }
0x19f: {  	v36 =	vld [tilespmem:$0x8190]  }
0x1a0: {  	v37 =	vld [tilespmem:$0x81A0]  }
0x1a1: {  	v38 =	vld [tilespmem:$0x81B0]  }
0x1a2: {  	v39 =	vld [tilespmem:$0x81C0]  }
0x1a3: {  	v42 =	vld [tilespmem:$0x81F0];
	v1 =	vmul.f32 $1.442695020e+00, v34  }
0x1a4: {  	v43 =	vld [tilespmem:$0xA0];
	v0 =	vcvt.s32.f32 v33  }
0x1a5: {  	v40 =	vld [tilespmem:$0x81D0];
	v2 =	vcvt.s32.f32 v35;
	(erf) = vpow2.f32 v1  }
0x1a6: {  	v41 =	vld [tilespmem:$0x81E0];
	v3 =	vmul.f32 $1.442695020e+00, v36;
	v4 =	vmul.f32 $1.442695020e+00, v37  }
0x1a7: {  	v5 =	vmul.f32 $1.442695020e+00, v38;
	v6 =	vmul.f32 $1.442695020e+00, v39  }
0x1a8: {  	v44 =	vld [tilespmem:$0xB0];
	v7 =	vmul.f32 $1.442695020e+00, v42;
	(erf) = vpow2.f32 v3  }
0x1a9: {  	v45 =	vld [tilespmem:$0xC0];
	v8 =	vcvt.s32.f32 v43;
	(erf) = vpow2.f32 v4  }
0x1aa: {  	v46 =	vld [tilespmem:$0xD0];
	v0 =	vadd.f32 $1.000000000e+00, v0;
	v1 =	vmul.f32 $1.442695020e+00, v40;
	(erf) = vpow2.f32 v5  }
0x1ab: {  	v47 =	vld [tilespmem:$0xE0];
	v3 =	vmul.f32 $1.442695020e+00, v41;
	(erf) = vpow2.f32 v6  }
0x1ac: {  	v2 =	vadd.f32 $1.000000000e+00, v2;
	v0 =	vmul.f32 $1.209014590e-04, v0;
	(erf) = vpow2.f32 v1  }
0x1ad: {  	v48 =	vld [tilespmem:$0xF0];
	v8 =	vadd.f32 $1.000000000e+00, v8;
	v4 =	vcvt.s32.f32 v44;
	(erf) = vpow2.f32 v3  }
0x1ae: {  	v2 =	vmul.f32 $1.209014590e-04, v2;
	v49 =	vpop (erf);
	(erf) = vpow2.f32 v7  }
0x1af: {  	v51 =	vmul.f32 $1.209014590e-04, v8;
	v5 =	vcvt.s32.f32 v45;
	v4 =	vadd.f32 $1.000000000e+00, v4  }
0x1b0: {  	v6 =	vcvt.s32.f32 v46;
	v1 =	vcvt.s32.f32 v47  }
0x1b1: {  	v5 =	vadd.f32 $1.000000000e+00, v5;
	v4 =	vmul.f32 $1.209014590e-04, v4;
	v50 =	vpop (erf);
	v0 =	vmul.f32 v49, v0  }
0x1b2: {  	v6 =	vadd.f32 $1.000000000e+00, v6;
	v3 =	vcvt.s32.f32 v48;
	v2 =	vmul.f32 v50, v2;
	v52 =	vpop (erf)  }
0x1b3: {  	v5 =	vmul.f32 $1.209014590e-04, v5;
	v1 =	vadd.f32 $1.000000000e+00, v1;
	v53 =	vpop (erf);
	[tilespmem:$0x8280] =	vst v0;
	v54 =	vmul.f32 v52, v51  }
0x1b4: {  	v57 =	vmul.f32 $1.209014590e-04, v6;
	v3 =	vadd.f32 $1.000000000e+00, v3;
	v55 =	vpop (erf);
	[tilespmem:$0x8290] =	vst v2;
	v56 =	vmul.f32 v53, v4  }
0x1b5: {  	v1 =	vmul.f32 $1.209014590e-04, v1;
	v58 =	vpop (erf);
	[tilespmem:$0x82A0] =	vst v54;
	v59 =	vmul.f32 v55, v5  }
0x1b6: {  	v3 =	vmul.f32 $1.209014590e-04, v3;
	v60 =	vpop (erf);
	[tilespmem:$0x82B0] =	vst v56;
	v61 =	vmul.f32 v58, v57  }
0x1b7: {  	[tilespmem:$0x82C0] =	vst v59;
	v62 =	vmul.f32 v60, v1;
	v63 =	vpop (erf)  }
0x1b8: {  	[tilespmem:$0x82D0] =	vst v61;
	v1 =	vmul.f32 v63, v3  }
0x1b9: {  	[tilespmem:$0x82E0] =	vst v62  }
0x1ba: {  	[tilespmem:$0x82F0] =	vst v1  }
0x1bb: {  	_ =	swait.ge [sflag:s29], $0x4000  }
0x1bc: {  	[sflag:s29] =	ssyncset.done $0x0  }
0x1bd: {  	[sflag:s29] =	ssyncadd.s32 $0xFFFFC000  }
0x1be: {  	[hbm4b:s13+s4] =	stream.linear.scatter [tilespmem:s20], [sflag:$0x6], $0x4000, $0x38;
	[tilespmem:$0x8300] =	vst v63  }
0x1bf: {  	_ = 	snop  }
0x1c0: {  	[hbm4b:s14+s4] =	stream.linear.scatter [tilespmem:s30], [sflag:$0x8], $0x80, $0x38;
	[tilespmem:$0x8300] =	vst v63  }
0x1c1: {  	_ =	swait.ge [sflag:s25], $0x4000  }
0x1c2: {  	[sflag:s25] =	ssyncset.done $0x0  }
0x1c3: {  	[sflag:s25] =	ssyncadd.s32 $0xFFFFC000  }
0x1c4: {  	_ =	swait.ge [sflag:s26], $0x80  }
0x1c5: {  	[sflag:s26] =	ssyncset.done $0x0  }
0x1c6: {  	[sflag:s26] =	ssyncadd.s32 $0xFFFFFF80  }
0x1c7: {  	p0 =	sne.s32 s15, $0x1;
	_ =	swait.ge [sflag:s31], $0x4000  }
.Ltmp0:
0x1c8: {  	[sflag:s31] =	ssyncset.done $0x0;
	(pc) =	sbr.rel @p0 .LBB2_1-.Ltmp0, $4  }
0x1c9: {  	[sflag:s31] =	ssyncadd.s32 $0xFFFFC000  }
0x1ca: {  	_ =	swait.ge [sflag:s0], $0x80  }
0x1cb: {  	[sflag:s0] =	ssyncset.done $0x0  }
0x1cc: {  	s15 =	sadd.s32 $0xFFFFFFFF, s15;
	[sflag:s0] =	ssyncadd.s32 $0xFFFFFF80  }
0x1cd: {  	_ =	sfence.sel $0x180000  }
0x1ce: {  	[bflag:$0x0] =	sbarrier.arrive $0xFFFF  }
0x1cf: {  	_ =	strace $0x90000047  }
0x1d0: {  	s0 =	stileid.u32;
	[bflag:$0x2] =	sbarrier.arrive $0xFFFF  }
0x1d1: {  	p0 =	sne.s32 s0, $0x0;
	s0 =	rddreg [dreg:$0x3]  }
0x1d2: {  	s0 =	sadd.s32 @!p0 $0x100000, s0  }
0x1d3: {  	[sflag:s0] =	ssyncadd.tile.s32 @!p0 $0x1;
	_ =	shalt  }
.Lfunc_end2:
_tile_overlayer_lowered:
.L_overlay_start_2:
0x1d4: {  	(tag) =	ssettag $0x2  }
0x1d5: {  	s0 =	rddreg [dreg:$0x0];
	s2 =	stileid.u32  }
0x1d6: {  	s1 =	rddreg [dreg:$0x1];
	p0 =	sne.s32 s2, $0x0  }
0x1d7: {  	s3 =	rddreg [dreg:$0x2];
	[bflag:$0x3] =	sbarrier.arrive $0xFFFF;
	s2 =	simm.s32 @!p0 $0x1C09  }
0x1d8: {  	[timem:s3], [sflag:s2] =	dma.local @!p0 [hbm:s0], s1  }
0x1d9: {  	s0 =	simm.s32 @!p0 $0x9  }
0x1da: {  	_ =	swait.ge @!p0 [sflag:s0], s1  }
0x1db: {  	s1 =	ssub.s32 @!p0 $0x0, s1;
	[sflag:s0] =	ssyncset.done @!p0 $0x0  }
0x1dc: {  	[sflag:s0] =	ssyncadd.s32 @!p0 s1  }
0x1dd: {  	[bflag:$0x3] =	sbarrier.arrive $0xFFFF  }
0x1de: {  	_ =	shalt  }

</sc_bundles>
